<compile_context>
chip_gen: v7x
topology: tpu7x:2x2x1
jax: 0.10.2.dev20260603
libtpu: 0.0.44.dev20260713+nightly
codegen_flags: <defaults>
</compile_context>

<pallas_src>
import jax
import jax.numpy as jnp
from jax import lax
from jax.experimental import pallas as pl
from jax.experimental.pallas import tpu as pltpu
from jax.experimental.pallas import tpu_sc as plsc

B = 16384
L = 20
D = 64
L2 = 2 * L
D2 = D // 2
NH = D2 // 16
NC = 2
NS = 16
LANES = 16
NW = NC * NS
PER_W = B // NW
C = 16
NCH = PER_W // C
IDS = C * L2
WIDS = PER_W * L2


def _body(ix_hbm, iy_hbm, tab_hbm, out_hbm,
          ixa, iya, rxv0, rxv1, ryv0, ryv1,
          stage, oacc, sem0, sem1):
    wid = lax.axis_index("s") * NC + lax.axis_index("c")
    lane = lax.iota(jnp.int32, LANES)
    rxv = (rxv0, rxv1)
    ryv = (ryv0, ryv1)
    sems = (sem0, sem1)

    pltpu.sync_copy(ix_hbm.at[pl.ds(wid * WIDS, WIDS)], ixa)
    pltpu.sync_copy(iy_hbm.at[pl.ds(wid * WIDS, WIDS)], iya)

    def fire(ch, b):
        pltpu.async_copy(tab_hbm.at[ixa.at[pl.ds(ch * IDS, IDS)]], rxv[b], sems[b])
        pltpu.async_copy(tab_hbm.at[iya.at[pl.ds(ch * IDS, IDS)]], ryv[b], sems[b])

    def drain(b):
        pltpu.make_async_copy(tab_hbm.at[pl.ds(0, IDS), :], rxv[b], sems[b]).wait()
        pltpu.make_async_copy(tab_hbm.at[pl.ds(0, IDS), :], ryv[b], sems[b]).wait()

    def step(ch, b):
        nxt = ch + 1

        @pl.when(nxt < NCH)
        def _():
            fire(nxt, 1 - b)

        drain(b)
        rx, ry = rxv[b], ryv[b]

        def row(r, rcarry):
            base = r * L2
            axe = [rx[base, pl.ds(h * LANES, LANES)] for h in range(NH)]
            axo = [rx[base + 1, pl.ds(h * LANES, LANES)] for h in range(NH)]
            aye = [ry[base, pl.ds(h * LANES, LANES)] for h in range(NH)]
            ayo = [ry[base + 1, pl.ds(h * LANES, LANES)] for h in range(NH)]
            for l in range(1, L):
                for h in range(NH):
                    axe[h] = axe[h] + rx[base + 2 * l, pl.ds(h * LANES, LANES)]
                    axo[h] = axo[h] + rx[base + 2 * l + 1, pl.ds(h * LANES, LANES)]
                    aye[h] = aye[h] + ry[base + 2 * l, pl.ds(h * LANES, LANES)]
                    ayo[h] = ayo[h] + ry[base + 2 * l + 1, pl.ds(h * LANES, LANES)]
            dot = (axe[0] * aye[0] + axo[0] * ayo[0]) + \
                  (axe[1] * aye[1] + axo[1] * ayo[1])
            stage[r, :] = dot
            return rcarry

        lax.fori_loop(0, C, row, 0)

        dot = plsc.load_gather(stage, [lane, lax.broadcast(0, (LANES,))])
        for j in range(1, LANES):
            dot = dot + plsc.load_gather(stage, [lane, lax.broadcast(j, (LANES,))])
        y = 1.0 / (1.0 + jnp.exp(-dot))
        oacc[pl.ds(ch * C, C)] = y

    fire(0, 0)

    def pair(i, carry):
        step(2 * i, 0)
        step(2 * i + 1, 1)
        return carry

    lax.fori_loop(0, NCH // 2, pair, 0)
    pltpu.sync_copy(oacc, out_hbm.at[pl.ds(wid * PER_W, PER_W)])


def kernel(idx_x, idx_y, table):
    v = table.shape[0]

    def dbl(idx):
        i2 = idx.astype(jnp.int32) * 2
        return jnp.stack([i2, i2 + 1], axis=-1).reshape(-1)

    ix = dbl(idx_x)
    iy = dbl(idx_y)
    tb = table.reshape(2 * v, D2)
    mesh = plsc.VectorSubcoreMesh(core_axis_name="c", subcore_axis_name="s")
    f = pl.kernel(
        _body,
        out_type=jax.ShapeDtypeStruct((B,), jnp.float32),
        mesh=mesh,
        compiler_params=pltpu.CompilerParams(
            needs_layout_passes=False, use_tc_tiling_on_sc=False),
        scratch_types=[
            pltpu.VMEM((WIDS,), jnp.int32),
            pltpu.VMEM((WIDS,), jnp.int32),
            pltpu.VMEM((IDS, D2), jnp.float32),
            pltpu.VMEM((IDS, D2), jnp.float32),
            pltpu.VMEM((IDS, D2), jnp.float32),
            pltpu.VMEM((IDS, D2), jnp.float32),
            pltpu.VMEM((C, LANES), jnp.float32),
            pltpu.VMEM((PER_W,), jnp.float32),
            pltpu.SemaphoreType.DMA,
            pltpu.SemaphoreType.DMA,
        ],
    )
    return f(ix, iy, tb)

# --- scband reference (transcript-rebuilt; emitter-appended) ---
"""Pipeline reference for scband-property-skipgram-model-86397562127212 (READ-ONLY COPY).

The authoritative reference and input builder live on the scoring server;
editing this copy changes nothing except your own understanding.
"""

import jax, jax.numpy as jnp
import numpy as np

B = 16384
L = 20
VOCAB = 1000000
D = 64

def setup_inputs(seed: int = 0) -> dict:
    key = jax.random.key(seed)
    k1, k2, k3 = jax.random.split(key, 3)
    idx_x = jax.random.randint(k1, (B, L), 0, VOCAB, dtype=jnp.int64 if jax.config.jax_enable_x64 else jnp.int32)
    idx_y = jax.random.randint(k2, (B, L), 0, VOCAB, dtype=jnp.int64 if jax.config.jax_enable_x64 else jnp.int32)
    table = jax.random.normal(k3, (VOCAB, D), dtype=jnp.float32) * 0.02
    return {"idx_x": idx_x, "idx_y": idx_y, "table": table}

def reference(idx_x, idx_y, table):
    # PropertyEmbedding: EmbeddingBag(mode='sum') over each ngram bag.
    # Ragged bags are represented as fixed-length bags of L ngram ids.
    ex = jnp.take(table, idx_x, axis=0).sum(axis=1)  # [B, D]
    ey = jnp.take(table, idx_y, axis=0).sum(axis=1)  # [B, D]
    # Skipgram score: sigmoid of dot product between left/right bag embeddings.
    y_pred = jax.nn.sigmoid((ex * ey).sum(-1))  # [B]
    return y_pred

if __name__ == "__main__":
    import jax
    _d = setup_inputs()
    print(jax.jit(kernel)(*tuple(_d.values())))

</pallas_src>

<mosaic_0001>
#map = affine_map<(d0, d1) -> (0)>
#map1 = affine_map<(d0, d1) -> (0, 0)>
module attributes {stable_mosaic.version = 14 : i64} {
  func.func @_body(%arg0: i32, %arg1: i32, %arg2: memref<655360xi32, #tpu.memory_space<hbm>>, %arg3: memref<655360xi32, #tpu.memory_space<hbm>>, %arg4: memref<2000000x32xf32, #tpu.memory_space<hbm>>, %arg5: memref<16384xf32, #tpu.memory_space<hbm>>, %arg6: memref<20480xi32, #tpu.memory_space<vmem>>, %arg7: memref<20480xi32, #tpu.memory_space<vmem>>, %arg8: memref<640x32xf32, #tpu.memory_space<vmem>>, %arg9: memref<640x32xf32, #tpu.memory_space<vmem>>, %arg10: memref<640x32xf32, #tpu.memory_space<vmem>>, %arg11: memref<640x32xf32, #tpu.memory_space<vmem>>, %arg12: memref<16x16xf32, #tpu.memory_space<vmem>>, %arg13: memref<512xf32, #tpu.memory_space<vmem>>, %arg14: memref<!tpu.dma_semaphore, #tpu.memory_space<semaphore_mem>>, %arg15: memref<!tpu.dma_semaphore, #tpu.memory_space<semaphore_mem>>) attributes {dimension_semantics = [#tpu.dimension_semantics<core_parallel>, #tpu.dimension_semantics<subcore_parallel>], iteration_bounds = array<i64: 2, 16>, scalar_prefetch = 0 : i64, scratch_operands = 10 : i64, tpu.core_type = #tpu.core_type<sc_vector_subcore>, window_params = [{transform_indices = #map}, {transform_indices = #map}, {transform_indices = #map1}, {transform_indices = #map}]} {
    %mul3A = arith.constant 2 : i32
    %mul3A_0 = arith.muli %arg1, %mul3A : i32
    %add3A = arith.addi %mul3A_0, %arg0 : i32
    %iota3A = tpu.iota {dimensions = array<i32: 0>} : vector<16xi32>
    %mul3A_1 = arith.constant 20480 : i32
    %mul3A_2 = arith.muli %add3A, %mul3A_1 : i32
    "tpu.region"() ({
      %run_scoped3A = tpu.sem_alloc : memref<!tpu.dma_semaphore, #tpu.memory_space<semaphore_mem>>
      %dma_start3A_21 = tpu.memref_slice %arg2[%mul3A_2] : memref<655360xi32, #tpu.memory_space<hbm>> -> memref<20480xi32, #tpu.memory_space<hbm>>
      %dma_start3A_22 = tpu.memref_slice %arg2[%mul3A_2] : memref<655360xi32, #tpu.memory_space<hbm>> -> memref<20480xi32, #tpu.memory_space<hbm>>
      tpu.enqueue_dma source(%dma_start3A_22 : memref<20480xi32, #tpu.memory_space<hbm>>) target(%arg6 : memref<20480xi32, #tpu.memory_space<vmem>>) target_semaphore(%run_scoped3A : memref<!tpu.dma_semaphore, #tpu.memory_space<semaphore_mem>>)
      %dma_wait3A = tpu.memref_slice %arg2[%mul3A_2] : memref<655360xi32, #tpu.memory_space<hbm>> -> memref<20480xi32, #tpu.memory_space<hbm>>
      %dma_wait3A_23 = tpu.memref_slice %arg2[%mul3A_2] : memref<655360xi32, #tpu.memory_space<hbm>> -> memref<20480xi32, #tpu.memory_space<hbm>>
      tpu.wait_dma2 semaphore(%run_scoped3A : memref<!tpu.dma_semaphore, #tpu.memory_space<semaphore_mem>>) src(%dma_wait3A_23 : memref<20480xi32, #tpu.memory_space<hbm>>) dst(%arg6 : memref<20480xi32, #tpu.memory_space<vmem>>)
      tpu.yield
    }) : () -> ()
    %mul3A_3 = arith.constant 20480 : i32
    %mul3A_4 = arith.muli %add3A, %mul3A_3 : i32
    "tpu.region"() ({
      %run_scoped3A = tpu.sem_alloc : memref<!tpu.dma_semaphore, #tpu.memory_space<semaphore_mem>>
      %dma_start3A_21 = tpu.memref_slice %arg3[%mul3A_4] : memref<655360xi32, #tpu.memory_space<hbm>> -> memref<20480xi32, #tpu.memory_space<hbm>>
      %dma_start3A_22 = tpu.memref_slice %arg3[%mul3A_4] : memref<655360xi32, #tpu.memory_space<hbm>> -> memref<20480xi32, #tpu.memory_space<hbm>>
      tpu.enqueue_dma source(%dma_start3A_22 : memref<20480xi32, #tpu.memory_space<hbm>>) target(%arg7 : memref<20480xi32, #tpu.memory_space<vmem>>) target_semaphore(%run_scoped3A : memref<!tpu.dma_semaphore, #tpu.memory_space<semaphore_mem>>)
      %dma_wait3A = tpu.memref_slice %arg3[%mul3A_4] : memref<655360xi32, #tpu.memory_space<hbm>> -> memref<20480xi32, #tpu.memory_space<hbm>>
      %dma_wait3A_23 = tpu.memref_slice %arg3[%mul3A_4] : memref<655360xi32, #tpu.memory_space<hbm>> -> memref<20480xi32, #tpu.memory_space<hbm>>
      tpu.wait_dma2 semaphore(%run_scoped3A : memref<!tpu.dma_semaphore, #tpu.memory_space<semaphore_mem>>) src(%dma_wait3A_23 : memref<20480xi32, #tpu.memory_space<hbm>>) dst(%arg7 : memref<20480xi32, #tpu.memory_space<vmem>>)
      tpu.yield
    }) : () -> ()
    %dma_start3A = arith.constant 0 : i32
    %dma_start3A_5 = tpu.memref_slice %arg6[%dma_start3A] : memref<20480xi32, #tpu.memory_space<vmem>> -> memref<640xi32, #tpu.memory_space<vmem>>
    %dma_start3A_6 = arith.constant 0 : i32
    %dma_start3A_7 = arith.constant 0 : i32
    %dma_start3A_8 = tpu.memref_slice %arg4[%dma_start3A_6, %dma_start3A_7] : memref<2000000x32xf32, #tpu.memory_space<hbm>> -> memref<2000000x32xf32, #tpu.memory_space<hbm>>
    tpu.enqueue_indirect_dma source(%dma_start3A_8 : memref<2000000x32xf32, #tpu.memory_space<hbm>>) target(%arg8 : memref<640x32xf32, #tpu.memory_space<vmem>>) offsets(%dma_start3A_5 : memref<640xi32, #tpu.memory_space<vmem>>) semaphore(%arg14 : memref<!tpu.dma_semaphore, #tpu.memory_space<semaphore_mem>>)
    %dma_start3A_9 = arith.constant 0 : i32
    %dma_start3A_10 = tpu.memref_slice %arg7[%dma_start3A_9] : memref<20480xi32, #tpu.memory_space<vmem>> -> memref<640xi32, #tpu.memory_space<vmem>>
    %dma_start3A_11 = arith.constant 0 : i32
    %dma_start3A_12 = arith.constant 0 : i32
    %dma_start3A_13 = tpu.memref_slice %arg4[%dma_start3A_11, %dma_start3A_12] : memref<2000000x32xf32, #tpu.memory_space<hbm>> -> memref<2000000x32xf32, #tpu.memory_space<hbm>>
    tpu.enqueue_indirect_dma source(%dma_start3A_13 : memref<2000000x32xf32, #tpu.memory_space<hbm>>) target(%arg10 : memref<640x32xf32, #tpu.memory_space<vmem>>) offsets(%dma_start3A_10 : memref<640xi32, #tpu.memory_space<vmem>>) semaphore(%arg14 : memref<!tpu.dma_semaphore, #tpu.memory_space<semaphore_mem>>)
    %scan3A = arith.constant 0 : i32
    %scan3A_14 = arith.constant 0 : i32
    %scan3A_15 = arith.constant 16 : i32
    %scan3A_16 = arith.addi %scan3A_14, %scan3A_15 : i32
    %scan3A_17 = arith.constant 1 : i32
    scf.for %scan3A_21 = %scan3A_14 to %scan3A_16 step %scan3A_17  : i32 {
      %mul3A_22 = arith.constant 2 : i32
      %mul3A_23 = arith.muli %mul3A_22, %scan3A_21 : i32
      %add3A_24 = arith.constant 1 : i32
      %add3A_25 = arith.addi %mul3A_23, %add3A_24 : i32
      %lt3A = arith.constant 32 : i32
      %lt3A_26 = arith.cmpi slt, %add3A_25, %lt3A : i32
      %convert_element_type3A = arith.extui %lt3A_26 : i1 to i32
      %cond3A = arith.constant 0 : i32
      %cond3A_27 = arith.cmpi ne, %convert_element_type3A, %cond3A : i32
      scf.if %cond3A_27 {
        %mul3A_222 = arith.constant 640 : i32
        %mul3A_223 = arith.muli %add3A_25, %mul3A_222 : i32
        %dma_start3A_224 = tpu.memref_slice %arg6[%mul3A_223] : memref<20480xi32, #tpu.memory_space<vmem>> -> memref<640xi32, #tpu.memory_space<vmem>>
        %dma_start3A_225 = arith.constant 0 : i32
        %dma_start3A_226 = arith.constant 0 : i32
        %dma_start3A_227 = tpu.memref_slice %arg4[%dma_start3A_225, %dma_start3A_226] : memref<2000000x32xf32, #tpu.memory_space<hbm>> -> memref<2000000x32xf32, #tpu.memory_space<hbm>>
        tpu.enqueue_indirect_dma source(%dma_start3A_227 : memref<2000000x32xf32, #tpu.memory_space<hbm>>) target(%arg9 : memref<640x32xf32, #tpu.memory_space<vmem>>) offsets(%dma_start3A_224 : memref<640xi32, #tpu.memory_space<vmem>>) semaphore(%arg15 : memref<!tpu.dma_semaphore, #tpu.memory_space<semaphore_mem>>)
        %mul3A_228 = arith.constant 640 : i32
        %mul3A_229 = arith.muli %add3A_25, %mul3A_228 : i32
        %dma_start3A_230 = tpu.memref_slice %arg7[%mul3A_229] : memref<20480xi32, #tpu.memory_space<vmem>> -> memref<640xi32, #tpu.memory_space<vmem>>
        %dma_start3A_231 = arith.constant 0 : i32
        %dma_start3A_232 = arith.constant 0 : i32
        %dma_start3A_233 = tpu.memref_slice %arg4[%dma_start3A_231, %dma_start3A_232] : memref<2000000x32xf32, #tpu.memory_space<hbm>> -> memref<2000000x32xf32, #tpu.memory_space<hbm>>
        tpu.enqueue_indirect_dma source(%dma_start3A_233 : memref<2000000x32xf32, #tpu.memory_space<hbm>>) target(%arg11 : memref<640x32xf32, #tpu.memory_space<vmem>>) offsets(%dma_start3A_230 : memref<640xi32, #tpu.memory_space<vmem>>) semaphore(%arg15 : memref<!tpu.dma_semaphore, #tpu.memory_space<semaphore_mem>>)
      } else {
      }
      %dma_wait3A = arith.constant 0 : i32
      %dma_wait3A_28 = arith.constant 0 : i32
      %dma_wait3A_29 = tpu.memref_slice %arg4[%dma_wait3A, %dma_wait3A_28] : memref<2000000x32xf32, #tpu.memory_space<hbm>> -> memref<640x32xf32, #tpu.memory_space<hbm>>
      %dma_wait3A_30 = arith.constant 0 : i32
      %dma_wait3A_31 = arith.constant 0 : i32
      %dma_wait3A_32 = tpu.memref_slice %arg4[%dma_wait3A_30, %dma_wait3A_31] : memref<2000000x32xf32, #tpu.memory_space<hbm>> -> memref<640x32xf32, #tpu.memory_space<hbm>>
      tpu.wait_dma2 semaphore(%arg14 : memref<!tpu.dma_semaphore, #tpu.memory_space<semaphore_mem>>) src(%dma_wait3A_32 : memref<640x32xf32, #tpu.memory_space<hbm>>) dst(%arg8 : memref<640x32xf32, #tpu.memory_space<vmem>>)
      %dma_wait3A_33 = arith.constant 0 : i32
      %dma_wait3A_34 = arith.constant 0 : i32
      %dma_wait3A_35 = tpu.memref_slice %arg4[%dma_wait3A_33, %dma_wait3A_34] : memref<2000000x32xf32, #tpu.memory_space<hbm>> -> memref<640x32xf32, #tpu.memory_space<hbm>>
      %dma_wait3A_36 = arith.constant 0 : i32
      %dma_wait3A_37 = arith.constant 0 : i32
      %dma_wait3A_38 = tpu.memref_slice %arg4[%dma_wait3A_36, %dma_wait3A_37] : memref<2000000x32xf32, #tpu.memory_space<hbm>> -> memref<640x32xf32, #tpu.memory_space<hbm>>
      tpu.wait_dma2 semaphore(%arg14 : memref<!tpu.dma_semaphore, #tpu.memory_space<semaphore_mem>>) src(%dma_wait3A_38 : memref<640x32xf32, #tpu.memory_space<hbm>>) dst(%arg10 : memref<640x32xf32, #tpu.memory_space<vmem>>)
      %scan3A_39 = arith.constant 0 : i32
      %scan3A_40 = arith.constant 0 : i32
      %scan3A_41 = arith.constant 16 : i32
      %scan3A_42 = arith.addi %scan3A_40, %scan3A_41 : i32
      %scan3A_43 = arith.constant 1 : i32
      scf.for %scan3A_222 = %scan3A_40 to %scan3A_42 step %scan3A_43  : i32 {
        %mul3A_223 = arith.constant 40 : i32
        %mul3A_224 = arith.muli %scan3A_222, %mul3A_223 : i32
        %get3A = arith.index_cast %mul3A_224 : i32 to index
        %get3A_225 = arith.constant 0 : index
        %get3A_226 = tpu.vector_load %arg8[%get3A, %get3A_225] {strides = array<i32>} : memref<640x32xf32, #tpu.memory_space<vmem>>, vector<16xf32>,
        %get3A_227 = arith.index_cast %mul3A_224 : i32 to index
        %get3A_228 = arith.constant 16 : index
        %get3A_229 = tpu.vector_load %arg8[%get3A_227, %get3A_228] {strides = array<i32>} : memref<640x32xf32, #tpu.memory_space<vmem>>, vector<16xf32>,
        %add3A_230 = arith.constant 1 : i32
        %add3A_231 = arith.addi %mul3A_224, %add3A_230 : i32
        %get3A_232 = arith.index_cast %add3A_231 : i32 to index
        %get3A_233 = arith.constant 0 : index
        %get3A_234 = tpu.vector_load %arg8[%get3A_232, %get3A_233] {strides = array<i32>} : memref<640x32xf32, #tpu.memory_space<vmem>>, vector<16xf32>,
        %add3A_235 = arith.constant 1 : i32
        %add3A_236 = arith.addi %mul3A_224, %add3A_235 : i32
        %get3A_237 = arith.index_cast %add3A_236 : i32 to index
        %get3A_238 = arith.constant 16 : index
        %get3A_239 = tpu.vector_load %arg8[%get3A_237, %get3A_238] {strides = array<i32>} : memref<640x32xf32, #tpu.memory_space<vmem>>, vector<16xf32>,
        %get3A_240 = arith.index_cast %mul3A_224 : i32 to index
        %get3A_241 = arith.constant 0 : index
        %get3A_242 = tpu.vector_load %arg10[%get3A_240, %get3A_241] {strides = array<i32>} : memref<640x32xf32, #tpu.memory_space<vmem>>, vector<16xf32>,
        %get3A_243 = arith.index_cast %mul3A_224 : i32 to index
        %get3A_244 = arith.constant 16 : index
        %get3A_245 = tpu.vector_load %arg10[%get3A_243, %get3A_244] {strides = array<i32>} : memref<640x32xf32, #tpu.memory_space<vmem>>, vector<16xf32>,
        %add3A_246 = arith.constant 1 : i32
        %add3A_247 = arith.addi %mul3A_224, %add3A_246 : i32
        %get3A_248 = arith.index_cast %add3A_247 : i32 to index
        %get3A_249 = arith.constant 0 : index
        %get3A_250 = tpu.vector_load %arg10[%get3A_248, %get3A_249] {strides = array<i32>} : memref<640x32xf32, #tpu.memory_space<vmem>>, vector<16xf32>,
        %add3A_251 = arith.constant 1 : i32
        %add3A_252 = arith.addi %mul3A_224, %add3A_251 : i32
        %get3A_253 = arith.index_cast %add3A_252 : i32 to index
        %get3A_254 = arith.constant 16 : index
        %get3A_255 = tpu.vector_load %arg10[%get3A_253, %get3A_254] {strides = array<i32>} : memref<640x32xf32, #tpu.memory_space<vmem>>, vector<16xf32>,
        %add3A_256 = arith.constant 2 : i32
        %add3A_257 = arith.addi %mul3A_224, %add3A_256 : i32
        %get3A_258 = arith.index_cast %add3A_257 : i32 to index
        %get3A_259 = arith.constant 0 : index
        %get3A_260 = tpu.vector_load %arg8[%get3A_258, %get3A_259] {strides = array<i32>} : memref<640x32xf32, #tpu.memory_space<vmem>>, vector<16xf32>,
        %add3A_261 = arith.addf %get3A_226, %get3A_260 : vector<16xf32>
        %add3A_262 = arith.constant 2 : i32
        %add3A_263 = arith.addi %mul3A_224, %add3A_262 : i32
        %add3A_264 = arith.constant 1 : i32
        %add3A_265 = arith.addi %add3A_263, %add3A_264 : i32
        %get3A_266 = arith.index_cast %add3A_265 : i32 to index
        %get3A_267 = arith.constant 0 : index
        %get3A_268 = tpu.vector_load %arg8[%get3A_266, %get3A_267] {strides = array<i32>} : memref<640x32xf32, #tpu.memory_space<vmem>>, vector<16xf32>,
        %add3A_269 = arith.addf %get3A_234, %get3A_268 : vector<16xf32>
        %add3A_270 = arith.constant 2 : i32
        %add3A_271 = arith.addi %mul3A_224, %add3A_270 : i32
        %get3A_272 = arith.index_cast %add3A_271 : i32 to index
        %get3A_273 = arith.constant 0 : index
        %get3A_274 = tpu.vector_load %arg10[%get3A_272, %get3A_273] {strides = array<i32>} : memref<640x32xf32, #tpu.memory_space<vmem>>, vector<16xf32>,
        %add3A_275 = arith.addf %get3A_242, %get3A_274 : vector<16xf32>
        %add3A_276 = arith.constant 2 : i32
        %add3A_277 = arith.addi %mul3A_224, %add3A_276 : i32
        %add3A_278 = arith.constant 1 : i32
        %add3A_279 = arith.addi %add3A_277, %add3A_278 : i32
        %get3A_280 = arith.index_cast %add3A_279 : i32 to index
        %get3A_281 = arith.constant 0 : index
        %get3A_282 = tpu.vector_load %arg10[%get3A_280, %get3A_281] {strides = array<i32>} : memref<640x32xf32, #tpu.memory_space<vmem>>, vector<16xf32>,
        %add3A_283 = arith.addf %get3A_250, %get3A_282 : vector<16xf32>
        %add3A_284 = arith.constant 2 : i32
        %add3A_285 = arith.addi %mul3A_224, %add3A_284 : i32
        %get3A_286 = arith.index_cast %add3A_285 : i32 to index
        %get3A_287 = arith.constant 16 : index
        %get3A_288 = tpu.vector_load %arg8[%get3A_286, %get3A_287] {strides = array<i32>} : memref<640x32xf32, #tpu.memory_space<vmem>>, vector<16xf32>,
        %add3A_289 = arith.addf %get3A_229, %get3A_288 : vector<16xf32>
        %add3A_290 = arith.constant 2 : i32
        %add3A_291 = arith.addi %mul3A_224, %add3A_290 : i32
        %add3A_292 = arith.constant 1 : i32
        %add3A_293 = arith.addi %add3A_291, %add3A_292 : i32
        %get3A_294 = arith.index_cast %add3A_293 : i32 to index
        %get3A_295 = arith.constant 16 : index
        %get3A_296 = tpu.vector_load %arg8[%get3A_294, %get3A_295] {strides = array<i32>} : memref<640x32xf32, #tpu.memory_space<vmem>>, vector<16xf32>,
        %add3A_297 = arith.addf %get3A_239, %get3A_296 : vector<16xf32>
        %add3A_298 = arith.constant 2 : i32
        %add3A_299 = arith.addi %mul3A_224, %add3A_298 : i32
        %get3A_300 = arith.index_cast %add3A_299 : i32 to index
        %get3A_301 = arith.constant 16 : index
        %get3A_302 = tpu.vector_load %arg10[%get3A_300, %get3A_301] {strides = array<i32>} : memref<640x32xf32, #tpu.memory_space<vmem>>, vector<16xf32>,
        %add3A_303 = arith.addf %get3A_245, %get3A_302 : vector<16xf32>
        %add3A_304 = arith.constant 2 : i32
        %add3A_305 = arith.addi %mul3A_224, %add3A_304 : i32
        %add3A_306 = arith.constant 1 : i32
        %add3A_307 = arith.addi %add3A_305, %add3A_306 : i32
        %get3A_308 = arith.index_cast %add3A_307 : i32 to index
        %get3A_309 = arith.constant 16 : index
        %get3A_310 = tpu.vector_load %arg10[%get3A_308, %get3A_309] {strides = array<i32>} : memref<640x32xf32, #tpu.memory_space<vmem>>, vector<16xf32>,
        %add3A_311 = arith.addf %get3A_255, %get3A_310 : vector<16xf32>
        %add3A_312 = arith.constant 4 : i32
        %add3A_313 = arith.addi %mul3A_224, %add3A_312 : i32
        %get3A_314 = arith.index_cast %add3A_313 : i32 to index
        %get3A_315 = arith.constant 0 : index
        %get3A_316 = tpu.vector_load %arg8[%get3A_314, %get3A_315] {strides = array<i32>} : memref<640x32xf32, #tpu.memory_space<vmem>>, vector<16xf32>,
        %add3A_317 = arith.addf %add3A_261, %get3A_316 : vector<16xf32>
        %add3A_318 = arith.constant 4 : i32
        %add3A_319 = arith.addi %mul3A_224, %add3A_318 : i32
        %add3A_320 = arith.constant 1 : i32
        %add3A_321 = arith.addi %add3A_319, %add3A_320 : i32
        %get3A_322 = arith.index_cast %add3A_321 : i32 to index
        %get3A_323 = arith.constant 0 : index
        %get3A_324 = tpu.vector_load %arg8[%get3A_322, %get3A_323] {strides = array<i32>} : memref<640x32xf32, #tpu.memory_space<vmem>>, vector<16xf32>,
        %add3A_325 = arith.addf %add3A_269, %get3A_324 : vector<16xf32>
        %add3A_326 = arith.constant 4 : i32
        %add3A_327 = arith.addi %mul3A_224, %add3A_326 : i32
        %get3A_328 = arith.index_cast %add3A_327 : i32 to index
        %get3A_329 = arith.constant 0 : index
        %get3A_330 = tpu.vector_load %arg10[%get3A_328, %get3A_329] {strides = array<i32>} : memref<640x32xf32, #tpu.memory_space<vmem>>, vector<16xf32>,
        %add3A_331 = arith.addf %add3A_275, %get3A_330 : vector<16xf32>
        %add3A_332 = arith.constant 4 : i32
        %add3A_333 = arith.addi %mul3A_224, %add3A_332 : i32
        %add3A_334 = arith.constant 1 : i32
        %add3A_335 = arith.addi %add3A_333, %add3A_334 : i32
        %get3A_336 = arith.index_cast %add3A_335 : i32 to index
        %get3A_337 = arith.constant 0 : index
        %get3A_338 = tpu.vector_load %arg10[%get3A_336, %get3A_337] {strides = array<i32>} : memref<640x32xf32, #tpu.memory_space<vmem>>, vector<16xf32>,
        %add3A_339 = arith.addf %add3A_283, %get3A_338 : vector<16xf32>
        %add3A_340 = arith.constant 4 : i32
        %add3A_341 = arith.addi %mul3A_224, %add3A_340 : i32
        %get3A_342 = arith.index_cast %add3A_341 : i32 to index
        %get3A_343 = arith.constant 16 : index
        %get3A_344 = tpu.vector_load %arg8[%get3A_342, %get3A_343] {strides = array<i32>} : memref<640x32xf32, #tpu.memory_space<vmem>>, vector<16xf32>,
        %add3A_345 = arith.addf %add3A_289, %get3A_344 : vector<16xf32>
        %add3A_346 = arith.constant 4 : i32
        %add3A_347 = arith.addi %mul3A_224, %add3A_346 : i32
        %add3A_348 = arith.constant 1 : i32
        %add3A_349 = arith.addi %add3A_347, %add3A_348 : i32
        %get3A_350 = arith.index_cast %add3A_349 : i32 to index
        %get3A_351 = arith.constant 16 : index
        %get3A_352 = tpu.vector_load %arg8[%get3A_350, %get3A_351] {strides = array<i32>} : memref<640x32xf32, #tpu.memory_space<vmem>>, vector<16xf32>,
        %add3A_353 = arith.addf %add3A_297, %get3A_352 : vector<16xf32>
        %add3A_354 = arith.constant 4 : i32
        %add3A_355 = arith.addi %mul3A_224, %add3A_354 : i32
        %get3A_356 = arith.index_cast %add3A_355 : i32 to index
        %get3A_357 = arith.constant 16 : index
        %get3A_358 = tpu.vector_load %arg10[%get3A_356, %get3A_357] {strides = array<i32>} : memref<640x32xf32, #tpu.memory_space<vmem>>, vector<16xf32>,
        %add3A_359 = arith.addf %add3A_303, %get3A_358 : vector<16xf32>
        %add3A_360 = arith.constant 4 : i32
        %add3A_361 = arith.addi %mul3A_224, %add3A_360 : i32
        %add3A_362 = arith.constant 1 : i32
        %add3A_363 = arith.addi %add3A_361, %add3A_362 : i32
        %get3A_364 = arith.index_cast %add3A_363 : i32 to index
        %get3A_365 = arith.constant 16 : index
        %get3A_366 = tpu.vector_load %arg10[%get3A_364, %get3A_365] {strides = array<i32>} : memref<640x32xf32, #tpu.memory_space<vmem>>, vector<16xf32>,
        %add3A_367 = arith.addf %add3A_311, %get3A_366 : vector<16xf32>
        %add3A_368 = arith.constant 6 : i32
        %add3A_369 = arith.addi %mul3A_224, %add3A_368 : i32
        %get3A_370 = arith.index_cast %add3A_369 : i32 to index
        %get3A_371 = arith.constant 0 : index
        %get3A_372 = tpu.vector_load %arg8[%get3A_370, %get3A_371] {strides = array<i32>} : memref<640x32xf32, #tpu.memory_space<vmem>>, vector<16xf32>,
        %add3A_373 = arith.addf %add3A_317, %get3A_372 : vector<16xf32>
        %add3A_374 = arith.constant 6 : i32
        %add3A_375 = arith.addi %mul3A_224, %add3A_374 : i32
        %add3A_376 = arith.constant 1 : i32
        %add3A_377 = arith.addi %add3A_375, %add3A_376 : i32
        %get3A_378 = arith.index_cast %add3A_377 : i32 to index
        %get3A_379 = arith.constant 0 : index
        %get3A_380 = tpu.vector_load %arg8[%get3A_378, %get3A_379] {strides = array<i32>} : memref<640x32xf32, #tpu.memory_space<vmem>>, vector<16xf32>,
        %add3A_381 = arith.addf %add3A_325, %get3A_380 : vector<16xf32>
        %add3A_382 = arith.constant 6 : i32
        %add3A_383 = arith.addi %mul3A_224, %add3A_382 : i32
        %get3A_384 = arith.index_cast %add3A_383 : i32 to index
        %get3A_385 = arith.constant 0 : index
        %get3A_386 = tpu.vector_load %arg10[%get3A_384, %get3A_385] {strides = array<i32>} : memref<640x32xf32, #tpu.memory_space<vmem>>, vector<16xf32>,
        %add3A_387 = arith.addf %add3A_331, %get3A_386 : vector<16xf32>
        %add3A_388 = arith.constant 6 : i32
        %add3A_389 = arith.addi %mul3A_224, %add3A_388 : i32
        %add3A_390 = arith.constant 1 : i32
        %add3A_391 = arith.addi %add3A_389, %add3A_390 : i32
        %get3A_392 = arith.index_cast %add3A_391 : i32 to index
        %get3A_393 = arith.constant 0 : index
        %get3A_394 = tpu.vector_load %arg10[%get3A_392, %get3A_393] {strides = array<i32>} : memref<640x32xf32, #tpu.memory_space<vmem>>, vector<16xf32>,
        %add3A_395 = arith.addf %add3A_339, %get3A_394 : vector<16xf32>
        %add3A_396 = arith.constant 6 : i32
        %add3A_397 = arith.addi %mul3A_224, %add3A_396 : i32
        %get3A_398 = arith.index_cast %add3A_397 : i32 to index
        %get3A_399 = arith.constant 16 : index
        %get3A_400 = tpu.vector_load %arg8[%get3A_398, %get3A_399] {strides = array<i32>} : memref<640x32xf32, #tpu.memory_space<vmem>>, vector<16xf32>,
        %add3A_401 = arith.addf %add3A_345, %get3A_400 : vector<16xf32>
        %add3A_402 = arith.constant 6 : i32
        %add3A_403 = arith.addi %mul3A_224, %add3A_402 : i32
        %add3A_404 = arith.constant 1 : i32
        %add3A_405 = arith.addi %add3A_403, %add3A_404 : i32
        %get3A_406 = arith.index_cast %add3A_405 : i32 to index
        %get3A_407 = arith.constant 16 : index
        %get3A_408 = tpu.vector_load %arg8[%get3A_406, %get3A_407] {strides = array<i32>} : memref<640x32xf32, #tpu.memory_space<vmem>>, vector<16xf32>,
        %add3A_409 = arith.addf %add3A_353, %get3A_408 : vector<16xf32>
        %add3A_410 = arith.constant 6 : i32
        %add3A_411 = arith.addi %mul3A_224, %add3A_410 : i32
        %get3A_412 = arith.index_cast %add3A_411 : i32 to index
        %get3A_413 = arith.constant 16 : index
        %get3A_414 = tpu.vector_load %arg10[%get3A_412, %get3A_413] {strides = array<i32>} : memref<640x32xf32, #tpu.memory_space<vmem>>, vector<16xf32>,
        %add3A_415 = arith.addf %add3A_359, %get3A_414 : vector<16xf32>
        %add3A_416 = arith.constant 6 : i32
        %add3A_417 = arith.addi %mul3A_224, %add3A_416 : i32
        %add3A_418 = arith.constant 1 : i32
        %add3A_419 = arith.addi %add3A_417, %add3A_418 : i32
        %get3A_420 = arith.index_cast %add3A_419 : i32 to index
        %get3A_421 = arith.constant 16 : index
        %get3A_422 = tpu.vector_load %arg10[%get3A_420, %get3A_421] {strides = array<i32>} : memref<640x32xf32, #tpu.memory_space<vmem>>, vector<16xf32>,
        %add3A_423 = arith.addf %add3A_367, %get3A_422 : vector<16xf32>
        %add3A_424 = arith.constant 8 : i32
        %add3A_425 = arith.addi %mul3A_224, %add3A_424 : i32
        %get3A_426 = arith.index_cast %add3A_425 : i32 to index
        %get3A_427 = arith.constant 0 : index
        %get3A_428 = tpu.vector_load %arg8[%get3A_426, %get3A_427] {strides = array<i32>} : memref<640x32xf32, #tpu.memory_space<vmem>>, vector<16xf32>,
        %add3A_429 = arith.addf %add3A_373, %get3A_428 : vector<16xf32>
        %add3A_430 = arith.constant 8 : i32
        %add3A_431 = arith.addi %mul3A_224, %add3A_430 : i32
        %add3A_432 = arith.constant 1 : i32
        %add3A_433 = arith.addi %add3A_431, %add3A_432 : i32
        %get3A_434 = arith.index_cast %add3A_433 : i32 to index
        %get3A_435 = arith.constant 0 : index
        %get3A_436 = tpu.vector_load %arg8[%get3A_434, %get3A_435] {strides = array<i32>} : memref<640x32xf32, #tpu.memory_space<vmem>>, vector<16xf32>,
        %add3A_437 = arith.addf %add3A_381, %get3A_436 : vector<16xf32>
        %add3A_438 = arith.constant 8 : i32
        %add3A_439 = arith.addi %mul3A_224, %add3A_438 : i32
        %get3A_440 = arith.index_cast %add3A_439 : i32 to index
        %get3A_441 = arith.constant 0 : index
        %get3A_442 = tpu.vector_load %arg10[%get3A_440, %get3A_441] {strides = array<i32>} : memref<640x32xf32, #tpu.memory_space<vmem>>, vector<16xf32>,
        %add3A_443 = arith.addf %add3A_387, %get3A_442 : vector<16xf32>
        %add3A_444 = arith.constant 8 : i32
        %add3A_445 = arith.addi %mul3A_224, %add3A_444 : i32
        %add3A_446 = arith.constant 1 : i32
        %add3A_447 = arith.addi %add3A_445, %add3A_446 : i32
        %get3A_448 = arith.index_cast %add3A_447 : i32 to index
        %get3A_449 = arith.constant 0 : index
        %get3A_450 = tpu.vector_load %arg10[%get3A_448, %get3A_449] {strides = array<i32>} : memref<640x32xf32, #tpu.memory_space<vmem>>, vector<16xf32>,
        %add3A_451 = arith.addf %add3A_395, %get3A_450 : vector<16xf32>
        %add3A_452 = arith.constant 8 : i32
        %add3A_453 = arith.addi %mul3A_224, %add3A_452 : i32
        %get3A_454 = arith.index_cast %add3A_453 : i32 to index
        %get3A_455 = arith.constant 16 : index
        %get3A_456 = tpu.vector_load %arg8[%get3A_454, %get3A_455] {strides = array<i32>} : memref<640x32xf32, #tpu.memory_space<vmem>>, vector<16xf32>,
        %add3A_457 = arith.addf %add3A_401, %get3A_456 : vector<16xf32>
        %add3A_458 = arith.constant 8 : i32
        %add3A_459 = arith.addi %mul3A_224, %add3A_458 : i32
        %add3A_460 = arith.constant 1 : i32
        %add3A_461 = arith.addi %add3A_459, %add3A_460 : i32
        %get3A_462 = arith.index_cast %add3A_461 : i32 to index
        %get3A_463 = arith.constant 16 : index
        %get3A_464 = tpu.vector_load %arg8[%get3A_462, %get3A_463] {strides = array<i32>} : memref<640x32xf32, #tpu.memory_space<vmem>>, vector<16xf32>,
        %add3A_465 = arith.addf %add3A_409, %get3A_464 : vector<16xf32>
        %add3A_466 = arith.constant 8 : i32
        %add3A_467 = arith.addi %mul3A_224, %add3A_466 : i32
        %get3A_468 = arith.index_cast %add3A_467 : i32 to index
        %get3A_469 = arith.constant 16 : index
        %get3A_470 = tpu.vector_load %arg10[%get3A_468, %get3A_469] {strides = array<i32>} : memref<640x32xf32, #tpu.memory_space<vmem>>, vector<16xf32>,
        %add3A_471 = arith.addf %add3A_415, %get3A_470 : vector<16xf32>
        %add3A_472 = arith.constant 8 : i32
        %add3A_473 = arith.addi %mul3A_224, %add3A_472 : i32
        %add3A_474 = arith.constant 1 : i32
        %add3A_475 = arith.addi %add3A_473, %add3A_474 : i32
        %get3A_476 = arith.index_cast %add3A_475 : i32 to index
        %get3A_477 = arith.constant 16 : index
        %get3A_478 = tpu.vector_load %arg10[%get3A_476, %get3A_477] {strides = array<i32>} : memref<640x32xf32, #tpu.memory_space<vmem>>, vector<16xf32>,
        %add3A_479 = arith.addf %add3A_423, %get3A_478 : vector<16xf32>
        %add3A_480 = arith.constant 10 : i32
        %add3A_481 = arith.addi %mul3A_224, %add3A_480 : i32
        %get3A_482 = arith.index_cast %add3A_481 : i32 to index
        %get3A_483 = arith.constant 0 : index
        %get3A_484 = tpu.vector_load %arg8[%get3A_482, %get3A_483] {strides = array<i32>} : memref<640x32xf32, #tpu.memory_space<vmem>>, vector<16xf32>,
        %add3A_485 = arith.addf %add3A_429, %get3A_484 : vector<16xf32>
        %add3A_486 = arith.constant 10 : i32
        %add3A_487 = arith.addi %mul3A_224, %add3A_486 : i32
        %add3A_488 = arith.constant 1 : i32
        %add3A_489 = arith.addi %add3A_487, %add3A_488 : i32
        %get3A_490 = arith.index_cast %add3A_489 : i32 to index
        %get3A_491 = arith.constant 0 : index
        %get3A_492 = tpu.vector_load %arg8[%get3A_490, %get3A_491] {strides = array<i32>} : memref<640x32xf32, #tpu.memory_space<vmem>>, vector<16xf32>,
        %add3A_493 = arith.addf %add3A_437, %get3A_492 : vector<16xf32>
        %add3A_494 = arith.constant 10 : i32
        %add3A_495 = arith.addi %mul3A_224, %add3A_494 : i32
        %get3A_496 = arith.index_cast %add3A_495 : i32 to index
        %get3A_497 = arith.constant 0 : index
        %get3A_498 = tpu.vector_load %arg10[%get3A_496, %get3A_497] {strides = array<i32>} : memref<640x32xf32, #tpu.memory_space<vmem>>, vector<16xf32>,
        %add3A_499 = arith.addf %add3A_443, %get3A_498 : vector<16xf32>
        %add3A_500 = arith.constant 10 : i32
        %add3A_501 = arith.addi %mul3A_224, %add3A_500 : i32
        %add3A_502 = arith.constant 1 : i32
        %add3A_503 = arith.addi %add3A_501, %add3A_502 : i32
        %get3A_504 = arith.index_cast %add3A_503 : i32 to index
        %get3A_505 = arith.constant 0 : index
        %get3A_506 = tpu.vector_load %arg10[%get3A_504, %get3A_505] {strides = array<i32>} : memref<640x32xf32, #tpu.memory_space<vmem>>, vector<16xf32>,
        %add3A_507 = arith.addf %add3A_451, %get3A_506 : vector<16xf32>
        %add3A_508 = arith.constant 10 : i32
        %add3A_509 = arith.addi %mul3A_224, %add3A_508 : i32
        %get3A_510 = arith.index_cast %add3A_509 : i32 to index
        %get3A_511 = arith.constant 16 : index
        %get3A_512 = tpu.vector_load %arg8[%get3A_510, %get3A_511] {strides = array<i32>} : memref<640x32xf32, #tpu.memory_space<vmem>>, vector<16xf32>,
        %add3A_513 = arith.addf %add3A_457, %get3A_512 : vector<16xf32>
        %add3A_514 = arith.constant 10 : i32
        %add3A_515 = arith.addi %mul3A_224, %add3A_514 : i32
        %add3A_516 = arith.constant 1 : i32
        %add3A_517 = arith.addi %add3A_515, %add3A_516 : i32
        %get3A_518 = arith.index_cast %add3A_517 : i32 to index
        %get3A_519 = arith.constant 16 : index
        %get3A_520 = tpu.vector_load %arg8[%get3A_518, %get3A_519] {strides = array<i32>} : memref<640x32xf32, #tpu.memory_space<vmem>>, vector<16xf32>,
        %add3A_521 = arith.addf %add3A_465, %get3A_520 : vector<16xf32>
        %add3A_522 = arith.constant 10 : i32
        %add3A_523 = arith.addi %mul3A_224, %add3A_522 : i32
        %get3A_524 = arith.index_cast %add3A_523 : i32 to index
        %get3A_525 = arith.constant 16 : index
        %get3A_526 = tpu.vector_load %arg10[%get3A_524, %get3A_525] {strides = array<i32>} : memref<640x32xf32, #tpu.memory_space<vmem>>, vector<16xf32>,
        %add3A_527 = arith.addf %add3A_471, %get3A_526 : vector<16xf32>
        %add3A_528 = arith.constant 10 : i32
        %add3A_529 = arith.addi %mul3A_224, %add3A_528 : i32
        %add3A_530 = arith.constant 1 : i32
        %add3A_531 = arith.addi %add3A_529, %add3A_530 : i32
        %get3A_532 = arith.index_cast %add3A_531 : i32 to index
        %get3A_533 = arith.constant 16 : index
        %get3A_534 = tpu.vector_load %arg10[%get3A_532, %get3A_533] {strides = array<i32>} : memref<640x32xf32, #tpu.memory_space<vmem>>, vector<16xf32>,
        %add3A_535 = arith.addf %add3A_479, %get3A_534 : vector<16xf32>
        %add3A_536 = arith.constant 12 : i32
        %add3A_537 = arith.addi %mul3A_224, %add3A_536 : i32
        %get3A_538 = arith.index_cast %add3A_537 : i32 to index
        %get3A_539 = arith.constant 0 : index
        %get3A_540 = tpu.vector_load %arg8[%get3A_538, %get3A_539] {strides = array<i32>} : memref<640x32xf32, #tpu.memory_space<vmem>>, vector<16xf32>,
        %add3A_541 = arith.addf %add3A_485, %get3A_540 : vector<16xf32>
        %add3A_542 = arith.constant 12 : i32
        %add3A_543 = arith.addi %mul3A_224, %add3A_542 : i32
        %add3A_544 = arith.constant 1 : i32
        %add3A_545 = arith.addi %add3A_543, %add3A_544 : i32
        %get3A_546 = arith.index_cast %add3A_545 : i32 to index
        %get3A_547 = arith.constant 0 : index
        %get3A_548 = tpu.vector_load %arg8[%get3A_546, %get3A_547] {strides = array<i32>} : memref<640x32xf32, #tpu.memory_space<vmem>>, vector<16xf32>,
        %add3A_549 = arith.addf %add3A_493, %get3A_548 : vector<16xf32>
        %add3A_550 = arith.constant 12 : i32
        %add3A_551 = arith.addi %mul3A_224, %add3A_550 : i32
        %get3A_552 = arith.index_cast %add3A_551 : i32 to index
        %get3A_553 = arith.constant 0 : index
        %get3A_554 = tpu.vector_load %arg10[%get3A_552, %get3A_553] {strides = array<i32>} : memref<640x32xf32, #tpu.memory_space<vmem>>, vector<16xf32>,
        %add3A_555 = arith.addf %add3A_499, %get3A_554 : vector<16xf32>
        %add3A_556 = arith.constant 12 : i32
        %add3A_557 = arith.addi %mul3A_224, %add3A_556 : i32
        %add3A_558 = arith.constant 1 : i32
        %add3A_559 = arith.addi %add3A_557, %add3A_558 : i32
        %get3A_560 = arith.index_cast %add3A_559 : i32 to index
        %get3A_561 = arith.constant 0 : index
        %get3A_562 = tpu.vector_load %arg10[%get3A_560, %get3A_561] {strides = array<i32>} : memref<640x32xf32, #tpu.memory_space<vmem>>, vector<16xf32>,
        %add3A_563 = arith.addf %add3A_507, %get3A_562 : vector<16xf32>
        %add3A_564 = arith.constant 12 : i32
        %add3A_565 = arith.addi %mul3A_224, %add3A_564 : i32
        %get3A_566 = arith.index_cast %add3A_565 : i32 to index
        %get3A_567 = arith.constant 16 : index
        %get3A_568 = tpu.vector_load %arg8[%get3A_566, %get3A_567] {strides = array<i32>} : memref<640x32xf32, #tpu.memory_space<vmem>>, vector<16xf32>,
        %add3A_569 = arith.addf %add3A_513, %get3A_568 : vector<16xf32>
        %add3A_570 = arith.constant 12 : i32
        %add3A_571 = arith.addi %mul3A_224, %add3A_570 : i32
        %add3A_572 = arith.constant 1 : i32
        %add3A_573 = arith.addi %add3A_571, %add3A_572 : i32
        %get3A_574 = arith.index_cast %add3A_573 : i32 to index
        %get3A_575 = arith.constant 16 : index
        %get3A_576 = tpu.vector_load %arg8[%get3A_574, %get3A_575] {strides = array<i32>} : memref<640x32xf32, #tpu.memory_space<vmem>>, vector<16xf32>,
        %add3A_577 = arith.addf %add3A_521, %get3A_576 : vector<16xf32>
        %add3A_578 = arith.constant 12 : i32
        %add3A_579 = arith.addi %mul3A_224, %add3A_578 : i32
        %get3A_580 = arith.index_cast %add3A_579 : i32 to index
        %get3A_581 = arith.constant 16 : index
        %get3A_582 = tpu.vector_load %arg10[%get3A_580, %get3A_581] {strides = array<i32>} : memref<640x32xf32, #tpu.memory_space<vmem>>, vector<16xf32>,
        %add3A_583 = arith.addf %add3A_527, %get3A_582 : vector<16xf32>
        %add3A_584 = arith.constant 12 : i32
        %add3A_585 = arith.addi %mul3A_224, %add3A_584 : i32
        %add3A_586 = arith.constant 1 : i32
        %add3A_587 = arith.addi %add3A_585, %add3A_586 : i32
        %get3A_588 = arith.index_cast %add3A_587 : i32 to index
        %get3A_589 = arith.constant 16 : index
        %get3A_590 = tpu.vector_load %arg10[%get3A_588, %get3A_589] {strides = array<i32>} : memref<640x32xf32, #tpu.memory_space<vmem>>, vector<16xf32>,
        %add3A_591 = arith.addf %add3A_535, %get3A_590 : vector<16xf32>
        %add3A_592 = arith.constant 14 : i32
        %add3A_593 = arith.addi %mul3A_224, %add3A_592 : i32
        %get3A_594 = arith.index_cast %add3A_593 : i32 to index
        %get3A_595 = arith.constant 0 : index
        %get3A_596 = tpu.vector_load %arg8[%get3A_594, %get3A_595] {strides = array<i32>} : memref<640x32xf32, #tpu.memory_space<vmem>>, vector<16xf32>,
        %add3A_597 = arith.addf %add3A_541, %get3A_596 : vector<16xf32>
        %add3A_598 = arith.constant 14 : i32
        %add3A_599 = arith.addi %mul3A_224, %add3A_598 : i32
        %add3A_600 = arith.constant 1 : i32
        %add3A_601 = arith.addi %add3A_599, %add3A_600 : i32
        %get3A_602 = arith.index_cast %add3A_601 : i32 to index
        %get3A_603 = arith.constant 0 : index
        %get3A_604 = tpu.vector_load %arg8[%get3A_602, %get3A_603] {strides = array<i32>} : memref<640x32xf32, #tpu.memory_space<vmem>>, vector<16xf32>,
        %add3A_605 = arith.addf %add3A_549, %get3A_604 : vector<16xf32>
        %add3A_606 = arith.constant 14 : i32
        %add3A_607 = arith.addi %mul3A_224, %add3A_606 : i32
        %get3A_608 = arith.index_cast %add3A_607 : i32 to index
        %get3A_609 = arith.constant 0 : index
        %get3A_610 = tpu.vector_load %arg10[%get3A_608, %get3A_609] {strides = array<i32>} : memref<640x32xf32, #tpu.memory_space<vmem>>, vector<16xf32>,
        %add3A_611 = arith.addf %add3A_555, %get3A_610 : vector<16xf32>
        %add3A_612 = arith.constant 14 : i32
        %add3A_613 = arith.addi %mul3A_224, %add3A_612 : i32
        %add3A_614 = arith.constant 1 : i32
        %add3A_615 = arith.addi %add3A_613, %add3A_614 : i32
        %get3A_616 = arith.index_cast %add3A_615 : i32 to index
        %get3A_617 = arith.constant 0 : index
        %get3A_618 = tpu.vector_load %arg10[%get3A_616, %get3A_617] {strides = array<i32>} : memref<640x32xf32, #tpu.memory_space<vmem>>, vector<16xf32>,
        %add3A_619 = arith.addf %add3A_563, %get3A_618 : vector<16xf32>
        %add3A_620 = arith.constant 14 : i32
        %add3A_621 = arith.addi %mul3A_224, %add3A_620 : i32
        %get3A_622 = arith.index_cast %add3A_621 : i32 to index
        %get3A_623 = arith.constant 16 : index
        %get3A_624 = tpu.vector_load %arg8[%get3A_622, %get3A_623] {strides = array<i32>} : memref<640x32xf32, #tpu.memory_space<vmem>>, vector<16xf32>,
        %add3A_625 = arith.addf %add3A_569, %get3A_624 : vector<16xf32>
        %add3A_626 = arith.constant 14 : i32
        %add3A_627 = arith.addi %mul3A_224, %add3A_626 : i32
        %add3A_628 = arith.constant 1 : i32
        %add3A_629 = arith.addi %add3A_627, %add3A_628 : i32
        %get3A_630 = arith.index_cast %add3A_629 : i32 to index
        %get3A_631 = arith.constant 16 : index
        %get3A_632 = tpu.vector_load %arg8[%get3A_630, %get3A_631] {strides = array<i32>} : memref<640x32xf32, #tpu.memory_space<vmem>>, vector<16xf32>,
        %add3A_633 = arith.addf %add3A_577, %get3A_632 : vector<16xf32>
        %add3A_634 = arith.constant 14 : i32
        %add3A_635 = arith.addi %mul3A_224, %add3A_634 : i32
        %get3A_636 = arith.index_cast %add3A_635 : i32 to index
        %get3A_637 = arith.constant 16 : index
        %get3A_638 = tpu.vector_load %arg10[%get3A_636, %get3A_637] {strides = array<i32>} : memref<640x32xf32, #tpu.memory_space<vmem>>, vector<16xf32>,
        %add3A_639 = arith.addf %add3A_583, %get3A_638 : vector<16xf32>
        %add3A_640 = arith.constant 14 : i32
        %add3A_641 = arith.addi %mul3A_224, %add3A_640 : i32
        %add3A_642 = arith.constant 1 : i32
        %add3A_643 = arith.addi %add3A_641, %add3A_642 : i32
        %get3A_644 = arith.index_cast %add3A_643 : i32 to index
        %get3A_645 = arith.constant 16 : index
        %get3A_646 = tpu.vector_load %arg10[%get3A_644, %get3A_645] {strides = array<i32>} : memref<640x32xf32, #tpu.memory_space<vmem>>, vector<16xf32>,
        %add3A_647 = arith.addf %add3A_591, %get3A_646 : vector<16xf32>
        %add3A_648 = arith.constant 16 : i32
        %add3A_649 = arith.addi %mul3A_224, %add3A_648 : i32
        %get3A_650 = arith.index_cast %add3A_649 : i32 to index
        %get3A_651 = arith.constant 0 : index
        %get3A_652 = tpu.vector_load %arg8[%get3A_650, %get3A_651] {strides = array<i32>} : memref<640x32xf32, #tpu.memory_space<vmem>>, vector<16xf32>,
        %add3A_653 = arith.addf %add3A_597, %get3A_652 : vector<16xf32>
        %add3A_654 = arith.constant 16 : i32
        %add3A_655 = arith.addi %mul3A_224, %add3A_654 : i32
        %add3A_656 = arith.constant 1 : i32
        %add3A_657 = arith.addi %add3A_655, %add3A_656 : i32
        %get3A_658 = arith.index_cast %add3A_657 : i32 to index
        %get3A_659 = arith.constant 0 : index
        %get3A_660 = tpu.vector_load %arg8[%get3A_658, %get3A_659] {strides = array<i32>} : memref<640x32xf32, #tpu.memory_space<vmem>>, vector<16xf32>,
        %add3A_661 = arith.addf %add3A_605, %get3A_660 : vector<16xf32>
        %add3A_662 = arith.constant 16 : i32
        %add3A_663 = arith.addi %mul3A_224, %add3A_662 : i32
        %get3A_664 = arith.index_cast %add3A_663 : i32 to index
        %get3A_665 = arith.constant 0 : index
        %get3A_666 = tpu.vector_load %arg10[%get3A_664, %get3A_665] {strides = array<i32>} : memref<640x32xf32, #tpu.memory_space<vmem>>, vector<16xf32>,
        %add3A_667 = arith.addf %add3A_611, %get3A_666 : vector<16xf32>
        %add3A_668 = arith.constant 16 : i32
        %add3A_669 = arith.addi %mul3A_224, %add3A_668 : i32
        %add3A_670 = arith.constant 1 : i32
        %add3A_671 = arith.addi %add3A_669, %add3A_670 : i32
        %get3A_672 = arith.index_cast %add3A_671 : i32 to index
        %get3A_673 = arith.constant 0 : index
        %get3A_674 = tpu.vector_load %arg10[%get3A_672, %get3A_673] {strides = array<i32>} : memref<640x32xf32, #tpu.memory_space<vmem>>, vector<16xf32>,
        %add3A_675 = arith.addf %add3A_619, %get3A_674 : vector<16xf32>
        %add3A_676 = arith.constant 16 : i32
        %add3A_677 = arith.addi %mul3A_224, %add3A_676 : i32
        %get3A_678 = arith.index_cast %add3A_677 : i32 to index
        %get3A_679 = arith.constant 16 : index
        %get3A_680 = tpu.vector_load %arg8[%get3A_678, %get3A_679] {strides = array<i32>} : memref<640x32xf32, #tpu.memory_space<vmem>>, vector<16xf32>,
        %add3A_681 = arith.addf %add3A_625, %get3A_680 : vector<16xf32>
        %add3A_682 = arith.constant 16 : i32
        %add3A_683 = arith.addi %mul3A_224, %add3A_682 : i32
        %add3A_684 = arith.constant 1 : i32
        %add3A_685 = arith.addi %add3A_683, %add3A_684 : i32
        %get3A_686 = arith.index_cast %add3A_685 : i32 to index
        %get3A_687 = arith.constant 16 : index
        %get3A_688 = tpu.vector_load %arg8[%get3A_686, %get3A_687] {strides = array<i32>} : memref<640x32xf32, #tpu.memory_space<vmem>>, vector<16xf32>,
        %add3A_689 = arith.addf %add3A_633, %get3A_688 : vector<16xf32>
        %add3A_690 = arith.constant 16 : i32
        %add3A_691 = arith.addi %mul3A_224, %add3A_690 : i32
        %get3A_692 = arith.index_cast %add3A_691 : i32 to index
        %get3A_693 = arith.constant 16 : index
        %get3A_694 = tpu.vector_load %arg10[%get3A_692, %get3A_693] {strides = array<i32>} : memref<640x32xf32, #tpu.memory_space<vmem>>, vector<16xf32>,
        %add3A_695 = arith.addf %add3A_639, %get3A_694 : vector<16xf32>
        %add3A_696 = arith.constant 16 : i32
        %add3A_697 = arith.addi %mul3A_224, %add3A_696 : i32
        %add3A_698 = arith.constant 1 : i32
        %add3A_699 = arith.addi %add3A_697, %add3A_698 : i32
        %get3A_700 = arith.index_cast %add3A_699 : i32 to index
        %get3A_701 = arith.constant 16 : index
        %get3A_702 = tpu.vector_load %arg10[%get3A_700, %get3A_701] {strides = array<i32>} : memref<640x32xf32, #tpu.memory_space<vmem>>, vector<16xf32>,
        %add3A_703 = arith.addf %add3A_647, %get3A_702 : vector<16xf32>
        %add3A_704 = arith.constant 18 : i32
        %add3A_705 = arith.addi %mul3A_224, %add3A_704 : i32
        %get3A_706 = arith.index_cast %add3A_705 : i32 to index
        %get3A_707 = arith.constant 0 : index
        %get3A_708 = tpu.vector_load %arg8[%get3A_706, %get3A_707] {strides = array<i32>} : memref<640x32xf32, #tpu.memory_space<vmem>>, vector<16xf32>,
        %add3A_709 = arith.addf %add3A_653, %get3A_708 : vector<16xf32>
        %add3A_710 = arith.constant 18 : i32
        %add3A_711 = arith.addi %mul3A_224, %add3A_710 : i32
        %add3A_712 = arith.constant 1 : i32
        %add3A_713 = arith.addi %add3A_711, %add3A_712 : i32
        %get3A_714 = arith.index_cast %add3A_713 : i32 to index
        %get3A_715 = arith.constant 0 : index
        %get3A_716 = tpu.vector_load %arg8[%get3A_714, %get3A_715] {strides = array<i32>} : memref<640x32xf32, #tpu.memory_space<vmem>>, vector<16xf32>,
        %add3A_717 = arith.addf %add3A_661, %get3A_716 : vector<16xf32>
        %add3A_718 = arith.constant 18 : i32
        %add3A_719 = arith.addi %mul3A_224, %add3A_718 : i32
        %get3A_720 = arith.index_cast %add3A_719 : i32 to index
        %get3A_721 = arith.constant 0 : index
        %get3A_722 = tpu.vector_load %arg10[%get3A_720, %get3A_721] {strides = array<i32>} : memref<640x32xf32, #tpu.memory_space<vmem>>, vector<16xf32>,
        %add3A_723 = arith.addf %add3A_667, %get3A_722 : vector<16xf32>
        %add3A_724 = arith.constant 18 : i32
        %add3A_725 = arith.addi %mul3A_224, %add3A_724 : i32
        %add3A_726 = arith.constant 1 : i32
        %add3A_727 = arith.addi %add3A_725, %add3A_726 : i32
        %get3A_728 = arith.index_cast %add3A_727 : i32 to index
        %get3A_729 = arith.constant 0 : index
        %get3A_730 = tpu.vector_load %arg10[%get3A_728, %get3A_729] {strides = array<i32>} : memref<640x32xf32, #tpu.memory_space<vmem>>, vector<16xf32>,
        %add3A_731 = arith.addf %add3A_675, %get3A_730 : vector<16xf32>
        %add3A_732 = arith.constant 18 : i32
        %add3A_733 = arith.addi %mul3A_224, %add3A_732 : i32
        %get3A_734 = arith.index_cast %add3A_733 : i32 to index
        %get3A_735 = arith.constant 16 : index
        %get3A_736 = tpu.vector_load %arg8[%get3A_734, %get3A_735] {strides = array<i32>} : memref<640x32xf32, #tpu.memory_space<vmem>>, vector<16xf32>,
        %add3A_737 = arith.addf %add3A_681, %get3A_736 : vector<16xf32>
        %add3A_738 = arith.constant 18 : i32
        %add3A_739 = arith.addi %mul3A_224, %add3A_738 : i32
        %add3A_740 = arith.constant 1 : i32
        %add3A_741 = arith.addi %add3A_739, %add3A_740 : i32
        %get3A_742 = arith.index_cast %add3A_741 : i32 to index
        %get3A_743 = arith.constant 16 : index
        %get3A_744 = tpu.vector_load %arg8[%get3A_742, %get3A_743] {strides = array<i32>} : memref<640x32xf32, #tpu.memory_space<vmem>>, vector<16xf32>,
        %add3A_745 = arith.addf %add3A_689, %get3A_744 : vector<16xf32>
        %add3A_746 = arith.constant 18 : i32
        %add3A_747 = arith.addi %mul3A_224, %add3A_746 : i32
        %get3A_748 = arith.index_cast %add3A_747 : i32 to index
        %get3A_749 = arith.constant 16 : index
        %get3A_750 = tpu.vector_load %arg10[%get3A_748, %get3A_749] {strides = array<i32>} : memref<640x32xf32, #tpu.memory_space<vmem>>, vector<16xf32>,
        %add3A_751 = arith.addf %add3A_695, %get3A_750 : vector<16xf32>
        %add3A_752 = arith.constant 18 : i32
        %add3A_753 = arith.addi %mul3A_224, %add3A_752 : i32
        %add3A_754 = arith.constant 1 : i32
        %add3A_755 = arith.addi %add3A_753, %add3A_754 : i32
        %get3A_756 = arith.index_cast %add3A_755 : i32 to index
        %get3A_757 = arith.constant 16 : index
        %get3A_758 = tpu.vector_load %arg10[%get3A_756, %get3A_757] {strides = array<i32>} : memref<640x32xf32, #tpu.memory_space<vmem>>, vector<16xf32>,
        %add3A_759 = arith.addf %add3A_703, %get3A_758 : vector<16xf32>
        %add3A_760 = arith.constant 20 : i32
        %add3A_761 = arith.addi %mul3A_224, %add3A_760 : i32
        %get3A_762 = arith.index_cast %add3A_761 : i32 to index
        %get3A_763 = arith.constant 0 : index
        %get3A_764 = tpu.vector_load %arg8[%get3A_762, %get3A_763] {strides = array<i32>} : memref<640x32xf32, #tpu.memory_space<vmem>>, vector<16xf32>,
        %add3A_765 = arith.addf %add3A_709, %get3A_764 : vector<16xf32>
        %add3A_766 = arith.constant 20 : i32
        %add3A_767 = arith.addi %mul3A_224, %add3A_766 : i32
        %add3A_768 = arith.constant 1 : i32
        %add3A_769 = arith.addi %add3A_767, %add3A_768 : i32
        %get3A_770 = arith.index_cast %add3A_769 : i32 to index
        %get3A_771 = arith.constant 0 : index
        %get3A_772 = tpu.vector_load %arg8[%get3A_770, %get3A_771] {strides = array<i32>} : memref<640x32xf32, #tpu.memory_space<vmem>>, vector<16xf32>,
        %add3A_773 = arith.addf %add3A_717, %get3A_772 : vector<16xf32>
        %add3A_774 = arith.constant 20 : i32
        %add3A_775 = arith.addi %mul3A_224, %add3A_774 : i32
        %get3A_776 = arith.index_cast %add3A_775 : i32 to index
        %get3A_777 = arith.constant 0 : index
        %get3A_778 = tpu.vector_load %arg10[%get3A_776, %get3A_777] {strides = array<i32>} : memref<640x32xf32, #tpu.memory_space<vmem>>, vector<16xf32>,
        %add3A_779 = arith.addf %add3A_723, %get3A_778 : vector<16xf32>
        %add3A_780 = arith.constant 20 : i32
        %add3A_781 = arith.addi %mul3A_224, %add3A_780 : i32
        %add3A_782 = arith.constant 1 : i32
        %add3A_783 = arith.addi %add3A_781, %add3A_782 : i32
        %get3A_784 = arith.index_cast %add3A_783 : i32 to index
        %get3A_785 = arith.constant 0 : index
        %get3A_786 = tpu.vector_load %arg10[%get3A_784, %get3A_785] {strides = array<i32>} : memref<640x32xf32, #tpu.memory_space<vmem>>, vector<16xf32>,
        %add3A_787 = arith.addf %add3A_731, %get3A_786 : vector<16xf32>
        %add3A_788 = arith.constant 20 : i32
        %add3A_789 = arith.addi %mul3A_224, %add3A_788 : i32
        %get3A_790 = arith.index_cast %add3A_789 : i32 to index
        %get3A_791 = arith.constant 16 : index
        %get3A_792 = tpu.vector_load %arg8[%get3A_790, %get3A_791] {strides = array<i32>} : memref<640x32xf32, #tpu.memory_space<vmem>>, vector<16xf32>,
        %add3A_793 = arith.addf %add3A_737, %get3A_792 : vector<16xf32>
        %add3A_794 = arith.constant 20 : i32
        %add3A_795 = arith.addi %mul3A_224, %add3A_794 : i32
        %add3A_796 = arith.constant 1 : i32
        %add3A_797 = arith.addi %add3A_795, %add3A_796 : i32
        %get3A_798 = arith.index_cast %add3A_797 : i32 to index
        %get3A_799 = arith.constant 16 : index
        %get3A_800 = tpu.vector_load %arg8[%get3A_798, %get3A_799] {strides = array<i32>} : memref<640x32xf32, #tpu.memory_space<vmem>>, vector<16xf32>,
        %add3A_801 = arith.addf %add3A_745, %get3A_800 : vector<16xf32>
        %add3A_802 = arith.constant 20 : i32
        %add3A_803 = arith.addi %mul3A_224, %add3A_802 : i32
        %get3A_804 = arith.index_cast %add3A_803 : i32 to index
        %get3A_805 = arith.constant 16 : index
        %get3A_806 = tpu.vector_load %arg10[%get3A_804, %get3A_805] {strides = array<i32>} : memref<640x32xf32, #tpu.memory_space<vmem>>, vector<16xf32>,
        %add3A_807 = arith.addf %add3A_751, %get3A_806 : vector<16xf32>
        %add3A_808 = arith.constant 20 : i32
        %add3A_809 = arith.addi %mul3A_224, %add3A_808 : i32
        %add3A_810 = arith.constant 1 : i32
        %add3A_811 = arith.addi %add3A_809, %add3A_810 : i32
        %get3A_812 = arith.index_cast %add3A_811 : i32 to index
        %get3A_813 = arith.constant 16 : index
        %get3A_814 = tpu.vector_load %arg10[%get3A_812, %get3A_813] {strides = array<i32>} : memref<640x32xf32, #tpu.memory_space<vmem>>, vector<16xf32>,
        %add3A_815 = arith.addf %add3A_759, %get3A_814 : vector<16xf32>
        %add3A_816 = arith.constant 22 : i32
        %add3A_817 = arith.addi %mul3A_224, %add3A_816 : i32
        %get3A_818 = arith.index_cast %add3A_817 : i32 to index
        %get3A_819 = arith.constant 0 : index
        %get3A_820 = tpu.vector_load %arg8[%get3A_818, %get3A_819] {strides = array<i32>} : memref<640x32xf32, #tpu.memory_space<vmem>>, vector<16xf32>,
        %add3A_821 = arith.addf %add3A_765, %get3A_820 : vector<16xf32>
        %add3A_822 = arith.constant 22 : i32
        %add3A_823 = arith.addi %mul3A_224, %add3A_822 : i32
        %add3A_824 = arith.constant 1 : i32
        %add3A_825 = arith.addi %add3A_823, %add3A_824 : i32
        %get3A_826 = arith.index_cast %add3A_825 : i32 to index
        %get3A_827 = arith.constant 0 : index
        %get3A_828 = tpu.vector_load %arg8[%get3A_826, %get3A_827] {strides = array<i32>} : memref<640x32xf32, #tpu.memory_space<vmem>>, vector<16xf32>,
        %add3A_829 = arith.addf %add3A_773, %get3A_828 : vector<16xf32>
        %add3A_830 = arith.constant 22 : i32
        %add3A_831 = arith.addi %mul3A_224, %add3A_830 : i32
        %get3A_832 = arith.index_cast %add3A_831 : i32 to index
        %get3A_833 = arith.constant 0 : index
        %get3A_834 = tpu.vector_load %arg10[%get3A_832, %get3A_833] {strides = array<i32>} : memref<640x32xf32, #tpu.memory_space<vmem>>, vector<16xf32>,
        %add3A_835 = arith.addf %add3A_779, %get3A_834 : vector<16xf32>
        %add3A_836 = arith.constant 22 : i32
        %add3A_837 = arith.addi %mul3A_224, %add3A_836 : i32
        %add3A_838 = arith.constant 1 : i32
        %add3A_839 = arith.addi %add3A_837, %add3A_838 : i32
        %get3A_840 = arith.index_cast %add3A_839 : i32 to index
        %get3A_841 = arith.constant 0 : index
        %get3A_842 = tpu.vector_load %arg10[%get3A_840, %get3A_841] {strides = array<i32>} : memref<640x32xf32, #tpu.memory_space<vmem>>, vector<16xf32>,
        %add3A_843 = arith.addf %add3A_787, %get3A_842 : vector<16xf32>
        %add3A_844 = arith.constant 22 : i32
        %add3A_845 = arith.addi %mul3A_224, %add3A_844 : i32
        %get3A_846 = arith.index_cast %add3A_845 : i32 to index
        %get3A_847 = arith.constant 16 : index
        %get3A_848 = tpu.vector_load %arg8[%get3A_846, %get3A_847] {strides = array<i32>} : memref<640x32xf32, #tpu.memory_space<vmem>>, vector<16xf32>,
        %add3A_849 = arith.addf %add3A_793, %get3A_848 : vector<16xf32>
        %add3A_850 = arith.constant 22 : i32
        %add3A_851 = arith.addi %mul3A_224, %add3A_850 : i32
        %add3A_852 = arith.constant 1 : i32
        %add3A_853 = arith.addi %add3A_851, %add3A_852 : i32
        %get3A_854 = arith.index_cast %add3A_853 : i32 to index
        %get3A_855 = arith.constant 16 : index
        %get3A_856 = tpu.vector_load %arg8[%get3A_854, %get3A_855] {strides = array<i32>} : memref<640x32xf32, #tpu.memory_space<vmem>>, vector<16xf32>,
        %add3A_857 = arith.addf %add3A_801, %get3A_856 : vector<16xf32>
        %add3A_858 = arith.constant 22 : i32
        %add3A_859 = arith.addi %mul3A_224, %add3A_858 : i32
        %get3A_860 = arith.index_cast %add3A_859 : i32 to index
        %get3A_861 = arith.constant 16 : index
        %get3A_862 = tpu.vector_load %arg10[%get3A_860, %get3A_861] {strides = array<i32>} : memref<640x32xf32, #tpu.memory_space<vmem>>, vector<16xf32>,
        %add3A_863 = arith.addf %add3A_807, %get3A_862 : vector<16xf32>
        %add3A_864 = arith.constant 22 : i32
        %add3A_865 = arith.addi %mul3A_224, %add3A_864 : i32
        %add3A_866 = arith.constant 1 : i32
        %add3A_867 = arith.addi %add3A_865, %add3A_866 : i32
        %get3A_868 = arith.index_cast %add3A_867 : i32 to index
        %get3A_869 = arith.constant 16 : index
        %get3A_870 = tpu.vector_load %arg10[%get3A_868, %get3A_869] {strides = array<i32>} : memref<640x32xf32, #tpu.memory_space<vmem>>, vector<16xf32>,
        %add3A_871 = arith.addf %add3A_815, %get3A_870 : vector<16xf32>
        %add3A_872 = arith.constant 24 : i32
        %add3A_873 = arith.addi %mul3A_224, %add3A_872 : i32
        %get3A_874 = arith.index_cast %add3A_873 : i32 to index
        %get3A_875 = arith.constant 0 : index
        %get3A_876 = tpu.vector_load %arg8[%get3A_874, %get3A_875] {strides = array<i32>} : memref<640x32xf32, #tpu.memory_space<vmem>>, vector<16xf32>,
        %add3A_877 = arith.addf %add3A_821, %get3A_876 : vector<16xf32>
        %add3A_878 = arith.constant 24 : i32
        %add3A_879 = arith.addi %mul3A_224, %add3A_878 : i32
        %add3A_880 = arith.constant 1 : i32
        %add3A_881 = arith.addi %add3A_879, %add3A_880 : i32
        %get3A_882 = arith.index_cast %add3A_881 : i32 to index
        %get3A_883 = arith.constant 0 : index
        %get3A_884 = tpu.vector_load %arg8[%get3A_882, %get3A_883] {strides = array<i32>} : memref<640x32xf32, #tpu.memory_space<vmem>>, vector<16xf32>,
        %add3A_885 = arith.addf %add3A_829, %get3A_884 : vector<16xf32>
        %add3A_886 = arith.constant 24 : i32
        %add3A_887 = arith.addi %mul3A_224, %add3A_886 : i32
        %get3A_888 = arith.index_cast %add3A_887 : i32 to index
        %get3A_889 = arith.constant 0 : index
        %get3A_890 = tpu.vector_load %arg10[%get3A_888, %get3A_889] {strides = array<i32>} : memref<640x32xf32, #tpu.memory_space<vmem>>, vector<16xf32>,
        %add3A_891 = arith.addf %add3A_835, %get3A_890 : vector<16xf32>
        %add3A_892 = arith.constant 24 : i32
        %add3A_893 = arith.addi %mul3A_224, %add3A_892 : i32
        %add3A_894 = arith.constant 1 : i32
        %add3A_895 = arith.addi %add3A_893, %add3A_894 : i32
        %get3A_896 = arith.index_cast %add3A_895 : i32 to index
        %get3A_897 = arith.constant 0 : index
        %get3A_898 = tpu.vector_load %arg10[%get3A_896, %get3A_897] {strides = array<i32>} : memref<640x32xf32, #tpu.memory_space<vmem>>, vector<16xf32>,
        %add3A_899 = arith.addf %add3A_843, %get3A_898 : vector<16xf32>
        %add3A_900 = arith.constant 24 : i32
        %add3A_901 = arith.addi %mul3A_224, %add3A_900 : i32
        %get3A_902 = arith.index_cast %add3A_901 : i32 to index
        %get3A_903 = arith.constant 16 : index
        %get3A_904 = tpu.vector_load %arg8[%get3A_902, %get3A_903] {strides = array<i32>} : memref<640x32xf32, #tpu.memory_space<vmem>>, vector<16xf32>,
        %add3A_905 = arith.addf %add3A_849, %get3A_904 : vector<16xf32>
        %add3A_906 = arith.constant 24 : i32
        %add3A_907 = arith.addi %mul3A_224, %add3A_906 : i32
        %add3A_908 = arith.constant 1 : i32
        %add3A_909 = arith.addi %add3A_907, %add3A_908 : i32
        %get3A_910 = arith.index_cast %add3A_909 : i32 to index
        %get3A_911 = arith.constant 16 : index
        %get3A_912 = tpu.vector_load %arg8[%get3A_910, %get3A_911] {strides = array<i32>} : memref<640x32xf32, #tpu.memory_space<vmem>>, vector<16xf32>,
        %add3A_913 = arith.addf %add3A_857, %get3A_912 : vector<16xf32>
        %add3A_914 = arith.constant 24 : i32
        %add3A_915 = arith.addi %mul3A_224, %add3A_914 : i32
        %get3A_916 = arith.index_cast %add3A_915 : i32 to index
        %get3A_917 = arith.constant 16 : index
        %get3A_918 = tpu.vector_load %arg10[%get3A_916, %get3A_917] {strides = array<i32>} : memref<640x32xf32, #tpu.memory_space<vmem>>, vector<16xf32>,
        %add3A_919 = arith.addf %add3A_863, %get3A_918 : vector<16xf32>
        %add3A_920 = arith.constant 24 : i32
        %add3A_921 = arith.addi %mul3A_224, %add3A_920 : i32
        %add3A_922 = arith.constant 1 : i32
        %add3A_923 = arith.addi %add3A_921, %add3A_922 : i32
        %get3A_924 = arith.index_cast %add3A_923 : i32 to index
        %get3A_925 = arith.constant 16 : index
        %get3A_926 = tpu.vector_load %arg10[%get3A_924, %get3A_925] {strides = array<i32>} : memref<640x32xf32, #tpu.memory_space<vmem>>, vector<16xf32>,
        %add3A_927 = arith.addf %add3A_871, %get3A_926 : vector<16xf32>
        %add3A_928 = arith.constant 26 : i32
        %add3A_929 = arith.addi %mul3A_224, %add3A_928 : i32
        %get3A_930 = arith.index_cast %add3A_929 : i32 to index
        %get3A_931 = arith.constant 0 : index
        %get3A_932 = tpu.vector_load %arg8[%get3A_930, %get3A_931] {strides = array<i32>} : memref<640x32xf32, #tpu.memory_space<vmem>>, vector<16xf32>,
        %add3A_933 = arith.addf %add3A_877, %get3A_932 : vector<16xf32>
        %add3A_934 = arith.constant 26 : i32
        %add3A_935 = arith.addi %mul3A_224, %add3A_934 : i32
        %add3A_936 = arith.constant 1 : i32
        %add3A_937 = arith.addi %add3A_935, %add3A_936 : i32
        %get3A_938 = arith.index_cast %add3A_937 : i32 to index
        %get3A_939 = arith.constant 0 : index
        %get3A_940 = tpu.vector_load %arg8[%get3A_938, %get3A_939] {strides = array<i32>} : memref<640x32xf32, #tpu.memory_space<vmem>>, vector<16xf32>,
        %add3A_941 = arith.addf %add3A_885, %get3A_940 : vector<16xf32>
        %add3A_942 = arith.constant 26 : i32
        %add3A_943 = arith.addi %mul3A_224, %add3A_942 : i32
        %get3A_944 = arith.index_cast %add3A_943 : i32 to index
        %get3A_945 = arith.constant 0 : index
        %get3A_946 = tpu.vector_load %arg10[%get3A_944, %get3A_945] {strides = array<i32>} : memref<640x32xf32, #tpu.memory_space<vmem>>, vector<16xf32>,
        %add3A_947 = arith.addf %add3A_891, %get3A_946 : vector<16xf32>
        %add3A_948 = arith.constant 26 : i32
        %add3A_949 = arith.addi %mul3A_224, %add3A_948 : i32
        %add3A_950 = arith.constant 1 : i32
        %add3A_951 = arith.addi %add3A_949, %add3A_950 : i32
        %get3A_952 = arith.index_cast %add3A_951 : i32 to index
        %get3A_953 = arith.constant 0 : index
        %get3A_954 = tpu.vector_load %arg10[%get3A_952, %get3A_953] {strides = array<i32>} : memref<640x32xf32, #tpu.memory_space<vmem>>, vector<16xf32>,
        %add3A_955 = arith.addf %add3A_899, %get3A_954 : vector<16xf32>
        %add3A_956 = arith.constant 26 : i32
        %add3A_957 = arith.addi %mul3A_224, %add3A_956 : i32
        %get3A_958 = arith.index_cast %add3A_957 : i32 to index
        %get3A_959 = arith.constant 16 : index
        %get3A_960 = tpu.vector_load %arg8[%get3A_958, %get3A_959] {strides = array<i32>} : memref<640x32xf32, #tpu.memory_space<vmem>>, vector<16xf32>,
        %add3A_961 = arith.addf %add3A_905, %get3A_960 : vector<16xf32>
        %add3A_962 = arith.constant 26 : i32
        %add3A_963 = arith.addi %mul3A_224, %add3A_962 : i32
        %add3A_964 = arith.constant 1 : i32
        %add3A_965 = arith.addi %add3A_963, %add3A_964 : i32
        %get3A_966 = arith.index_cast %add3A_965 : i32 to index
        %get3A_967 = arith.constant 16 : index
        %get3A_968 = tpu.vector_load %arg8[%get3A_966, %get3A_967] {strides = array<i32>} : memref<640x32xf32, #tpu.memory_space<vmem>>, vector<16xf32>,
        %add3A_969 = arith.addf %add3A_913, %get3A_968 : vector<16xf32>
        %add3A_970 = arith.constant 26 : i32
        %add3A_971 = arith.addi %mul3A_224, %add3A_970 : i32
        %get3A_972 = arith.index_cast %add3A_971 : i32 to index
        %get3A_973 = arith.constant 16 : index
        %get3A_974 = tpu.vector_load %arg10[%get3A_972, %get3A_973] {strides = array<i32>} : memref<640x32xf32, #tpu.memory_space<vmem>>, vector<16xf32>,
        %add3A_975 = arith.addf %add3A_919, %get3A_974 : vector<16xf32>
        %add3A_976 = arith.constant 26 : i32
        %add3A_977 = arith.addi %mul3A_224, %add3A_976 : i32
        %add3A_978 = arith.constant 1 : i32
        %add3A_979 = arith.addi %add3A_977, %add3A_978 : i32
        %get3A_980 = arith.index_cast %add3A_979 : i32 to index
        %get3A_981 = arith.constant 16 : index
        %get3A_982 = tpu.vector_load %arg10[%get3A_980, %get3A_981] {strides = array<i32>} : memref<640x32xf32, #tpu.memory_space<vmem>>, vector<16xf32>,
        %add3A_983 = arith.addf %add3A_927, %get3A_982 : vector<16xf32>
        %add3A_984 = arith.constant 28 : i32
        %add3A_985 = arith.addi %mul3A_224, %add3A_984 : i32
        %get3A_986 = arith.index_cast %add3A_985 : i32 to index
        %get3A_987 = arith.constant 0 : index
        %get3A_988 = tpu.vector_load %arg8[%get3A_986, %get3A_987] {strides = array<i32>} : memref<640x32xf32, #tpu.memory_space<vmem>>, vector<16xf32>,
        %add3A_989 = arith.addf %add3A_933, %get3A_988 : vector<16xf32>
        %add3A_990 = arith.constant 28 : i32
        %add3A_991 = arith.addi %mul3A_224, %add3A_990 : i32
        %add3A_992 = arith.constant 1 : i32
        %add3A_993 = arith.addi %add3A_991, %add3A_992 : i32
        %get3A_994 = arith.index_cast %add3A_993 : i32 to index
        %get3A_995 = arith.constant 0 : index
        %get3A_996 = tpu.vector_load %arg8[%get3A_994, %get3A_995] {strides = array<i32>} : memref<640x32xf32, #tpu.memory_space<vmem>>, vector<16xf32>,
        %add3A_997 = arith.addf %add3A_941, %get3A_996 : vector<16xf32>
        %add3A_998 = arith.constant 28 : i32
        %add3A_999 = arith.addi %mul3A_224, %add3A_998 : i32
        %get3A_1000 = arith.index_cast %add3A_999 : i32 to index
        %get3A_1001 = arith.constant 0 : index
        %get3A_1002 = tpu.vector_load %arg10[%get3A_1000, %get3A_1001] {strides = array<i32>} : memref<640x32xf32, #tpu.memory_space<vmem>>, vector<16xf32>,
        %add3A_1003 = arith.addf %add3A_947, %get3A_1002 : vector<16xf32>
        %add3A_1004 = arith.constant 28 : i32
        %add3A_1005 = arith.addi %mul3A_224, %add3A_1004 : i32
        %add3A_1006 = arith.constant 1 : i32
        %add3A_1007 = arith.addi %add3A_1005, %add3A_1006 : i32
        %get3A_1008 = arith.index_cast %add3A_1007 : i32 to index
        %get3A_1009 = arith.constant 0 : index
        %get3A_1010 = tpu.vector_load %arg10[%get3A_1008, %get3A_1009] {strides = array<i32>} : memref<640x32xf32, #tpu.memory_space<vmem>>, vector<16xf32>,
        %add3A_1011 = arith.addf %add3A_955, %get3A_1010 : vector<16xf32>
        %add3A_1012 = arith.constant 28 : i32
        %add3A_1013 = arith.addi %mul3A_224, %add3A_1012 : i32
        %get3A_1014 = arith.index_cast %add3A_1013 : i32 to index
        %get3A_1015 = arith.constant 16 : index
        %get3A_1016 = tpu.vector_load %arg8[%get3A_1014, %get3A_1015] {strides = array<i32>} : memref<640x32xf32, #tpu.memory_space<vmem>>, vector<16xf32>,
        %add3A_1017 = arith.addf %add3A_961, %get3A_1016 : vector<16xf32>
        %add3A_1018 = arith.constant 28 : i32
        %add3A_1019 = arith.addi %mul3A_224, %add3A_1018 : i32
        %add3A_1020 = arith.constant 1 : i32
        %add3A_1021 = arith.addi %add3A_1019, %add3A_1020 : i32
        %get3A_1022 = arith.index_cast %add3A_1021 : i32 to index
        %get3A_1023 = arith.constant 16 : index
        %get3A_1024 = tpu.vector_load %arg8[%get3A_1022, %get3A_1023] {strides = array<i32>} : memref<640x32xf32, #tpu.memory_space<vmem>>, vector<16xf32>,
        %add3A_1025 = arith.addf %add3A_969, %get3A_1024 : vector<16xf32>
        %add3A_1026 = arith.constant 28 : i32
        %add3A_1027 = arith.addi %mul3A_224, %add3A_1026 : i32
        %get3A_1028 = arith.index_cast %add3A_1027 : i32 to index
        %get3A_1029 = arith.constant 16 : index
        %get3A_1030 = tpu.vector_load %arg10[%get3A_1028, %get3A_1029] {strides = array<i32>} : memref<640x32xf32, #tpu.memory_space<vmem>>, vector<16xf32>,
        %add3A_1031 = arith.addf %add3A_975, %get3A_1030 : vector<16xf32>
        %add3A_1032 = arith.constant 28 : i32
        %add3A_1033 = arith.addi %mul3A_224, %add3A_1032 : i32
        %add3A_1034 = arith.constant 1 : i32
        %add3A_1035 = arith.addi %add3A_1033, %add3A_1034 : i32
        %get3A_1036 = arith.index_cast %add3A_1035 : i32 to index
        %get3A_1037 = arith.constant 16 : index
        %get3A_1038 = tpu.vector_load %arg10[%get3A_1036, %get3A_1037] {strides = array<i32>} : memref<640x32xf32, #tpu.memory_space<vmem>>, vector<16xf32>,
        %add3A_1039 = arith.addf %add3A_983, %get3A_1038 : vector<16xf32>
        %add3A_1040 = arith.constant 30 : i32
        %add3A_1041 = arith.addi %mul3A_224, %add3A_1040 : i32
        %get3A_1042 = arith.index_cast %add3A_1041 : i32 to index
        %get3A_1043 = arith.constant 0 : index
        %get3A_1044 = tpu.vector_load %arg8[%get3A_1042, %get3A_1043] {strides = array<i32>} : memref<640x32xf32, #tpu.memory_space<vmem>>, vector<16xf32>,
        %add3A_1045 = arith.addf %add3A_989, %get3A_1044 : vector<16xf32>
        %add3A_1046 = arith.constant 30 : i32
        %add3A_1047 = arith.addi %mul3A_224, %add3A_1046 : i32
        %add3A_1048 = arith.constant 1 : i32
        %add3A_1049 = arith.addi %add3A_1047, %add3A_1048 : i32
        %get3A_1050 = arith.index_cast %add3A_1049 : i32 to index
        %get3A_1051 = arith.constant 0 : index
        %get3A_1052 = tpu.vector_load %arg8[%get3A_1050, %get3A_1051] {strides = array<i32>} : memref<640x32xf32, #tpu.memory_space<vmem>>, vector<16xf32>,
        %add3A_1053 = arith.addf %add3A_997, %get3A_1052 : vector<16xf32>
        %add3A_1054 = arith.constant 30 : i32
        %add3A_1055 = arith.addi %mul3A_224, %add3A_1054 : i32
        %get3A_1056 = arith.index_cast %add3A_1055 : i32 to index
        %get3A_1057 = arith.constant 0 : index
        %get3A_1058 = tpu.vector_load %arg10[%get3A_1056, %get3A_1057] {strides = array<i32>} : memref<640x32xf32, #tpu.memory_space<vmem>>, vector<16xf32>,
        %add3A_1059 = arith.addf %add3A_1003, %get3A_1058 : vector<16xf32>
        %add3A_1060 = arith.constant 30 : i32
        %add3A_1061 = arith.addi %mul3A_224, %add3A_1060 : i32
        %add3A_1062 = arith.constant 1 : i32
        %add3A_1063 = arith.addi %add3A_1061, %add3A_1062 : i32
        %get3A_1064 = arith.index_cast %add3A_1063 : i32 to index
        %get3A_1065 = arith.constant 0 : index
        %get3A_1066 = tpu.vector_load %arg10[%get3A_1064, %get3A_1065] {strides = array<i32>} : memref<640x32xf32, #tpu.memory_space<vmem>>, vector<16xf32>,
        %add3A_1067 = arith.addf %add3A_1011, %get3A_1066 : vector<16xf32>
        %add3A_1068 = arith.constant 30 : i32
        %add3A_1069 = arith.addi %mul3A_224, %add3A_1068 : i32
        %get3A_1070 = arith.index_cast %add3A_1069 : i32 to index
        %get3A_1071 = arith.constant 16 : index
        %get3A_1072 = tpu.vector_load %arg8[%get3A_1070, %get3A_1071] {strides = array<i32>} : memref<640x32xf32, #tpu.memory_space<vmem>>, vector<16xf32>,
        %add3A_1073 = arith.addf %add3A_1017, %get3A_1072 : vector<16xf32>
        %add3A_1074 = arith.constant 30 : i32
        %add3A_1075 = arith.addi %mul3A_224, %add3A_1074 : i32
        %add3A_1076 = arith.constant 1 : i32
        %add3A_1077 = arith.addi %add3A_1075, %add3A_1076 : i32
        %get3A_1078 = arith.index_cast %add3A_1077 : i32 to index
        %get3A_1079 = arith.constant 16 : index
        %get3A_1080 = tpu.vector_load %arg8[%get3A_1078, %get3A_1079] {strides = array<i32>} : memref<640x32xf32, #tpu.memory_space<vmem>>, vector<16xf32>,
        %add3A_1081 = arith.addf %add3A_1025, %get3A_1080 : vector<16xf32>
        %add3A_1082 = arith.constant 30 : i32
        %add3A_1083 = arith.addi %mul3A_224, %add3A_1082 : i32
        %get3A_1084 = arith.index_cast %add3A_1083 : i32 to index
        %get3A_1085 = arith.constant 16 : index
        %get3A_1086 = tpu.vector_load %arg10[%get3A_1084, %get3A_1085] {strides = array<i32>} : memref<640x32xf32, #tpu.memory_space<vmem>>, vector<16xf32>,
        %add3A_1087 = arith.addf %add3A_1031, %get3A_1086 : vector<16xf32>
        %add3A_1088 = arith.constant 30 : i32
        %add3A_1089 = arith.addi %mul3A_224, %add3A_1088 : i32
        %add3A_1090 = arith.constant 1 : i32
        %add3A_1091 = arith.addi %add3A_1089, %add3A_1090 : i32
        %get3A_1092 = arith.index_cast %add3A_1091 : i32 to index
        %get3A_1093 = arith.constant 16 : index
        %get3A_1094 = tpu.vector_load %arg10[%get3A_1092, %get3A_1093] {strides = array<i32>} : memref<640x32xf32, #tpu.memory_space<vmem>>, vector<16xf32>,
        %add3A_1095 = arith.addf %add3A_1039, %get3A_1094 : vector<16xf32>
        %add3A_1096 = arith.constant 32 : i32
        %add3A_1097 = arith.addi %mul3A_224, %add3A_1096 : i32
        %get3A_1098 = arith.index_cast %add3A_1097 : i32 to index
        %get3A_1099 = arith.constant 0 : index
        %get3A_1100 = tpu.vector_load %arg8[%get3A_1098, %get3A_1099] {strides = array<i32>} : memref<640x32xf32, #tpu.memory_space<vmem>>, vector<16xf32>,
        %add3A_1101 = arith.addf %add3A_1045, %get3A_1100 : vector<16xf32>
        %add3A_1102 = arith.constant 32 : i32
        %add3A_1103 = arith.addi %mul3A_224, %add3A_1102 : i32
        %add3A_1104 = arith.constant 1 : i32
        %add3A_1105 = arith.addi %add3A_1103, %add3A_1104 : i32
        %get3A_1106 = arith.index_cast %add3A_1105 : i32 to index
        %get3A_1107 = arith.constant 0 : index
        %get3A_1108 = tpu.vector_load %arg8[%get3A_1106, %get3A_1107] {strides = array<i32>} : memref<640x32xf32, #tpu.memory_space<vmem>>, vector<16xf32>,
        %add3A_1109 = arith.addf %add3A_1053, %get3A_1108 : vector<16xf32>
        %add3A_1110 = arith.constant 32 : i32
        %add3A_1111 = arith.addi %mul3A_224, %add3A_1110 : i32
        %get3A_1112 = arith.index_cast %add3A_1111 : i32 to index
        %get3A_1113 = arith.constant 0 : index
        %get3A_1114 = tpu.vector_load %arg10[%get3A_1112, %get3A_1113] {strides = array<i32>} : memref<640x32xf32, #tpu.memory_space<vmem>>, vector<16xf32>,
        %add3A_1115 = arith.addf %add3A_1059, %get3A_1114 : vector<16xf32>
        %add3A_1116 = arith.constant 32 : i32
        %add3A_1117 = arith.addi %mul3A_224, %add3A_1116 : i32
        %add3A_1118 = arith.constant 1 : i32
        %add3A_1119 = arith.addi %add3A_1117, %add3A_1118 : i32
        %get3A_1120 = arith.index_cast %add3A_1119 : i32 to index
        %get3A_1121 = arith.constant 0 : index
        %get3A_1122 = tpu.vector_load %arg10[%get3A_1120, %get3A_1121] {strides = array<i32>} : memref<640x32xf32, #tpu.memory_space<vmem>>, vector<16xf32>,
        %add3A_1123 = arith.addf %add3A_1067, %get3A_1122 : vector<16xf32>
        %add3A_1124 = arith.constant 32 : i32
        %add3A_1125 = arith.addi %mul3A_224, %add3A_1124 : i32
        %get3A_1126 = arith.index_cast %add3A_1125 : i32 to index
        %get3A_1127 = arith.constant 16 : index
        %get3A_1128 = tpu.vector_load %arg8[%get3A_1126, %get3A_1127] {strides = array<i32>} : memref<640x32xf32, #tpu.memory_space<vmem>>, vector<16xf32>,
        %add3A_1129 = arith.addf %add3A_1073, %get3A_1128 : vector<16xf32>
        %add3A_1130 = arith.constant 32 : i32
        %add3A_1131 = arith.addi %mul3A_224, %add3A_1130 : i32
        %add3A_1132 = arith.constant 1 : i32
        %add3A_1133 = arith.addi %add3A_1131, %add3A_1132 : i32
        %get3A_1134 = arith.index_cast %add3A_1133 : i32 to index
        %get3A_1135 = arith.constant 16 : index
        %get3A_1136 = tpu.vector_load %arg8[%get3A_1134, %get3A_1135] {strides = array<i32>} : memref<640x32xf32, #tpu.memory_space<vmem>>, vector<16xf32>,
        %add3A_1137 = arith.addf %add3A_1081, %get3A_1136 : vector<16xf32>
        %add3A_1138 = arith.constant 32 : i32
        %add3A_1139 = arith.addi %mul3A_224, %add3A_1138 : i32
        %get3A_1140 = arith.index_cast %add3A_1139 : i32 to index
        %get3A_1141 = arith.constant 16 : index
        %get3A_1142 = tpu.vector_load %arg10[%get3A_1140, %get3A_1141] {strides = array<i32>} : memref<640x32xf32, #tpu.memory_space<vmem>>, vector<16xf32>,
        %add3A_1143 = arith.addf %add3A_1087, %get3A_1142 : vector<16xf32>
        %add3A_1144 = arith.constant 32 : i32
        %add3A_1145 = arith.addi %mul3A_224, %add3A_1144 : i32
        %add3A_1146 = arith.constant 1 : i32
        %add3A_1147 = arith.addi %add3A_1145, %add3A_1146 : i32
        %get3A_1148 = arith.index_cast %add3A_1147 : i32 to index
        %get3A_1149 = arith.constant 16 : index
        %get3A_1150 = tpu.vector_load %arg10[%get3A_1148, %get3A_1149] {strides = array<i32>} : memref<640x32xf32, #tpu.memory_space<vmem>>, vector<16xf32>,
        %add3A_1151 = arith.addf %add3A_1095, %get3A_1150 : vector<16xf32>
        %add3A_1152 = arith.constant 34 : i32
        %add3A_1153 = arith.addi %mul3A_224, %add3A_1152 : i32
        %get3A_1154 = arith.index_cast %add3A_1153 : i32 to index
        %get3A_1155 = arith.constant 0 : index
        %get3A_1156 = tpu.vector_load %arg8[%get3A_1154, %get3A_1155] {strides = array<i32>} : memref<640x32xf32, #tpu.memory_space<vmem>>, vector<16xf32>,
        %add3A_1157 = arith.addf %add3A_1101, %get3A_1156 : vector<16xf32>
        %add3A_1158 = arith.constant 34 : i32
        %add3A_1159 = arith.addi %mul3A_224, %add3A_1158 : i32
        %add3A_1160 = arith.constant 1 : i32
        %add3A_1161 = arith.addi %add3A_1159, %add3A_1160 : i32
        %get3A_1162 = arith.index_cast %add3A_1161 : i32 to index
        %get3A_1163 = arith.constant 0 : index
        %get3A_1164 = tpu.vector_load %arg8[%get3A_1162, %get3A_1163] {strides = array<i32>} : memref<640x32xf32, #tpu.memory_space<vmem>>, vector<16xf32>,
        %add3A_1165 = arith.addf %add3A_1109, %get3A_1164 : vector<16xf32>
        %add3A_1166 = arith.constant 34 : i32
        %add3A_1167 = arith.addi %mul3A_224, %add3A_1166 : i32
        %get3A_1168 = arith.index_cast %add3A_1167 : i32 to index
        %get3A_1169 = arith.constant 0 : index
        %get3A_1170 = tpu.vector_load %arg10[%get3A_1168, %get3A_1169] {strides = array<i32>} : memref<640x32xf32, #tpu.memory_space<vmem>>, vector<16xf32>,
        %add3A_1171 = arith.addf %add3A_1115, %get3A_1170 : vector<16xf32>
        %add3A_1172 = arith.constant 34 : i32
        %add3A_1173 = arith.addi %mul3A_224, %add3A_1172 : i32
        %add3A_1174 = arith.constant 1 : i32
        %add3A_1175 = arith.addi %add3A_1173, %add3A_1174 : i32
        %get3A_1176 = arith.index_cast %add3A_1175 : i32 to index
        %get3A_1177 = arith.constant 0 : index
        %get3A_1178 = tpu.vector_load %arg10[%get3A_1176, %get3A_1177] {strides = array<i32>} : memref<640x32xf32, #tpu.memory_space<vmem>>, vector<16xf32>,
        %add3A_1179 = arith.addf %add3A_1123, %get3A_1178 : vector<16xf32>
        %add3A_1180 = arith.constant 34 : i32
        %add3A_1181 = arith.addi %mul3A_224, %add3A_1180 : i32
        %get3A_1182 = arith.index_cast %add3A_1181 : i32 to index
        %get3A_1183 = arith.constant 16 : index
        %get3A_1184 = tpu.vector_load %arg8[%get3A_1182, %get3A_1183] {strides = array<i32>} : memref<640x32xf32, #tpu.memory_space<vmem>>, vector<16xf32>,
        %add3A_1185 = arith.addf %add3A_1129, %get3A_1184 : vector<16xf32>
        %add3A_1186 = arith.constant 34 : i32
        %add3A_1187 = arith.addi %mul3A_224, %add3A_1186 : i32
        %add3A_1188 = arith.constant 1 : i32
        %add3A_1189 = arith.addi %add3A_1187, %add3A_1188 : i32
        %get3A_1190 = arith.index_cast %add3A_1189 : i32 to index
        %get3A_1191 = arith.constant 16 : index
        %get3A_1192 = tpu.vector_load %arg8[%get3A_1190, %get3A_1191] {strides = array<i32>} : memref<640x32xf32, #tpu.memory_space<vmem>>, vector<16xf32>,
        %add3A_1193 = arith.addf %add3A_1137, %get3A_1192 : vector<16xf32>
        %add3A_1194 = arith.constant 34 : i32
        %add3A_1195 = arith.addi %mul3A_224, %add3A_1194 : i32
        %get3A_1196 = arith.index_cast %add3A_1195 : i32 to index
        %get3A_1197 = arith.constant 16 : index
        %get3A_1198 = tpu.vector_load %arg10[%get3A_1196, %get3A_1197] {strides = array<i32>} : memref<640x32xf32, #tpu.memory_space<vmem>>, vector<16xf32>,
        %add3A_1199 = arith.addf %add3A_1143, %get3A_1198 : vector<16xf32>
        %add3A_1200 = arith.constant 34 : i32
        %add3A_1201 = arith.addi %mul3A_224, %add3A_1200 : i32
        %add3A_1202 = arith.constant 1 : i32
        %add3A_1203 = arith.addi %add3A_1201, %add3A_1202 : i32
        %get3A_1204 = arith.index_cast %add3A_1203 : i32 to index
        %get3A_1205 = arith.constant 16 : index
        %get3A_1206 = tpu.vector_load %arg10[%get3A_1204, %get3A_1205] {strides = array<i32>} : memref<640x32xf32, #tpu.memory_space<vmem>>, vector<16xf32>,
        %add3A_1207 = arith.addf %add3A_1151, %get3A_1206 : vector<16xf32>
        %add3A_1208 = arith.constant 36 : i32
        %add3A_1209 = arith.addi %mul3A_224, %add3A_1208 : i32
        %get3A_1210 = arith.index_cast %add3A_1209 : i32 to index
        %get3A_1211 = arith.constant 0 : index
        %get3A_1212 = tpu.vector_load %arg8[%get3A_1210, %get3A_1211] {strides = array<i32>} : memref<640x32xf32, #tpu.memory_space<vmem>>, vector<16xf32>,
        %add3A_1213 = arith.addf %add3A_1157, %get3A_1212 : vector<16xf32>
        %add3A_1214 = arith.constant 36 : i32
        %add3A_1215 = arith.addi %mul3A_224, %add3A_1214 : i32
        %add3A_1216 = arith.constant 1 : i32
        %add3A_1217 = arith.addi %add3A_1215, %add3A_1216 : i32
        %get3A_1218 = arith.index_cast %add3A_1217 : i32 to index
        %get3A_1219 = arith.constant 0 : index
        %get3A_1220 = tpu.vector_load %arg8[%get3A_1218, %get3A_1219] {strides = array<i32>} : memref<640x32xf32, #tpu.memory_space<vmem>>, vector<16xf32>,
        %add3A_1221 = arith.addf %add3A_1165, %get3A_1220 : vector<16xf32>
        %add3A_1222 = arith.constant 36 : i32
        %add3A_1223 = arith.addi %mul3A_224, %add3A_1222 : i32
        %get3A_1224 = arith.index_cast %add3A_1223 : i32 to index
        %get3A_1225 = arith.constant 0 : index
        %get3A_1226 = tpu.vector_load %arg10[%get3A_1224, %get3A_1225] {strides = array<i32>} : memref<640x32xf32, #tpu.memory_space<vmem>>, vector<16xf32>,
        %add3A_1227 = arith.addf %add3A_1171, %get3A_1226 : vector<16xf32>
        %add3A_1228 = arith.constant 36 : i32
        %add3A_1229 = arith.addi %mul3A_224, %add3A_1228 : i32
        %add3A_1230 = arith.constant 1 : i32
        %add3A_1231 = arith.addi %add3A_1229, %add3A_1230 : i32
        %get3A_1232 = arith.index_cast %add3A_1231 : i32 to index
        %get3A_1233 = arith.constant 0 : index
        %get3A_1234 = tpu.vector_load %arg10[%get3A_1232, %get3A_1233] {strides = array<i32>} : memref<640x32xf32, #tpu.memory_space<vmem>>, vector<16xf32>,
        %add3A_1235 = arith.addf %add3A_1179, %get3A_1234 : vector<16xf32>
        %add3A_1236 = arith.constant 36 : i32
        %add3A_1237 = arith.addi %mul3A_224, %add3A_1236 : i32
        %get3A_1238 = arith.index_cast %add3A_1237 : i32 to index
        %get3A_1239 = arith.constant 16 : index
        %get3A_1240 = tpu.vector_load %arg8[%get3A_1238, %get3A_1239] {strides = array<i32>} : memref<640x32xf32, #tpu.memory_space<vmem>>, vector<16xf32>,
        %add3A_1241 = arith.addf %add3A_1185, %get3A_1240 : vector<16xf32>
        %add3A_1242 = arith.constant 36 : i32
        %add3A_1243 = arith.addi %mul3A_224, %add3A_1242 : i32
        %add3A_1244 = arith.constant 1 : i32
        %add3A_1245 = arith.addi %add3A_1243, %add3A_1244 : i32
        %get3A_1246 = arith.index_cast %add3A_1245 : i32 to index
        %get3A_1247 = arith.constant 16 : index
        %get3A_1248 = tpu.vector_load %arg8[%get3A_1246, %get3A_1247] {strides = array<i32>} : memref<640x32xf32, #tpu.memory_space<vmem>>, vector<16xf32>,
        %add3A_1249 = arith.addf %add3A_1193, %get3A_1248 : vector<16xf32>
        %add3A_1250 = arith.constant 36 : i32
        %add3A_1251 = arith.addi %mul3A_224, %add3A_1250 : i32
        %get3A_1252 = arith.index_cast %add3A_1251 : i32 to index
        %get3A_1253 = arith.constant 16 : index
        %get3A_1254 = tpu.vector_load %arg10[%get3A_1252, %get3A_1253] {strides = array<i32>} : memref<640x32xf32, #tpu.memory_space<vmem>>, vector<16xf32>,
        %add3A_1255 = arith.addf %add3A_1199, %get3A_1254 : vector<16xf32>
        %add3A_1256 = arith.constant 36 : i32
        %add3A_1257 = arith.addi %mul3A_224, %add3A_1256 : i32
        %add3A_1258 = arith.constant 1 : i32
        %add3A_1259 = arith.addi %add3A_1257, %add3A_1258 : i32
        %get3A_1260 = arith.index_cast %add3A_1259 : i32 to index
        %get3A_1261 = arith.constant 16 : index
        %get3A_1262 = tpu.vector_load %arg10[%get3A_1260, %get3A_1261] {strides = array<i32>} : memref<640x32xf32, #tpu.memory_space<vmem>>, vector<16xf32>,
        %add3A_1263 = arith.addf %add3A_1207, %get3A_1262 : vector<16xf32>
        %add3A_1264 = arith.constant 38 : i32
        %add3A_1265 = arith.addi %mul3A_224, %add3A_1264 : i32
        %get3A_1266 = arith.index_cast %add3A_1265 : i32 to index
        %get3A_1267 = arith.constant 0 : index
        %get3A_1268 = tpu.vector_load %arg8[%get3A_1266, %get3A_1267] {strides = array<i32>} : memref<640x32xf32, #tpu.memory_space<vmem>>, vector<16xf32>,
        %add3A_1269 = arith.addf %add3A_1213, %get3A_1268 : vector<16xf32>
        %add3A_1270 = arith.constant 38 : i32
        %add3A_1271 = arith.addi %mul3A_224, %add3A_1270 : i32
        %add3A_1272 = arith.constant 1 : i32
        %add3A_1273 = arith.addi %add3A_1271, %add3A_1272 : i32
        %get3A_1274 = arith.index_cast %add3A_1273 : i32 to index
        %get3A_1275 = arith.constant 0 : index
        %get3A_1276 = tpu.vector_load %arg8[%get3A_1274, %get3A_1275] {strides = array<i32>} : memref<640x32xf32, #tpu.memory_space<vmem>>, vector<16xf32>,
        %add3A_1277 = arith.addf %add3A_1221, %get3A_1276 : vector<16xf32>
        %add3A_1278 = arith.constant 38 : i32
        %add3A_1279 = arith.addi %mul3A_224, %add3A_1278 : i32
        %get3A_1280 = arith.index_cast %add3A_1279 : i32 to index
        %get3A_1281 = arith.constant 0 : index
        %get3A_1282 = tpu.vector_load %arg10[%get3A_1280, %get3A_1281] {strides = array<i32>} : memref<640x32xf32, #tpu.memory_space<vmem>>, vector<16xf32>,
        %add3A_1283 = arith.addf %add3A_1227, %get3A_1282 : vector<16xf32>
        %add3A_1284 = arith.constant 38 : i32
        %add3A_1285 = arith.addi %mul3A_224, %add3A_1284 : i32
        %add3A_1286 = arith.constant 1 : i32
        %add3A_1287 = arith.addi %add3A_1285, %add3A_1286 : i32
        %get3A_1288 = arith.index_cast %add3A_1287 : i32 to index
        %get3A_1289 = arith.constant 0 : index
        %get3A_1290 = tpu.vector_load %arg10[%get3A_1288, %get3A_1289] {strides = array<i32>} : memref<640x32xf32, #tpu.memory_space<vmem>>, vector<16xf32>,
        %add3A_1291 = arith.addf %add3A_1235, %get3A_1290 : vector<16xf32>
        %add3A_1292 = arith.constant 38 : i32
        %add3A_1293 = arith.addi %mul3A_224, %add3A_1292 : i32
        %get3A_1294 = arith.index_cast %add3A_1293 : i32 to index
        %get3A_1295 = arith.constant 16 : index
        %get3A_1296 = tpu.vector_load %arg8[%get3A_1294, %get3A_1295] {strides = array<i32>} : memref<640x32xf32, #tpu.memory_space<vmem>>, vector<16xf32>,
        %add3A_1297 = arith.addf %add3A_1241, %get3A_1296 : vector<16xf32>
        %add3A_1298 = arith.constant 38 : i32
        %add3A_1299 = arith.addi %mul3A_224, %add3A_1298 : i32
        %add3A_1300 = arith.constant 1 : i32
        %add3A_1301 = arith.addi %add3A_1299, %add3A_1300 : i32
        %get3A_1302 = arith.index_cast %add3A_1301 : i32 to index
        %get3A_1303 = arith.constant 16 : index
        %get3A_1304 = tpu.vector_load %arg8[%get3A_1302, %get3A_1303] {strides = array<i32>} : memref<640x32xf32, #tpu.memory_space<vmem>>, vector<16xf32>,
        %add3A_1305 = arith.addf %add3A_1249, %get3A_1304 : vector<16xf32>
        %add3A_1306 = arith.constant 38 : i32
        %add3A_1307 = arith.addi %mul3A_224, %add3A_1306 : i32
        %get3A_1308 = arith.index_cast %add3A_1307 : i32 to index
        %get3A_1309 = arith.constant 16 : index
        %get3A_1310 = tpu.vector_load %arg10[%get3A_1308, %get3A_1309] {strides = array<i32>} : memref<640x32xf32, #tpu.memory_space<vmem>>, vector<16xf32>,
        %add3A_1311 = arith.addf %add3A_1255, %get3A_1310 : vector<16xf32>
        %add3A_1312 = arith.constant 38 : i32
        %add3A_1313 = arith.addi %mul3A_224, %add3A_1312 : i32
        %add3A_1314 = arith.constant 1 : i32
        %add3A_1315 = arith.addi %add3A_1313, %add3A_1314 : i32
        %get3A_1316 = arith.index_cast %add3A_1315 : i32 to index
        %get3A_1317 = arith.constant 16 : index
        %get3A_1318 = tpu.vector_load %arg10[%get3A_1316, %get3A_1317] {strides = array<i32>} : memref<640x32xf32, #tpu.memory_space<vmem>>, vector<16xf32>,
        %add3A_1319 = arith.addf %add3A_1263, %get3A_1318 : vector<16xf32>
        %mul3A_1320 = arith.mulf %add3A_1269, %add3A_1283 : vector<16xf32>
        %mul3A_1321 = arith.mulf %add3A_1277, %add3A_1291 : vector<16xf32>
        %add3A_1322 = arith.addf %mul3A_1320, %mul3A_1321 : vector<16xf32>
        %mul3A_1323 = arith.mulf %add3A_1297, %add3A_1311 : vector<16xf32>
        %mul3A_1324 = arith.mulf %add3A_1305, %add3A_1319 : vector<16xf32>
        %add3A_1325 = arith.addf %mul3A_1323, %mul3A_1324 : vector<16xf32>
        %add3A_1326 = arith.addf %add3A_1322, %add3A_1325 : vector<16xf32>
        %swap3A_1327 = arith.index_cast %scan3A_222 : i32 to index
        %swap3A_1328 = arith.constant 0 : index
        %swap3A_1329 = tpu.vector_load %arg12[%swap3A_1327, %swap3A_1328] {strides = array<i32>} : memref<16x16xf32, #tpu.memory_space<vmem>>, vector<16xf32>,
        tpu.vector_store %arg12[%swap3A_1327, %swap3A_1328], %add3A_1326 {strides = array<i32>} : memref<16x16xf32, #tpu.memory_space<vmem>>, vector<16xf32>,
      }
      %scan3A_44 = arith.constant 16 : i32
      %broadcast_in_dim3A = arith.constant 0 : i32
      %broadcast_in_dim3A_45 = vector.broadcast %broadcast_in_dim3A : i32 to vector<16xi32>
      %gather3A = tpu.vector_load_idx %arg12[%iota3A, %broadcast_in_dim3A_45] : memref<16x16xf32, #tpu.memory_space<vmem>>[vector<16xi32>, vector<16xi32>], vector<16xf32>,
      %broadcast_in_dim3A_46 = arith.constant 1 : i32
      %broadcast_in_dim3A_47 = vector.broadcast %broadcast_in_dim3A_46 : i32 to vector<16xi32>
      %gather3A_48 = tpu.vector_load_idx %arg12[%iota3A, %broadcast_in_dim3A_47] : memref<16x16xf32, #tpu.memory_space<vmem>>[vector<16xi32>, vector<16xi32>], vector<16xf32>,
      %add3A_49 = arith.addf %gather3A, %gather3A_48 : vector<16xf32>
      %broadcast_in_dim3A_50 = arith.constant 2 : i32
      %broadcast_in_dim3A_51 = vector.broadcast %broadcast_in_dim3A_50 : i32 to vector<16xi32>
      %gather3A_52 = tpu.vector_load_idx %arg12[%iota3A, %broadcast_in_dim3A_51] : memref<16x16xf32, #tpu.memory_space<vmem>>[vector<16xi32>, vector<16xi32>], vector<16xf32>,
      %add3A_53 = arith.addf %add3A_49, %gather3A_52 : vector<16xf32>
      %broadcast_in_dim3A_54 = arith.constant 3 : i32
      %broadcast_in_dim3A_55 = vector.broadcast %broadcast_in_dim3A_54 : i32 to vector<16xi32>
      %gather3A_56 = tpu.vector_load_idx %arg12[%iota3A, %broadcast_in_dim3A_55] : memref<16x16xf32, #tpu.memory_space<vmem>>[vector<16xi32>, vector<16xi32>], vector<16xf32>,
      %add3A_57 = arith.addf %add3A_53, %gather3A_56 : vector<16xf32>
      %broadcast_in_dim3A_58 = arith.constant 4 : i32
      %broadcast_in_dim3A_59 = vector.broadcast %broadcast_in_dim3A_58 : i32 to vector<16xi32>
      %gather3A_60 = tpu.vector_load_idx %arg12[%iota3A, %broadcast_in_dim3A_59] : memref<16x16xf32, #tpu.memory_space<vmem>>[vector<16xi32>, vector<16xi32>], vector<16xf32>,
      %add3A_61 = arith.addf %add3A_57, %gather3A_60 : vector<16xf32>
      %broadcast_in_dim3A_62 = arith.constant 5 : i32
      %broadcast_in_dim3A_63 = vector.broadcast %broadcast_in_dim3A_62 : i32 to vector<16xi32>
      %gather3A_64 = tpu.vector_load_idx %arg12[%iota3A, %broadcast_in_dim3A_63] : memref<16x16xf32, #tpu.memory_space<vmem>>[vector<16xi32>, vector<16xi32>], vector<16xf32>,
      %add3A_65 = arith.addf %add3A_61, %gather3A_64 : vector<16xf32>
      %broadcast_in_dim3A_66 = arith.constant 6 : i32
      %broadcast_in_dim3A_67 = vector.broadcast %broadcast_in_dim3A_66 : i32 to vector<16xi32>
      %gather3A_68 = tpu.vector_load_idx %arg12[%iota3A, %broadcast_in_dim3A_67] : memref<16x16xf32, #tpu.memory_space<vmem>>[vector<16xi32>, vector<16xi32>], vector<16xf32>,
      %add3A_69 = arith.addf %add3A_65, %gather3A_68 : vector<16xf32>
      %broadcast_in_dim3A_70 = arith.constant 7 : i32
      %broadcast_in_dim3A_71 = vector.broadcast %broadcast_in_dim3A_70 : i32 to vector<16xi32>
      %gather3A_72 = tpu.vector_load_idx %arg12[%iota3A, %broadcast_in_dim3A_71] : memref<16x16xf32, #tpu.memory_space<vmem>>[vector<16xi32>, vector<16xi32>], vector<16xf32>,
      %add3A_73 = arith.addf %add3A_69, %gather3A_72 : vector<16xf32>
      %broadcast_in_dim3A_74 = arith.constant 8 : i32
      %broadcast_in_dim3A_75 = vector.broadcast %broadcast_in_dim3A_74 : i32 to vector<16xi32>
      %gather3A_76 = tpu.vector_load_idx %arg12[%iota3A, %broadcast_in_dim3A_75] : memref<16x16xf32, #tpu.memory_space<vmem>>[vector<16xi32>, vector<16xi32>], vector<16xf32>,
      %add3A_77 = arith.addf %add3A_73, %gather3A_76 : vector<16xf32>
      %broadcast_in_dim3A_78 = arith.constant 9 : i32
      %broadcast_in_dim3A_79 = vector.broadcast %broadcast_in_dim3A_78 : i32 to vector<16xi32>
      %gather3A_80 = tpu.vector_load_idx %arg12[%iota3A, %broadcast_in_dim3A_79] : memref<16x16xf32, #tpu.memory_space<vmem>>[vector<16xi32>, vector<16xi32>], vector<16xf32>,
      %add3A_81 = arith.addf %add3A_77, %gather3A_80 : vector<16xf32>
      %broadcast_in_dim3A_82 = arith.constant 10 : i32
      %broadcast_in_dim3A_83 = vector.broadcast %broadcast_in_dim3A_82 : i32 to vector<16xi32>
      %gather3A_84 = tpu.vector_load_idx %arg12[%iota3A, %broadcast_in_dim3A_83] : memref<16x16xf32, #tpu.memory_space<vmem>>[vector<16xi32>, vector<16xi32>], vector<16xf32>,
      %add3A_85 = arith.addf %add3A_81, %gather3A_84 : vector<16xf32>
      %broadcast_in_dim3A_86 = arith.constant 11 : i32
      %broadcast_in_dim3A_87 = vector.broadcast %broadcast_in_dim3A_86 : i32 to vector<16xi32>
      %gather3A_88 = tpu.vector_load_idx %arg12[%iota3A, %broadcast_in_dim3A_87] : memref<16x16xf32, #tpu.memory_space<vmem>>[vector<16xi32>, vector<16xi32>], vector<16xf32>,
      %add3A_89 = arith.addf %add3A_85, %gather3A_88 : vector<16xf32>
      %broadcast_in_dim3A_90 = arith.constant 12 : i32
      %broadcast_in_dim3A_91 = vector.broadcast %broadcast_in_dim3A_90 : i32 to vector<16xi32>
      %gather3A_92 = tpu.vector_load_idx %arg12[%iota3A, %broadcast_in_dim3A_91] : memref<16x16xf32, #tpu.memory_space<vmem>>[vector<16xi32>, vector<16xi32>], vector<16xf32>,
      %add3A_93 = arith.addf %add3A_89, %gather3A_92 : vector<16xf32>
      %broadcast_in_dim3A_94 = arith.constant 13 : i32
      %broadcast_in_dim3A_95 = vector.broadcast %broadcast_in_dim3A_94 : i32 to vector<16xi32>
      %gather3A_96 = tpu.vector_load_idx %arg12[%iota3A, %broadcast_in_dim3A_95] : memref<16x16xf32, #tpu.memory_space<vmem>>[vector<16xi32>, vector<16xi32>], vector<16xf32>,
      %add3A_97 = arith.addf %add3A_93, %gather3A_96 : vector<16xf32>
      %broadcast_in_dim3A_98 = arith.constant 14 : i32
      %broadcast_in_dim3A_99 = vector.broadcast %broadcast_in_dim3A_98 : i32 to vector<16xi32>
      %gather3A_100 = tpu.vector_load_idx %arg12[%iota3A, %broadcast_in_dim3A_99] : memref<16x16xf32, #tpu.memory_space<vmem>>[vector<16xi32>, vector<16xi32>], vector<16xf32>,
      %add3A_101 = arith.addf %add3A_97, %gather3A_100 : vector<16xf32>
      %broadcast_in_dim3A_102 = arith.constant 15 : i32
      %broadcast_in_dim3A_103 = vector.broadcast %broadcast_in_dim3A_102 : i32 to vector<16xi32>
      %gather3A_104 = tpu.vector_load_idx %arg12[%iota3A, %broadcast_in_dim3A_103] : memref<16x16xf32, #tpu.memory_space<vmem>>[vector<16xi32>, vector<16xi32>], vector<16xf32>,
      %add3A_105 = arith.addf %add3A_101, %gather3A_104 : vector<16xf32>
      %neg3A = arith.constant 0.000000e+00 : f32
      %neg3A_106 = vector.broadcast %neg3A : f32 to vector<16xf32>
      %neg3A_107 = arith.subf %neg3A_106, %add3A_105 : vector<16xf32>
      %exp3A = math.exp %neg3A_107 : vector<16xf32>
      %add3A_108 = arith.constant 1.000000e+00 : f32
      %add3A_109 = vector.broadcast %add3A_108 : f32 to vector<16xf32>
      %add3A_110 = arith.addf %add3A_109, %exp3A : vector<16xf32>
      %div3A = arith.constant 1.000000e+00 : f32
      %div3A_111 = vector.broadcast %div3A : f32 to vector<16xf32>
      %div3A_112 = arith.divf %div3A_111, %add3A_110 : vector<16xf32>
      %mul3A_113 = arith.constant 16 : i32
      %mul3A_114 = arith.muli %mul3A_23, %mul3A_113 : i32
      %swap3A = arith.index_cast %mul3A_114 : i32 to index
      %swap3A_115 = tpu.vector_load %arg13[%swap3A] {strides = array<i32>} : memref<512xf32, #tpu.memory_space<vmem>>, vector<16xf32>,
      tpu.vector_store %arg13[%swap3A], %div3A_112 {strides = array<i32>} : memref<512xf32, #tpu.memory_space<vmem>>, vector<16xf32>,
      %mul3A_116 = arith.constant 2 : i32
      %mul3A_117 = arith.muli %mul3A_116, %scan3A_21 : i32
      %add3A_118 = arith.constant 1 : i32
      %add3A_119 = arith.addi %mul3A_117, %add3A_118 : i32
      %add3A_120 = arith.constant 1 : i32
      %add3A_121 = arith.addi %add3A_119, %add3A_120 : i32
      %lt3A_122 = arith.constant 32 : i32
      %lt3A_123 = arith.cmpi slt, %add3A_121, %lt3A_122 : i32
      %convert_element_type3A_124 = arith.extui %lt3A_123 : i1 to i32
      %cond3A_125 = arith.constant 0 : i32
      %cond3A_126 = arith.cmpi ne, %convert_element_type3A_124, %cond3A_125 : i32
      scf.if %cond3A_126 {
        %mul3A_222 = arith.constant 640 : i32
        %mul3A_223 = arith.muli %add3A_121, %mul3A_222 : i32
        %dma_start3A_224 = tpu.memref_slice %arg6[%mul3A_223] : memref<20480xi32, #tpu.memory_space<vmem>> -> memref<640xi32, #tpu.memory_space<vmem>>
        %dma_start3A_225 = arith.constant 0 : i32
        %dma_start3A_226 = arith.constant 0 : i32
        %dma_start3A_227 = tpu.memref_slice %arg4[%dma_start3A_225, %dma_start3A_226] : memref<2000000x32xf32, #tpu.memory_space<hbm>> -> memref<2000000x32xf32, #tpu.memory_space<hbm>>
        tpu.enqueue_indirect_dma source(%dma_start3A_227 : memref<2000000x32xf32, #tpu.memory_space<hbm>>) target(%arg8 : memref<640x32xf32, #tpu.memory_space<vmem>>) offsets(%dma_start3A_224 : memref<640xi32, #tpu.memory_space<vmem>>) semaphore(%arg14 : memref<!tpu.dma_semaphore, #tpu.memory_space<semaphore_mem>>)
        %mul3A_228 = arith.constant 640 : i32
        %mul3A_229 = arith.muli %add3A_121, %mul3A_228 : i32
        %dma_start3A_230 = tpu.memref_slice %arg7[%mul3A_229] : memref<20480xi32, #tpu.memory_space<vmem>> -> memref<640xi32, #tpu.memory_space<vmem>>
        %dma_start3A_231 = arith.constant 0 : i32
        %dma_start3A_232 = arith.constant 0 : i32
        %dma_start3A_233 = tpu.memref_slice %arg4[%dma_start3A_231, %dma_start3A_232] : memref<2000000x32xf32, #tpu.memory_space<hbm>> -> memref<2000000x32xf32, #tpu.memory_space<hbm>>
        tpu.enqueue_indirect_dma source(%dma_start3A_233 : memref<2000000x32xf32, #tpu.memory_space<hbm>>) target(%arg10 : memref<640x32xf32, #tpu.memory_space<vmem>>) offsets(%dma_start3A_230 : memref<640xi32, #tpu.memory_space<vmem>>) semaphore(%arg14 : memref<!tpu.dma_semaphore, #tpu.memory_space<semaphore_mem>>)
      } else {
      }
      %dma_wait3A_127 = arith.constant 0 : i32
      %dma_wait3A_128 = arith.constant 0 : i32
      %dma_wait3A_129 = tpu.memref_slice %arg4[%dma_wait3A_127, %dma_wait3A_128] : memref<2000000x32xf32, #tpu.memory_space<hbm>> -> memref<640x32xf32, #tpu.memory_space<hbm>>
      %dma_wait3A_130 = arith.constant 0 : i32
      %dma_wait3A_131 = arith.constant 0 : i32
      %dma_wait3A_132 = tpu.memref_slice %arg4[%dma_wait3A_130, %dma_wait3A_131] : memref<2000000x32xf32, #tpu.memory_space<hbm>> -> memref<640x32xf32, #tpu.memory_space<hbm>>
      tpu.wait_dma2 semaphore(%arg15 : memref<!tpu.dma_semaphore, #tpu.memory_space<semaphore_mem>>) src(%dma_wait3A_132 : memref<640x32xf32, #tpu.memory_space<hbm>>) dst(%arg9 : memref<640x32xf32, #tpu.memory_space<vmem>>)
      %dma_wait3A_133 = arith.constant 0 : i32
      %dma_wait3A_134 = arith.constant 0 : i32
      %dma_wait3A_135 = tpu.memref_slice %arg4[%dma_wait3A_133, %dma_wait3A_134] : memref<2000000x32xf32, #tpu.memory_space<hbm>> -> memref<640x32xf32, #tpu.memory_space<hbm>>
      %dma_wait3A_136 = arith.constant 0 : i32
      %dma_wait3A_137 = arith.constant 0 : i32
      %dma_wait3A_138 = tpu.memref_slice %arg4[%dma_wait3A_136, %dma_wait3A_137] : memref<2000000x32xf32, #tpu.memory_space<hbm>> -> memref<640x32xf32, #tpu.memory_space<hbm>>
      tpu.wait_dma2 semaphore(%arg15 : memref<!tpu.dma_semaphore, #tpu.memory_space<semaphore_mem>>) src(%dma_wait3A_138 : memref<640x32xf32, #tpu.memory_space<hbm>>) dst(%arg11 : memref<640x32xf32, #tpu.memory_space<vmem>>)
      %scan3A_139 = arith.constant 0 : i32
      %scan3A_140 = arith.constant 0 : i32
      %scan3A_141 = arith.constant 16 : i32
      %scan3A_142 = arith.addi %scan3A_140, %scan3A_141 : i32
      %scan3A_143 = arith.constant 1 : i32
      scf.for %scan3A_222 = %scan3A_140 to %scan3A_142 step %scan3A_143  : i32 {
        %mul3A_223 = arith.constant 40 : i32
        %mul3A_224 = arith.muli %scan3A_222, %mul3A_223 : i32
        %get3A = arith.index_cast %mul3A_224 : i32 to index
        %get3A_225 = arith.constant 0 : index
        %get3A_226 = tpu.vector_load %arg9[%get3A, %get3A_225] {strides = array<i32>} : memref<640x32xf32, #tpu.memory_space<vmem>>, vector<16xf32>,
        %get3A_227 = arith.index_cast %mul3A_224 : i32 to index
        %get3A_228 = arith.constant 16 : index
        %get3A_229 = tpu.vector_load %arg9[%get3A_227, %get3A_228] {strides = array<i32>} : memref<640x32xf32, #tpu.memory_space<vmem>>, vector<16xf32>,
        %add3A_230 = arith.constant 1 : i32
        %add3A_231 = arith.addi %mul3A_224, %add3A_230 : i32
        %get3A_232 = arith.index_cast %add3A_231 : i32 to index
        %get3A_233 = arith.constant 0 : index
        %get3A_234 = tpu.vector_load %arg9[%get3A_232, %get3A_233] {strides = array<i32>} : memref<640x32xf32, #tpu.memory_space<vmem>>, vector<16xf32>,
        %add3A_235 = arith.constant 1 : i32
        %add3A_236 = arith.addi %mul3A_224, %add3A_235 : i32
        %get3A_237 = arith.index_cast %add3A_236 : i32 to index
        %get3A_238 = arith.constant 16 : index
        %get3A_239 = tpu.vector_load %arg9[%get3A_237, %get3A_238] {strides = array<i32>} : memref<640x32xf32, #tpu.memory_space<vmem>>, vector<16xf32>,
        %get3A_240 = arith.index_cast %mul3A_224 : i32 to index
        %get3A_241 = arith.constant 0 : index
        %get3A_242 = tpu.vector_load %arg11[%get3A_240, %get3A_241] {strides = array<i32>} : memref<640x32xf32, #tpu.memory_space<vmem>>, vector<16xf32>,
        %get3A_243 = arith.index_cast %mul3A_224 : i32 to index
        %get3A_244 = arith.constant 16 : index
        %get3A_245 = tpu.vector_load %arg11[%get3A_243, %get3A_244] {strides = array<i32>} : memref<640x32xf32, #tpu.memory_space<vmem>>, vector<16xf32>,
        %add3A_246 = arith.constant 1 : i32
        %add3A_247 = arith.addi %mul3A_224, %add3A_246 : i32
        %get3A_248 = arith.index_cast %add3A_247 : i32 to index
        %get3A_249 = arith.constant 0 : index
        %get3A_250 = tpu.vector_load %arg11[%get3A_248, %get3A_249] {strides = array<i32>} : memref<640x32xf32, #tpu.memory_space<vmem>>, vector<16xf32>,
        %add3A_251 = arith.constant 1 : i32
        %add3A_252 = arith.addi %mul3A_224, %add3A_251 : i32
        %get3A_253 = arith.index_cast %add3A_252 : i32 to index
        %get3A_254 = arith.constant 16 : index
        %get3A_255 = tpu.vector_load %arg11[%get3A_253, %get3A_254] {strides = array<i32>} : memref<640x32xf32, #tpu.memory_space<vmem>>, vector<16xf32>,
        %add3A_256 = arith.constant 2 : i32
        %add3A_257 = arith.addi %mul3A_224, %add3A_256 : i32
        %get3A_258 = arith.index_cast %add3A_257 : i32 to index
        %get3A_259 = arith.constant 0 : index
        %get3A_260 = tpu.vector_load %arg9[%get3A_258, %get3A_259] {strides = array<i32>} : memref<640x32xf32, #tpu.memory_space<vmem>>, vector<16xf32>,
        %add3A_261 = arith.addf %get3A_226, %get3A_260 : vector<16xf32>
        %add3A_262 = arith.constant 2 : i32
        %add3A_263 = arith.addi %mul3A_224, %add3A_262 : i32
        %add3A_264 = arith.constant 1 : i32
        %add3A_265 = arith.addi %add3A_263, %add3A_264 : i32
        %get3A_266 = arith.index_cast %add3A_265 : i32 to index
        %get3A_267 = arith.constant 0 : index
        %get3A_268 = tpu.vector_load %arg9[%get3A_266, %get3A_267] {strides = array<i32>} : memref<640x32xf32, #tpu.memory_space<vmem>>, vector<16xf32>,
        %add3A_269 = arith.addf %get3A_234, %get3A_268 : vector<16xf32>
        %add3A_270 = arith.constant 2 : i32
        %add3A_271 = arith.addi %mul3A_224, %add3A_270 : i32
        %get3A_272 = arith.index_cast %add3A_271 : i32 to index
        %get3A_273 = arith.constant 0 : index
        %get3A_274 = tpu.vector_load %arg11[%get3A_272, %get3A_273] {strides = array<i32>} : memref<640x32xf32, #tpu.memory_space<vmem>>, vector<16xf32>,
        %add3A_275 = arith.addf %get3A_242, %get3A_274 : vector<16xf32>
        %add3A_276 = arith.constant 2 : i32
        %add3A_277 = arith.addi %mul3A_224, %add3A_276 : i32
        %add3A_278 = arith.constant 1 : i32
        %add3A_279 = arith.addi %add3A_277, %add3A_278 : i32
        %get3A_280 = arith.index_cast %add3A_279 : i32 to index
        %get3A_281 = arith.constant 0 : index
        %get3A_282 = tpu.vector_load %arg11[%get3A_280, %get3A_281] {strides = array<i32>} : memref<640x32xf32, #tpu.memory_space<vmem>>, vector<16xf32>,
        %add3A_283 = arith.addf %get3A_250, %get3A_282 : vector<16xf32>
        %add3A_284 = arith.constant 2 : i32
        %add3A_285 = arith.addi %mul3A_224, %add3A_284 : i32
        %get3A_286 = arith.index_cast %add3A_285 : i32 to index
        %get3A_287 = arith.constant 16 : index
        %get3A_288 = tpu.vector_load %arg9[%get3A_286, %get3A_287] {strides = array<i32>} : memref<640x32xf32, #tpu.memory_space<vmem>>, vector<16xf32>,
        %add3A_289 = arith.addf %get3A_229, %get3A_288 : vector<16xf32>
        %add3A_290 = arith.constant 2 : i32
        %add3A_291 = arith.addi %mul3A_224, %add3A_290 : i32
        %add3A_292 = arith.constant 1 : i32
        %add3A_293 = arith.addi %add3A_291, %add3A_292 : i32
        %get3A_294 = arith.index_cast %add3A_293 : i32 to index
        %get3A_295 = arith.constant 16 : index
        %get3A_296 = tpu.vector_load %arg9[%get3A_294, %get3A_295] {strides = array<i32>} : memref<640x32xf32, #tpu.memory_space<vmem>>, vector<16xf32>,
        %add3A_297 = arith.addf %get3A_239, %get3A_296 : vector<16xf32>
        %add3A_298 = arith.constant 2 : i32
        %add3A_299 = arith.addi %mul3A_224, %add3A_298 : i32
        %get3A_300 = arith.index_cast %add3A_299 : i32 to index
        %get3A_301 = arith.constant 16 : index
        %get3A_302 = tpu.vector_load %arg11[%get3A_300, %get3A_301] {strides = array<i32>} : memref<640x32xf32, #tpu.memory_space<vmem>>, vector<16xf32>,
        %add3A_303 = arith.addf %get3A_245, %get3A_302 : vector<16xf32>
        %add3A_304 = arith.constant 2 : i32
        %add3A_305 = arith.addi %mul3A_224, %add3A_304 : i32
        %add3A_306 = arith.constant 1 : i32
        %add3A_307 = arith.addi %add3A_305, %add3A_306 : i32
        %get3A_308 = arith.index_cast %add3A_307 : i32 to index
        %get3A_309 = arith.constant 16 : index
        %get3A_310 = tpu.vector_load %arg11[%get3A_308, %get3A_309] {strides = array<i32>} : memref<640x32xf32, #tpu.memory_space<vmem>>, vector<16xf32>,
        %add3A_311 = arith.addf %get3A_255, %get3A_310 : vector<16xf32>
        %add3A_312 = arith.constant 4 : i32
        %add3A_313 = arith.addi %mul3A_224, %add3A_312 : i32
        %get3A_314 = arith.index_cast %add3A_313 : i32 to index
        %get3A_315 = arith.constant 0 : index
        %get3A_316 = tpu.vector_load %arg9[%get3A_314, %get3A_315] {strides = array<i32>} : memref<640x32xf32, #tpu.memory_space<vmem>>, vector<16xf32>,
        %add3A_317 = arith.addf %add3A_261, %get3A_316 : vector<16xf32>
        %add3A_318 = arith.constant 4 : i32
        %add3A_319 = arith.addi %mul3A_224, %add3A_318 : i32
        %add3A_320 = arith.constant 1 : i32
        %add3A_321 = arith.addi %add3A_319, %add3A_320 : i32
        %get3A_322 = arith.index_cast %add3A_321 : i32 to index
        %get3A_323 = arith.constant 0 : index
        %get3A_324 = tpu.vector_load %arg9[%get3A_322, %get3A_323] {strides = array<i32>} : memref<640x32xf32, #tpu.memory_space<vmem>>, vector<16xf32>,
        %add3A_325 = arith.addf %add3A_269, %get3A_324 : vector<16xf32>
        %add3A_326 = arith.constant 4 : i32
        %add3A_327 = arith.addi %mul3A_224, %add3A_326 : i32
        %get3A_328 = arith.index_cast %add3A_327 : i32 to index
        %get3A_329 = arith.constant 0 : index
        %get3A_330 = tpu.vector_load %arg11[%get3A_328, %get3A_329] {strides = array<i32>} : memref<640x32xf32, #tpu.memory_space<vmem>>, vector<16xf32>,
        %add3A_331 = arith.addf %add3A_275, %get3A_330 : vector<16xf32>
        %add3A_332 = arith.constant 4 : i32
        %add3A_333 = arith.addi %mul3A_224, %add3A_332 : i32
        %add3A_334 = arith.constant 1 : i32
        %add3A_335 = arith.addi %add3A_333, %add3A_334 : i32
        %get3A_336 = arith.index_cast %add3A_335 : i32 to index
        %get3A_337 = arith.constant 0 : index
        %get3A_338 = tpu.vector_load %arg11[%get3A_336, %get3A_337] {strides = array<i32>} : memref<640x32xf32, #tpu.memory_space<vmem>>, vector<16xf32>,
        %add3A_339 = arith.addf %add3A_283, %get3A_338 : vector<16xf32>
        %add3A_340 = arith.constant 4 : i32
        %add3A_341 = arith.addi %mul3A_224, %add3A_340 : i32
        %get3A_342 = arith.index_cast %add3A_341 : i32 to index
        %get3A_343 = arith.constant 16 : index
        %get3A_344 = tpu.vector_load %arg9[%get3A_342, %get3A_343] {strides = array<i32>} : memref<640x32xf32, #tpu.memory_space<vmem>>, vector<16xf32>,
        %add3A_345 = arith.addf %add3A_289, %get3A_344 : vector<16xf32>
        %add3A_346 = arith.constant 4 : i32
        %add3A_347 = arith.addi %mul3A_224, %add3A_346 : i32
        %add3A_348 = arith.constant 1 : i32
        %add3A_349 = arith.addi %add3A_347, %add3A_348 : i32
        %get3A_350 = arith.index_cast %add3A_349 : i32 to index
        %get3A_351 = arith.constant 16 : index
        %get3A_352 = tpu.vector_load %arg9[%get3A_350, %get3A_351] {strides = array<i32>} : memref<640x32xf32, #tpu.memory_space<vmem>>, vector<16xf32>,
        %add3A_353 = arith.addf %add3A_297, %get3A_352 : vector<16xf32>
        %add3A_354 = arith.constant 4 : i32
        %add3A_355 = arith.addi %mul3A_224, %add3A_354 : i32
        %get3A_356 = arith.index_cast %add3A_355 : i32 to index
        %get3A_357 = arith.constant 16 : index
        %get3A_358 = tpu.vector_load %arg11[%get3A_356, %get3A_357] {strides = array<i32>} : memref<640x32xf32, #tpu.memory_space<vmem>>, vector<16xf32>,
        %add3A_359 = arith.addf %add3A_303, %get3A_358 : vector<16xf32>
        %add3A_360 = arith.constant 4 : i32
        %add3A_361 = arith.addi %mul3A_224, %add3A_360 : i32
        %add3A_362 = arith.constant 1 : i32
        %add3A_363 = arith.addi %add3A_361, %add3A_362 : i32
        %get3A_364 = arith.index_cast %add3A_363 : i32 to index
        %get3A_365 = arith.constant 16 : index
        %get3A_366 = tpu.vector_load %arg11[%get3A_364, %get3A_365] {strides = array<i32>} : memref<640x32xf32, #tpu.memory_space<vmem>>, vector<16xf32>,
        %add3A_367 = arith.addf %add3A_311, %get3A_366 : vector<16xf32>
        %add3A_368 = arith.constant 6 : i32
        %add3A_369 = arith.addi %mul3A_224, %add3A_368 : i32
        %get3A_370 = arith.index_cast %add3A_369 : i32 to index
        %get3A_371 = arith.constant 0 : index
        %get3A_372 = tpu.vector_load %arg9[%get3A_370, %get3A_371] {strides = array<i32>} : memref<640x32xf32, #tpu.memory_space<vmem>>, vector<16xf32>,
        %add3A_373 = arith.addf %add3A_317, %get3A_372 : vector<16xf32>
        %add3A_374 = arith.constant 6 : i32
        %add3A_375 = arith.addi %mul3A_224, %add3A_374 : i32
        %add3A_376 = arith.constant 1 : i32
        %add3A_377 = arith.addi %add3A_375, %add3A_376 : i32
        %get3A_378 = arith.index_cast %add3A_377 : i32 to index
        %get3A_379 = arith.constant 0 : index
        %get3A_380 = tpu.vector_load %arg9[%get3A_378, %get3A_379] {strides = array<i32>} : memref<640x32xf32, #tpu.memory_space<vmem>>, vector<16xf32>,
        %add3A_381 = arith.addf %add3A_325, %get3A_380 : vector<16xf32>
        %add3A_382 = arith.constant 6 : i32
        %add3A_383 = arith.addi %mul3A_224, %add3A_382 : i32
        %get3A_384 = arith.index_cast %add3A_383 : i32 to index
        %get3A_385 = arith.constant 0 : index
        %get3A_386 = tpu.vector_load %arg11[%get3A_384, %get3A_385] {strides = array<i32>} : memref<640x32xf32, #tpu.memory_space<vmem>>, vector<16xf32>,
        %add3A_387 = arith.addf %add3A_331, %get3A_386 : vector<16xf32>
        %add3A_388 = arith.constant 6 : i32
        %add3A_389 = arith.addi %mul3A_224, %add3A_388 : i32
        %add3A_390 = arith.constant 1 : i32
        %add3A_391 = arith.addi %add3A_389, %add3A_390 : i32
        %get3A_392 = arith.index_cast %add3A_391 : i32 to index
        %get3A_393 = arith.constant 0 : index
        %get3A_394 = tpu.vector_load %arg11[%get3A_392, %get3A_393] {strides = array<i32>} : memref<640x32xf32, #tpu.memory_space<vmem>>, vector<16xf32>,
        %add3A_395 = arith.addf %add3A_339, %get3A_394 : vector<16xf32>
        %add3A_396 = arith.constant 6 : i32
        %add3A_397 = arith.addi %mul3A_224, %add3A_396 : i32
        %get3A_398 = arith.index_cast %add3A_397 : i32 to index
        %get3A_399 = arith.constant 16 : index
        %get3A_400 = tpu.vector_load %arg9[%get3A_398, %get3A_399] {strides = array<i32>} : memref<640x32xf32, #tpu.memory_space<vmem>>, vector<16xf32>,
        %add3A_401 = arith.addf %add3A_345, %get3A_400 : vector<16xf32>
        %add3A_402 = arith.constant 6 : i32
        %add3A_403 = arith.addi %mul3A_224, %add3A_402 : i32
        %add3A_404 = arith.constant 1 : i32
        %add3A_405 = arith.addi %add3A_403, %add3A_404 : i32
        %get3A_406 = arith.index_cast %add3A_405 : i32 to index
        %get3A_407 = arith.constant 16 : index
        %get3A_408 = tpu.vector_load %arg9[%get3A_406, %get3A_407] {strides = array<i32>} : memref<640x32xf32, #tpu.memory_space<vmem>>, vector<16xf32>,
        %add3A_409 = arith.addf %add3A_353, %get3A_408 : vector<16xf32>
        %add3A_410 = arith.constant 6 : i32
        %add3A_411 = arith.addi %mul3A_224, %add3A_410 : i32
        %get3A_412 = arith.index_cast %add3A_411 : i32 to index
        %get3A_413 = arith.constant 16 : index
        %get3A_414 = tpu.vector_load %arg11[%get3A_412, %get3A_413] {strides = array<i32>} : memref<640x32xf32, #tpu.memory_space<vmem>>, vector<16xf32>,
        %add3A_415 = arith.addf %add3A_359, %get3A_414 : vector<16xf32>
        %add3A_416 = arith.constant 6 : i32
        %add3A_417 = arith.addi %mul3A_224, %add3A_416 : i32
        %add3A_418 = arith.constant 1 : i32
        %add3A_419 = arith.addi %add3A_417, %add3A_418 : i32
        %get3A_420 = arith.index_cast %add3A_419 : i32 to index
        %get3A_421 = arith.constant 16 : index
        %get3A_422 = tpu.vector_load %arg11[%get3A_420, %get3A_421] {strides = array<i32>} : memref<640x32xf32, #tpu.memory_space<vmem>>, vector<16xf32>,
        %add3A_423 = arith.addf %add3A_367, %get3A_422 : vector<16xf32>
        %add3A_424 = arith.constant 8 : i32
        %add3A_425 = arith.addi %mul3A_224, %add3A_424 : i32
        %get3A_426 = arith.index_cast %add3A_425 : i32 to index
        %get3A_427 = arith.constant 0 : index
        %get3A_428 = tpu.vector_load %arg9[%get3A_426, %get3A_427] {strides = array<i32>} : memref<640x32xf32, #tpu.memory_space<vmem>>, vector<16xf32>,
        %add3A_429 = arith.addf %add3A_373, %get3A_428 : vector<16xf32>
        %add3A_430 = arith.constant 8 : i32
        %add3A_431 = arith.addi %mul3A_224, %add3A_430 : i32
        %add3A_432 = arith.constant 1 : i32
        %add3A_433 = arith.addi %add3A_431, %add3A_432 : i32
        %get3A_434 = arith.index_cast %add3A_433 : i32 to index
        %get3A_435 = arith.constant 0 : index
        %get3A_436 = tpu.vector_load %arg9[%get3A_434, %get3A_435] {strides = array<i32>} : memref<640x32xf32, #tpu.memory_space<vmem>>, vector<16xf32>,
        %add3A_437 = arith.addf %add3A_381, %get3A_436 : vector<16xf32>
        %add3A_438 = arith.constant 8 : i32
        %add3A_439 = arith.addi %mul3A_224, %add3A_438 : i32
        %get3A_440 = arith.index_cast %add3A_439 : i32 to index
        %get3A_441 = arith.constant 0 : index
        %get3A_442 = tpu.vector_load %arg11[%get3A_440, %get3A_441] {strides = array<i32>} : memref<640x32xf32, #tpu.memory_space<vmem>>, vector<16xf32>,
        %add3A_443 = arith.addf %add3A_387, %get3A_442 : vector<16xf32>
        %add3A_444 = arith.constant 8 : i32
        %add3A_445 = arith.addi %mul3A_224, %add3A_444 : i32
        %add3A_446 = arith.constant 1 : i32
        %add3A_447 = arith.addi %add3A_445, %add3A_446 : i32
        %get3A_448 = arith.index_cast %add3A_447 : i32 to index
        %get3A_449 = arith.constant 0 : index
        %get3A_450 = tpu.vector_load %arg11[%get3A_448, %get3A_449] {strides = array<i32>} : memref<640x32xf32, #tpu.memory_space<vmem>>, vector<16xf32>,
        %add3A_451 = arith.addf %add3A_395, %get3A_450 : vector<16xf32>
        %add3A_452 = arith.constant 8 : i32
        %add3A_453 = arith.addi %mul3A_224, %add3A_452 : i32
        %get3A_454 = arith.index_cast %add3A_453 : i32 to index
        %get3A_455 = arith.constant 16 : index
        %get3A_456 = tpu.vector_load %arg9[%get3A_454, %get3A_455] {strides = array<i32>} : memref<640x32xf32, #tpu.memory_space<vmem>>, vector<16xf32>,
        %add3A_457 = arith.addf %add3A_401, %get3A_456 : vector<16xf32>
        %add3A_458 = arith.constant 8 : i32
        %add3A_459 = arith.addi %mul3A_224, %add3A_458 : i32
        %add3A_460 = arith.constant 1 : i32
        %add3A_461 = arith.addi %add3A_459, %add3A_460 : i32
        %get3A_462 = arith.index_cast %add3A_461 : i32 to index
        %get3A_463 = arith.constant 16 : index
        %get3A_464 = tpu.vector_load %arg9[%get3A_462, %get3A_463] {strides = array<i32>} : memref<640x32xf32, #tpu.memory_space<vmem>>, vector<16xf32>,
        %add3A_465 = arith.addf %add3A_409, %get3A_464 : vector<16xf32>
        %add3A_466 = arith.constant 8 : i32
        %add3A_467 = arith.addi %mul3A_224, %add3A_466 : i32
        %get3A_468 = arith.index_cast %add3A_467 : i32 to index
        %get3A_469 = arith.constant 16 : index
        %get3A_470 = tpu.vector_load %arg11[%get3A_468, %get3A_469] {strides = array<i32>} : memref<640x32xf32, #tpu.memory_space<vmem>>, vector<16xf32>,
        %add3A_471 = arith.addf %add3A_415, %get3A_470 : vector<16xf32>
        %add3A_472 = arith.constant 8 : i32
        %add3A_473 = arith.addi %mul3A_224, %add3A_472 : i32
        %add3A_474 = arith.constant 1 : i32
        %add3A_475 = arith.addi %add3A_473, %add3A_474 : i32
        %get3A_476 = arith.index_cast %add3A_475 : i32 to index
        %get3A_477 = arith.constant 16 : index
        %get3A_478 = tpu.vector_load %arg11[%get3A_476, %get3A_477] {strides = array<i32>} : memref<640x32xf32, #tpu.memory_space<vmem>>, vector<16xf32>,
        %add3A_479 = arith.addf %add3A_423, %get3A_478 : vector<16xf32>
        %add3A_480 = arith.constant 10 : i32
        %add3A_481 = arith.addi %mul3A_224, %add3A_480 : i32
        %get3A_482 = arith.index_cast %add3A_481 : i32 to index
        %get3A_483 = arith.constant 0 : index
        %get3A_484 = tpu.vector_load %arg9[%get3A_482, %get3A_483] {strides = array<i32>} : memref<640x32xf32, #tpu.memory_space<vmem>>, vector<16xf32>,
        %add3A_485 = arith.addf %add3A_429, %get3A_484 : vector<16xf32>
        %add3A_486 = arith.constant 10 : i32
        %add3A_487 = arith.addi %mul3A_224, %add3A_486 : i32
        %add3A_488 = arith.constant 1 : i32
        %add3A_489 = arith.addi %add3A_487, %add3A_488 : i32
        %get3A_490 = arith.index_cast %add3A_489 : i32 to index
        %get3A_491 = arith.constant 0 : index
        %get3A_492 = tpu.vector_load %arg9[%get3A_490, %get3A_491] {strides = array<i32>} : memref<640x32xf32, #tpu.memory_space<vmem>>, vector<16xf32>,
        %add3A_493 = arith.addf %add3A_437, %get3A_492 : vector<16xf32>
        %add3A_494 = arith.constant 10 : i32
        %add3A_495 = arith.addi %mul3A_224, %add3A_494 : i32
        %get3A_496 = arith.index_cast %add3A_495 : i32 to index
        %get3A_497 = arith.constant 0 : index
        %get3A_498 = tpu.vector_load %arg11[%get3A_496, %get3A_497] {strides = array<i32>} : memref<640x32xf32, #tpu.memory_space<vmem>>, vector<16xf32>,
        %add3A_499 = arith.addf %add3A_443, %get3A_498 : vector<16xf32>
        %add3A_500 = arith.constant 10 : i32
        %add3A_501 = arith.addi %mul3A_224, %add3A_500 : i32
        %add3A_502 = arith.constant 1 : i32
        %add3A_503 = arith.addi %add3A_501, %add3A_502 : i32
        %get3A_504 = arith.index_cast %add3A_503 : i32 to index
        %get3A_505 = arith.constant 0 : index
        %get3A_506 = tpu.vector_load %arg11[%get3A_504, %get3A_505] {strides = array<i32>} : memref<640x32xf32, #tpu.memory_space<vmem>>, vector<16xf32>,
        %add3A_507 = arith.addf %add3A_451, %get3A_506 : vector<16xf32>
        %add3A_508 = arith.constant 10 : i32
        %add3A_509 = arith.addi %mul3A_224, %add3A_508 : i32
        %get3A_510 = arith.index_cast %add3A_509 : i32 to index
        %get3A_511 = arith.constant 16 : index
        %get3A_512 = tpu.vector_load %arg9[%get3A_510, %get3A_511] {strides = array<i32>} : memref<640x32xf32, #tpu.memory_space<vmem>>, vector<16xf32>,
        %add3A_513 = arith.addf %add3A_457, %get3A_512 : vector<16xf32>
        %add3A_514 = arith.constant 10 : i32
        %add3A_515 = arith.addi %mul3A_224, %add3A_514 : i32
        %add3A_516 = arith.constant 1 : i32
        %add3A_517 = arith.addi %add3A_515, %add3A_516 : i32
        %get3A_518 = arith.index_cast %add3A_517 : i32 to index
        %get3A_519 = arith.constant 16 : index
        %get3A_520 = tpu.vector_load %arg9[%get3A_518, %get3A_519] {strides = array<i32>} : memref<640x32xf32, #tpu.memory_space<vmem>>, vector<16xf32>,
        %add3A_521 = arith.addf %add3A_465, %get3A_520 : vector<16xf32>
        %add3A_522 = arith.constant 10 : i32
        %add3A_523 = arith.addi %mul3A_224, %add3A_522 : i32
        %get3A_524 = arith.index_cast %add3A_523 : i32 to index
        %get3A_525 = arith.constant 16 : index
        %get3A_526 = tpu.vector_load %arg11[%get3A_524, %get3A_525] {strides = array<i32>} : memref<640x32xf32, #tpu.memory_space<vmem>>, vector<16xf32>,
        %add3A_527 = arith.addf %add3A_471, %get3A_526 : vector<16xf32>
        %add3A_528 = arith.constant 10 : i32
        %add3A_529 = arith.addi %mul3A_224, %add3A_528 : i32
        %add3A_530 = arith.constant 1 : i32
        %add3A_531 = arith.addi %add3A_529, %add3A_530 : i32
        %get3A_532 = arith.index_cast %add3A_531 : i32 to index
        %get3A_533 = arith.constant 16 : index
        %get3A_534 = tpu.vector_load %arg11[%get3A_532, %get3A_533] {strides = array<i32>} : memref<640x32xf32, #tpu.memory_space<vmem>>, vector<16xf32>,
        %add3A_535 = arith.addf %add3A_479, %get3A_534 : vector<16xf32>
        %add3A_536 = arith.constant 12 : i32
        %add3A_537 = arith.addi %mul3A_224, %add3A_536 : i32
        %get3A_538 = arith.index_cast %add3A_537 : i32 to index
        %get3A_539 = arith.constant 0 : index
        %get3A_540 = tpu.vector_load %arg9[%get3A_538, %get3A_539] {strides = array<i32>} : memref<640x32xf32, #tpu.memory_space<vmem>>, vector<16xf32>,
        %add3A_541 = arith.addf %add3A_485, %get3A_540 : vector<16xf32>
        %add3A_542 = arith.constant 12 : i32
        %add3A_543 = arith.addi %mul3A_224, %add3A_542 : i32
        %add3A_544 = arith.constant 1 : i32
        %add3A_545 = arith.addi %add3A_543, %add3A_544 : i32
        %get3A_546 = arith.index_cast %add3A_545 : i32 to index
        %get3A_547 = arith.constant 0 : index
        %get3A_548 = tpu.vector_load %arg9[%get3A_546, %get3A_547] {strides = array<i32>} : memref<640x32xf32, #tpu.memory_space<vmem>>, vector<16xf32>,
        %add3A_549 = arith.addf %add3A_493, %get3A_548 : vector<16xf32>
        %add3A_550 = arith.constant 12 : i32
        %add3A_551 = arith.addi %mul3A_224, %add3A_550 : i32
        %get3A_552 = arith.index_cast %add3A_551 : i32 to index
        %get3A_553 = arith.constant 0 : index
        %get3A_554 = tpu.vector_load %arg11[%get3A_552, %get3A_553] {strides = array<i32>} : memref<640x32xf32, #tpu.memory_space<vmem>>, vector<16xf32>,
        %add3A_555 = arith.addf %add3A_499, %get3A_554 : vector<16xf32>
        %add3A_556 = arith.constant 12 : i32
        %add3A_557 = arith.addi %mul3A_224, %add3A_556 : i32
        %add3A_558 = arith.constant 1 : i32
        %add3A_559 = arith.addi %add3A_557, %add3A_558 : i32
        %get3A_560 = arith.index_cast %add3A_559 : i32 to index
        %get3A_561 = arith.constant 0 : index
        %get3A_562 = tpu.vector_load %arg11[%get3A_560, %get3A_561] {strides = array<i32>} : memref<640x32xf32, #tpu.memory_space<vmem>>, vector<16xf32>,
        %add3A_563 = arith.addf %add3A_507, %get3A_562 : vector<16xf32>
        %add3A_564 = arith.constant 12 : i32
        %add3A_565 = arith.addi %mul3A_224, %add3A_564 : i32
        %get3A_566 = arith.index_cast %add3A_565 : i32 to index
        %get3A_567 = arith.constant 16 : index
        %get3A_568 = tpu.vector_load %arg9[%get3A_566, %get3A_567] {strides = array<i32>} : memref<640x32xf32, #tpu.memory_space<vmem>>, vector<16xf32>,
        %add3A_569 = arith.addf %add3A_513, %get3A_568 : vector<16xf32>
        %add3A_570 = arith.constant 12 : i32
        %add3A_571 = arith.addi %mul3A_224, %add3A_570 : i32
        %add3A_572 = arith.constant 1 : i32
        %add3A_573 = arith.addi %add3A_571, %add3A_572 : i32
        %get3A_574 = arith.index_cast %add3A_573 : i32 to index
        %get3A_575 = arith.constant 16 : index
        %get3A_576 = tpu.vector_load %arg9[%get3A_574, %get3A_575] {strides = array<i32>} : memref<640x32xf32, #tpu.memory_space<vmem>>, vector<16xf32>,
        %add3A_577 = arith.addf %add3A_521, %get3A_576 : vector<16xf32>
        %add3A_578 = arith.constant 12 : i32
        %add3A_579 = arith.addi %mul3A_224, %add3A_578 : i32
        %get3A_580 = arith.index_cast %add3A_579 : i32 to index
        %get3A_581 = arith.constant 16 : index
        %get3A_582 = tpu.vector_load %arg11[%get3A_580, %get3A_581] {strides = array<i32>} : memref<640x32xf32, #tpu.memory_space<vmem>>, vector<16xf32>,
        %add3A_583 = arith.addf %add3A_527, %get3A_582 : vector<16xf32>
        %add3A_584 = arith.constant 12 : i32
        %add3A_585 = arith.addi %mul3A_224, %add3A_584 : i32
        %add3A_586 = arith.constant 1 : i32
        %add3A_587 = arith.addi %add3A_585, %add3A_586 : i32
        %get3A_588 = arith.index_cast %add3A_587 : i32 to index
        %get3A_589 = arith.constant 16 : index
        %get3A_590 = tpu.vector_load %arg11[%get3A_588, %get3A_589] {strides = array<i32>} : memref<640x32xf32, #tpu.memory_space<vmem>>, vector<16xf32>,
        %add3A_591 = arith.addf %add3A_535, %get3A_590 : vector<16xf32>
        %add3A_592 = arith.constant 14 : i32
        %add3A_593 = arith.addi %mul3A_224, %add3A_592 : i32
        %get3A_594 = arith.index_cast %add3A_593 : i32 to index
        %get3A_595 = arith.constant 0 : index
        %get3A_596 = tpu.vector_load %arg9[%get3A_594, %get3A_595] {strides = array<i32>} : memref<640x32xf32, #tpu.memory_space<vmem>>, vector<16xf32>,
        %add3A_597 = arith.addf %add3A_541, %get3A_596 : vector<16xf32>
        %add3A_598 = arith.constant 14 : i32
        %add3A_599 = arith.addi %mul3A_224, %add3A_598 : i32
        %add3A_600 = arith.constant 1 : i32
        %add3A_601 = arith.addi %add3A_599, %add3A_600 : i32
        %get3A_602 = arith.index_cast %add3A_601 : i32 to index
        %get3A_603 = arith.constant 0 : index
        %get3A_604 = tpu.vector_load %arg9[%get3A_602, %get3A_603] {strides = array<i32>} : memref<640x32xf32, #tpu.memory_space<vmem>>, vector<16xf32>,
        %add3A_605 = arith.addf %add3A_549, %get3A_604 : vector<16xf32>
        %add3A_606 = arith.constant 14 : i32
        %add3A_607 = arith.addi %mul3A_224, %add3A_606 : i32
        %get3A_608 = arith.index_cast %add3A_607 : i32 to index
        %get3A_609 = arith.constant 0 : index
        %get3A_610 = tpu.vector_load %arg11[%get3A_608, %get3A_609] {strides = array<i32>} : memref<640x32xf32, #tpu.memory_space<vmem>>, vector<16xf32>,
        %add3A_611 = arith.addf %add3A_555, %get3A_610 : vector<16xf32>
        %add3A_612 = arith.constant 14 : i32
        %add3A_613 = arith.addi %mul3A_224, %add3A_612 : i32
        %add3A_614 = arith.constant 1 : i32
        %add3A_615 = arith.addi %add3A_613, %add3A_614 : i32
        %get3A_616 = arith.index_cast %add3A_615 : i32 to index
        %get3A_617 = arith.constant 0 : index
        %get3A_618 = tpu.vector_load %arg11[%get3A_616, %get3A_617] {strides = array<i32>} : memref<640x32xf32, #tpu.memory_space<vmem>>, vector<16xf32>,
        %add3A_619 = arith.addf %add3A_563, %get3A_618 : vector<16xf32>
        %add3A_620 = arith.constant 14 : i32
        %add3A_621 = arith.addi %mul3A_224, %add3A_620 : i32
        %get3A_622 = arith.index_cast %add3A_621 : i32 to index
        %get3A_623 = arith.constant 16 : index
        %get3A_624 = tpu.vector_load %arg9[%get3A_622, %get3A_623] {strides = array<i32>} : memref<640x32xf32, #tpu.memory_space<vmem>>, vector<16xf32>,
        %add3A_625 = arith.addf %add3A_569, %get3A_624 : vector<16xf32>
        %add3A_626 = arith.constant 14 : i32
        %add3A_627 = arith.addi %mul3A_224, %add3A_626 : i32
        %add3A_628 = arith.constant 1 : i32
        %add3A_629 = arith.addi %add3A_627, %add3A_628 : i32
        %get3A_630 = arith.index_cast %add3A_629 : i32 to index
        %get3A_631 = arith.constant 16 : index
        %get3A_632 = tpu.vector_load %arg9[%get3A_630, %get3A_631] {strides = array<i32>} : memref<640x32xf32, #tpu.memory_space<vmem>>, vector<16xf32>,
        %add3A_633 = arith.addf %add3A_577, %get3A_632 : vector<16xf32>
        %add3A_634 = arith.constant 14 : i32
        %add3A_635 = arith.addi %mul3A_224, %add3A_634 : i32
        %get3A_636 = arith.index_cast %add3A_635 : i32 to index
        %get3A_637 = arith.constant 16 : index
        %get3A_638 = tpu.vector_load %arg11[%get3A_636, %get3A_637] {strides = array<i32>} : memref<640x32xf32, #tpu.memory_space<vmem>>, vector<16xf32>,
        %add3A_639 = arith.addf %add3A_583, %get3A_638 : vector<16xf32>
        %add3A_640 = arith.constant 14 : i32
        %add3A_641 = arith.addi %mul3A_224, %add3A_640 : i32
        %add3A_642 = arith.constant 1 : i32
        %add3A_643 = arith.addi %add3A_641, %add3A_642 : i32
        %get3A_644 = arith.index_cast %add3A_643 : i32 to index
        %get3A_645 = arith.constant 16 : index
        %get3A_646 = tpu.vector_load %arg11[%get3A_644, %get3A_645] {strides = array<i32>} : memref<640x32xf32, #tpu.memory_space<vmem>>, vector<16xf32>,
        %add3A_647 = arith.addf %add3A_591, %get3A_646 : vector<16xf32>
        %add3A_648 = arith.constant 16 : i32
        %add3A_649 = arith.addi %mul3A_224, %add3A_648 : i32
        %get3A_650 = arith.index_cast %add3A_649 : i32 to index
        %get3A_651 = arith.constant 0 : index
        %get3A_652 = tpu.vector_load %arg9[%get3A_650, %get3A_651] {strides = array<i32>} : memref<640x32xf32, #tpu.memory_space<vmem>>, vector<16xf32>,
        %add3A_653 = arith.addf %add3A_597, %get3A_652 : vector<16xf32>
        %add3A_654 = arith.constant 16 : i32
        %add3A_655 = arith.addi %mul3A_224, %add3A_654 : i32
        %add3A_656 = arith.constant 1 : i32
        %add3A_657 = arith.addi %add3A_655, %add3A_656 : i32
        %get3A_658 = arith.index_cast %add3A_657 : i32 to index
        %get3A_659 = arith.constant 0 : index
        %get3A_660 = tpu.vector_load %arg9[%get3A_658, %get3A_659] {strides = array<i32>} : memref<640x32xf32, #tpu.memory_space<vmem>>, vector<16xf32>,
        %add3A_661 = arith.addf %add3A_605, %get3A_660 : vector<16xf32>
        %add3A_662 = arith.constant 16 : i32
        %add3A_663 = arith.addi %mul3A_224, %add3A_662 : i32
        %get3A_664 = arith.index_cast %add3A_663 : i32 to index
        %get3A_665 = arith.constant 0 : index
        %get3A_666 = tpu.vector_load %arg11[%get3A_664, %get3A_665] {strides = array<i32>} : memref<640x32xf32, #tpu.memory_space<vmem>>, vector<16xf32>,
        %add3A_667 = arith.addf %add3A_611, %get3A_666 : vector<16xf32>
        %add3A_668 = arith.constant 16 : i32
        %add3A_669 = arith.addi %mul3A_224, %add3A_668 : i32
        %add3A_670 = arith.constant 1 : i32
        %add3A_671 = arith.addi %add3A_669, %add3A_670 : i32
        %get3A_672 = arith.index_cast %add3A_671 : i32 to index
        %get3A_673 = arith.constant 0 : index
        %get3A_674 = tpu.vector_load %arg11[%get3A_672, %get3A_673] {strides = array<i32>} : memref<640x32xf32, #tpu.memory_space<vmem>>, vector<16xf32>,
        %add3A_675 = arith.addf %add3A_619, %get3A_674 : vector<16xf32>
        %add3A_676 = arith.constant 16 : i32
        %add3A_677 = arith.addi %mul3A_224, %add3A_676 : i32
        %get3A_678 = arith.index_cast %add3A_677 : i32 to index
        %get3A_679 = arith.constant 16 : index
        %get3A_680 = tpu.vector_load %arg9[%get3A_678, %get3A_679] {strides = array<i32>} : memref<640x32xf32, #tpu.memory_space<vmem>>, vector<16xf32>,
        %add3A_681 = arith.addf %add3A_625, %get3A_680 : vector<16xf32>
        %add3A_682 = arith.constant 16 : i32
        %add3A_683 = arith.addi %mul3A_224, %add3A_682 : i32
        %add3A_684 = arith.constant 1 : i32
        %add3A_685 = arith.addi %add3A_683, %add3A_684 : i32
        %get3A_686 = arith.index_cast %add3A_685 : i32 to index
        %get3A_687 = arith.constant 16 : index
        %get3A_688 = tpu.vector_load %arg9[%get3A_686, %get3A_687] {strides = array<i32>} : memref<640x32xf32, #tpu.memory_space<vmem>>, vector<16xf32>,
        %add3A_689 = arith.addf %add3A_633, %get3A_688 : vector<16xf32>
        %add3A_690 = arith.constant 16 : i32
        %add3A_691 = arith.addi %mul3A_224, %add3A_690 : i32
        %get3A_692 = arith.index_cast %add3A_691 : i32 to index
        %get3A_693 = arith.constant 16 : index
        %get3A_694 = tpu.vector_load %arg11[%get3A_692, %get3A_693] {strides = array<i32>} : memref<640x32xf32, #tpu.memory_space<vmem>>, vector<16xf32>,
        %add3A_695 = arith.addf %add3A_639, %get3A_694 : vector<16xf32>
        %add3A_696 = arith.constant 16 : i32
        %add3A_697 = arith.addi %mul3A_224, %add3A_696 : i32
        %add3A_698 = arith.constant 1 : i32
        %add3A_699 = arith.addi %add3A_697, %add3A_698 : i32
        %get3A_700 = arith.index_cast %add3A_699 : i32 to index
        %get3A_701 = arith.constant 16 : index
        %get3A_702 = tpu.vector_load %arg11[%get3A_700, %get3A_701] {strides = array<i32>} : memref<640x32xf32, #tpu.memory_space<vmem>>, vector<16xf32>,
        %add3A_703 = arith.addf %add3A_647, %get3A_702 : vector<16xf32>
        %add3A_704 = arith.constant 18 : i32
        %add3A_705 = arith.addi %mul3A_224, %add3A_704 : i32
        %get3A_706 = arith.index_cast %add3A_705 : i32 to index
        %get3A_707 = arith.constant 0 : index
        %get3A_708 = tpu.vector_load %arg9[%get3A_706, %get3A_707] {strides = array<i32>} : memref<640x32xf32, #tpu.memory_space<vmem>>, vector<16xf32>,
        %add3A_709 = arith.addf %add3A_653, %get3A_708 : vector<16xf32>
        %add3A_710 = arith.constant 18 : i32
        %add3A_711 = arith.addi %mul3A_224, %add3A_710 : i32
        %add3A_712 = arith.constant 1 : i32
        %add3A_713 = arith.addi %add3A_711, %add3A_712 : i32
        %get3A_714 = arith.index_cast %add3A_713 : i32 to index
        %get3A_715 = arith.constant 0 : index
        %get3A_716 = tpu.vector_load %arg9[%get3A_714, %get3A_715] {strides = array<i32>} : memref<640x32xf32, #tpu.memory_space<vmem>>, vector<16xf32>,
        %add3A_717 = arith.addf %add3A_661, %get3A_716 : vector<16xf32>
        %add3A_718 = arith.constant 18 : i32
        %add3A_719 = arith.addi %mul3A_224, %add3A_718 : i32
        %get3A_720 = arith.index_cast %add3A_719 : i32 to index
        %get3A_721 = arith.constant 0 : index
        %get3A_722 = tpu.vector_load %arg11[%get3A_720, %get3A_721] {strides = array<i32>} : memref<640x32xf32, #tpu.memory_space<vmem>>, vector<16xf32>,
        %add3A_723 = arith.addf %add3A_667, %get3A_722 : vector<16xf32>
        %add3A_724 = arith.constant 18 : i32
        %add3A_725 = arith.addi %mul3A_224, %add3A_724 : i32
        %add3A_726 = arith.constant 1 : i32
        %add3A_727 = arith.addi %add3A_725, %add3A_726 : i32
        %get3A_728 = arith.index_cast %add3A_727 : i32 to index
        %get3A_729 = arith.constant 0 : index
        %get3A_730 = tpu.vector_load %arg11[%get3A_728, %get3A_729] {strides = array<i32>} : memref<640x32xf32, #tpu.memory_space<vmem>>, vector<16xf32>,
        %add3A_731 = arith.addf %add3A_675, %get3A_730 : vector<16xf32>
        %add3A_732 = arith.constant 18 : i32
        %add3A_733 = arith.addi %mul3A_224, %add3A_732 : i32
        %get3A_734 = arith.index_cast %add3A_733 : i32 to index
        %get3A_735 = arith.constant 16 : index
        %get3A_736 = tpu.vector_load %arg9[%get3A_734, %get3A_735] {strides = array<i32>} : memref<640x32xf32, #tpu.memory_space<vmem>>, vector<16xf32>,
        %add3A_737 = arith.addf %add3A_681, %get3A_736 : vector<16xf32>
        %add3A_738 = arith.constant 18 : i32
        %add3A_739 = arith.addi %mul3A_224, %add3A_738 : i32
        %add3A_740 = arith.constant 1 : i32
        %add3A_741 = arith.addi %add3A_739, %add3A_740 : i32
        %get3A_742 = arith.index_cast %add3A_741 : i32 to index
        %get3A_743 = arith.constant 16 : index
        %get3A_744 = tpu.vector_load %arg9[%get3A_742, %get3A_743] {strides = array<i32>} : memref<640x32xf32, #tpu.memory_space<vmem>>, vector<16xf32>,
        %add3A_745 = arith.addf %add3A_689, %get3A_744 : vector<16xf32>
        %add3A_746 = arith.constant 18 : i32
        %add3A_747 = arith.addi %mul3A_224, %add3A_746 : i32
        %get3A_748 = arith.index_cast %add3A_747 : i32 to index
        %get3A_749 = arith.constant 16 : index
        %get3A_750 = tpu.vector_load %arg11[%get3A_748, %get3A_749] {strides = array<i32>} : memref<640x32xf32, #tpu.memory_space<vmem>>, vector<16xf32>,
        %add3A_751 = arith.addf %add3A_695, %get3A_750 : vector<16xf32>
        %add3A_752 = arith.constant 18 : i32
        %add3A_753 = arith.addi %mul3A_224, %add3A_752 : i32
        %add3A_754 = arith.constant 1 : i32
        %add3A_755 = arith.addi %add3A_753, %add3A_754 : i32
        %get3A_756 = arith.index_cast %add3A_755 : i32 to index
        %get3A_757 = arith.constant 16 : index
        %get3A_758 = tpu.vector_load %arg11[%get3A_756, %get3A_757] {strides = array<i32>} : memref<640x32xf32, #tpu.memory_space<vmem>>, vector<16xf32>,
        %add3A_759 = arith.addf %add3A_703, %get3A_758 : vector<16xf32>
        %add3A_760 = arith.constant 20 : i32
        %add3A_761 = arith.addi %mul3A_224, %add3A_760 : i32
        %get3A_762 = arith.index_cast %add3A_761 : i32 to index
        %get3A_763 = arith.constant 0 : index
        %get3A_764 = tpu.vector_load %arg9[%get3A_762, %get3A_763] {strides = array<i32>} : memref<640x32xf32, #tpu.memory_space<vmem>>, vector<16xf32>,
        %add3A_765 = arith.addf %add3A_709, %get3A_764 : vector<16xf32>
        %add3A_766 = arith.constant 20 : i32
        %add3A_767 = arith.addi %mul3A_224, %add3A_766 : i32
        %add3A_768 = arith.constant 1 : i32
        %add3A_769 = arith.addi %add3A_767, %add3A_768 : i32
        %get3A_770 = arith.index_cast %add3A_769 : i32 to index
        %get3A_771 = arith.constant 0 : index
        %get3A_772 = tpu.vector_load %arg9[%get3A_770, %get3A_771] {strides = array<i32>} : memref<640x32xf32, #tpu.memory_space<vmem>>, vector<16xf32>,
        %add3A_773 = arith.addf %add3A_717, %get3A_772 : vector<16xf32>
        %add3A_774 = arith.constant 20 : i32
        %add3A_775 = arith.addi %mul3A_224, %add3A_774 : i32
        %get3A_776 = arith.index_cast %add3A_775 : i32 to index
        %get3A_777 = arith.constant 0 : index
        %get3A_778 = tpu.vector_load %arg11[%get3A_776, %get3A_777] {strides = array<i32>} : memref<640x32xf32, #tpu.memory_space<vmem>>, vector<16xf32>,
        %add3A_779 = arith.addf %add3A_723, %get3A_778 : vector<16xf32>
        %add3A_780 = arith.constant 20 : i32
        %add3A_781 = arith.addi %mul3A_224, %add3A_780 : i32
        %add3A_782 = arith.constant 1 : i32
        %add3A_783 = arith.addi %add3A_781, %add3A_782 : i32
        %get3A_784 = arith.index_cast %add3A_783 : i32 to index
        %get3A_785 = arith.constant 0 : index
        %get3A_786 = tpu.vector_load %arg11[%get3A_784, %get3A_785] {strides = array<i32>} : memref<640x32xf32, #tpu.memory_space<vmem>>, vector<16xf32>,
        %add3A_787 = arith.addf %add3A_731, %get3A_786 : vector<16xf32>
        %add3A_788 = arith.constant 20 : i32
        %add3A_789 = arith.addi %mul3A_224, %add3A_788 : i32
        %get3A_790 = arith.index_cast %add3A_789 : i32 to index
        %get3A_791 = arith.constant 16 : index
        %get3A_792 = tpu.vector_load %arg9[%get3A_790, %get3A_791] {strides = array<i32>} : memref<640x32xf32, #tpu.memory_space<vmem>>, vector<16xf32>,
        %add3A_793 = arith.addf %add3A_737, %get3A_792 : vector<16xf32>
        %add3A_794 = arith.constant 20 : i32
        %add3A_795 = arith.addi %mul3A_224, %add3A_794 : i32
        %add3A_796 = arith.constant 1 : i32
        %add3A_797 = arith.addi %add3A_795, %add3A_796 : i32
        %get3A_798 = arith.index_cast %add3A_797 : i32 to index
        %get3A_799 = arith.constant 16 : index
        %get3A_800 = tpu.vector_load %arg9[%get3A_798, %get3A_799] {strides = array<i32>} : memref<640x32xf32, #tpu.memory_space<vmem>>, vector<16xf32>,
        %add3A_801 = arith.addf %add3A_745, %get3A_800 : vector<16xf32>
        %add3A_802 = arith.constant 20 : i32
        %add3A_803 = arith.addi %mul3A_224, %add3A_802 : i32
        %get3A_804 = arith.index_cast %add3A_803 : i32 to index
        %get3A_805 = arith.constant 16 : index
        %get3A_806 = tpu.vector_load %arg11[%get3A_804, %get3A_805] {strides = array<i32>} : memref<640x32xf32, #tpu.memory_space<vmem>>, vector<16xf32>,
        %add3A_807 = arith.addf %add3A_751, %get3A_806 : vector<16xf32>
        %add3A_808 = arith.constant 20 : i32
        %add3A_809 = arith.addi %mul3A_224, %add3A_808 : i32
        %add3A_810 = arith.constant 1 : i32
        %add3A_811 = arith.addi %add3A_809, %add3A_810 : i32
        %get3A_812 = arith.index_cast %add3A_811 : i32 to index
        %get3A_813 = arith.constant 16 : index
        %get3A_814 = tpu.vector_load %arg11[%get3A_812, %get3A_813] {strides = array<i32>} : memref<640x32xf32, #tpu.memory_space<vmem>>, vector<16xf32>,
        %add3A_815 = arith.addf %add3A_759, %get3A_814 : vector<16xf32>
        %add3A_816 = arith.constant 22 : i32
        %add3A_817 = arith.addi %mul3A_224, %add3A_816 : i32
        %get3A_818 = arith.index_cast %add3A_817 : i32 to index
        %get3A_819 = arith.constant 0 : index
        %get3A_820 = tpu.vector_load %arg9[%get3A_818, %get3A_819] {strides = array<i32>} : memref<640x32xf32, #tpu.memory_space<vmem>>, vector<16xf32>,
        %add3A_821 = arith.addf %add3A_765, %get3A_820 : vector<16xf32>
        %add3A_822 = arith.constant 22 : i32
        %add3A_823 = arith.addi %mul3A_224, %add3A_822 : i32
        %add3A_824 = arith.constant 1 : i32
        %add3A_825 = arith.addi %add3A_823, %add3A_824 : i32
        %get3A_826 = arith.index_cast %add3A_825 : i32 to index
        %get3A_827 = arith.constant 0 : index
        %get3A_828 = tpu.vector_load %arg9[%get3A_826, %get3A_827] {strides = array<i32>} : memref<640x32xf32, #tpu.memory_space<vmem>>, vector<16xf32>,
        %add3A_829 = arith.addf %add3A_773, %get3A_828 : vector<16xf32>
        %add3A_830 = arith.constant 22 : i32
        %add3A_831 = arith.addi %mul3A_224, %add3A_830 : i32
        %get3A_832 = arith.index_cast %add3A_831 : i32 to index
        %get3A_833 = arith.constant 0 : index
        %get3A_834 = tpu.vector_load %arg11[%get3A_832, %get3A_833] {strides = array<i32>} : memref<640x32xf32, #tpu.memory_space<vmem>>, vector<16xf32>,
        %add3A_835 = arith.addf %add3A_779, %get3A_834 : vector<16xf32>
        %add3A_836 = arith.constant 22 : i32
        %add3A_837 = arith.addi %mul3A_224, %add3A_836 : i32
        %add3A_838 = arith.constant 1 : i32
        %add3A_839 = arith.addi %add3A_837, %add3A_838 : i32
        %get3A_840 = arith.index_cast %add3A_839 : i32 to index
        %get3A_841 = arith.constant 0 : index
        %get3A_842 = tpu.vector_load %arg11[%get3A_840, %get3A_841] {strides = array<i32>} : memref<640x32xf32, #tpu.memory_space<vmem>>, vector<16xf32>,
        %add3A_843 = arith.addf %add3A_787, %get3A_842 : vector<16xf32>
        %add3A_844 = arith.constant 22 : i32
        %add3A_845 = arith.addi %mul3A_224, %add3A_844 : i32
        %get3A_846 = arith.index_cast %add3A_845 : i32 to index
        %get3A_847 = arith.constant 16 : index
        %get3A_848 = tpu.vector_load %arg9[%get3A_846, %get3A_847] {strides = array<i32>} : memref<640x32xf32, #tpu.memory_space<vmem>>, vector<16xf32>,
        %add3A_849 = arith.addf %add3A_793, %get3A_848 : vector<16xf32>
        %add3A_850 = arith.constant 22 : i32
        %add3A_851 = arith.addi %mul3A_224, %add3A_850 : i32
        %add3A_852 = arith.constant 1 : i32
        %add3A_853 = arith.addi %add3A_851, %add3A_852 : i32
        %get3A_854 = arith.index_cast %add3A_853 : i32 to index
        %get3A_855 = arith.constant 16 : index
        %get3A_856 = tpu.vector_load %arg9[%get3A_854, %get3A_855] {strides = array<i32>} : memref<640x32xf32, #tpu.memory_space<vmem>>, vector<16xf32>,
        %add3A_857 = arith.addf %add3A_801, %get3A_856 : vector<16xf32>
        %add3A_858 = arith.constant 22 : i32
        %add3A_859 = arith.addi %mul3A_224, %add3A_858 : i32
        %get3A_860 = arith.index_cast %add3A_859 : i32 to index
        %get3A_861 = arith.constant 16 : index
        %get3A_862 = tpu.vector_load %arg11[%get3A_860, %get3A_861] {strides = array<i32>} : memref<640x32xf32, #tpu.memory_space<vmem>>, vector<16xf32>,
        %add3A_863 = arith.addf %add3A_807, %get3A_862 : vector<16xf32>
        %add3A_864 = arith.constant 22 : i32
        %add3A_865 = arith.addi %mul3A_224, %add3A_864 : i32
        %add3A_866 = arith.constant 1 : i32
        %add3A_867 = arith.addi %add3A_865, %add3A_866 : i32
        %get3A_868 = arith.index_cast %add3A_867 : i32 to index
        %get3A_869 = arith.constant 16 : index
        %get3A_870 = tpu.vector_load %arg11[%get3A_868, %get3A_869] {strides = array<i32>} : memref<640x32xf32, #tpu.memory_space<vmem>>, vector<16xf32>,
        %add3A_871 = arith.addf %add3A_815, %get3A_870 : vector<16xf32>
        %add3A_872 = arith.constant 24 : i32
        %add3A_873 = arith.addi %mul3A_224, %add3A_872 : i32
        %get3A_874 = arith.index_cast %add3A_873 : i32 to index
        %get3A_875 = arith.constant 0 : index
        %get3A_876 = tpu.vector_load %arg9[%get3A_874, %get3A_875] {strides = array<i32>} : memref<640x32xf32, #tpu.memory_space<vmem>>, vector<16xf32>,
        %add3A_877 = arith.addf %add3A_821, %get3A_876 : vector<16xf32>
        %add3A_878 = arith.constant 24 : i32
        %add3A_879 = arith.addi %mul3A_224, %add3A_878 : i32
        %add3A_880 = arith.constant 1 : i32
        %add3A_881 = arith.addi %add3A_879, %add3A_880 : i32
        %get3A_882 = arith.index_cast %add3A_881 : i32 to index
        %get3A_883 = arith.constant 0 : index
        %get3A_884 = tpu.vector_load %arg9[%get3A_882, %get3A_883] {strides = array<i32>} : memref<640x32xf32, #tpu.memory_space<vmem>>, vector<16xf32>,
        %add3A_885 = arith.addf %add3A_829, %get3A_884 : vector<16xf32>
        %add3A_886 = arith.constant 24 : i32
        %add3A_887 = arith.addi %mul3A_224, %add3A_886 : i32
        %get3A_888 = arith.index_cast %add3A_887 : i32 to index
        %get3A_889 = arith.constant 0 : index
        %get3A_890 = tpu.vector_load %arg11[%get3A_888, %get3A_889] {strides = array<i32>} : memref<640x32xf32, #tpu.memory_space<vmem>>, vector<16xf32>,
        %add3A_891 = arith.addf %add3A_835, %get3A_890 : vector<16xf32>
        %add3A_892 = arith.constant 24 : i32
        %add3A_893 = arith.addi %mul3A_224, %add3A_892 : i32
        %add3A_894 = arith.constant 1 : i32
        %add3A_895 = arith.addi %add3A_893, %add3A_894 : i32
        %get3A_896 = arith.index_cast %add3A_895 : i32 to index
        %get3A_897 = arith.constant 0 : index
        %get3A_898 = tpu.vector_load %arg11[%get3A_896, %get3A_897] {strides = array<i32>} : memref<640x32xf32, #tpu.memory_space<vmem>>, vector<16xf32>,
        %add3A_899 = arith.addf %add3A_843, %get3A_898 : vector<16xf32>
        %add3A_900 = arith.constant 24 : i32
        %add3A_901 = arith.addi %mul3A_224, %add3A_900 : i32
        %get3A_902 = arith.index_cast %add3A_901 : i32 to index
        %get3A_903 = arith.constant 16 : index
        %get3A_904 = tpu.vector_load %arg9[%get3A_902, %get3A_903] {strides = array<i32>} : memref<640x32xf32, #tpu.memory_space<vmem>>, vector<16xf32>,
        %add3A_905 = arith.addf %add3A_849, %get3A_904 : vector<16xf32>
        %add3A_906 = arith.constant 24 : i32
        %add3A_907 = arith.addi %mul3A_224, %add3A_906 : i32
        %add3A_908 = arith.constant 1 : i32
        %add3A_909 = arith.addi %add3A_907, %add3A_908 : i32
        %get3A_910 = arith.index_cast %add3A_909 : i32 to index
        %get3A_911 = arith.constant 16 : index
        %get3A_912 = tpu.vector_load %arg9[%get3A_910, %get3A_911] {strides = array<i32>} : memref<640x32xf32, #tpu.memory_space<vmem>>, vector<16xf32>,
        %add3A_913 = arith.addf %add3A_857, %get3A_912 : vector<16xf32>
        %add3A_914 = arith.constant 24 : i32
        %add3A_915 = arith.addi %mul3A_224, %add3A_914 : i32
        %get3A_916 = arith.index_cast %add3A_915 : i32 to index
        %get3A_917 = arith.constant 16 : index
        %get3A_918 = tpu.vector_load %arg11[%get3A_916, %get3A_917] {strides = array<i32>} : memref<640x32xf32, #tpu.memory_space<vmem>>, vector<16xf32>,
        %add3A_919 = arith.addf %add3A_863, %get3A_918 : vector<16xf32>
        %add3A_920 = arith.constant 24 : i32
        %add3A_921 = arith.addi %mul3A_224, %add3A_920 : i32
        %add3A_922 = arith.constant 1 : i32
        %add3A_923 = arith.addi %add3A_921, %add3A_922 : i32
        %get3A_924 = arith.index_cast %add3A_923 : i32 to index
        %get3A_925 = arith.constant 16 : index
        %get3A_926 = tpu.vector_load %arg11[%get3A_924, %get3A_925] {strides = array<i32>} : memref<640x32xf32, #tpu.memory_space<vmem>>, vector<16xf32>,
        %add3A_927 = arith.addf %add3A_871, %get3A_926 : vector<16xf32>
        %add3A_928 = arith.constant 26 : i32
        %add3A_929 = arith.addi %mul3A_224, %add3A_928 : i32
        %get3A_930 = arith.index_cast %add3A_929 : i32 to index
        %get3A_931 = arith.constant 0 : index
        %get3A_932 = tpu.vector_load %arg9[%get3A_930, %get3A_931] {strides = array<i32>} : memref<640x32xf32, #tpu.memory_space<vmem>>, vector<16xf32>,
        %add3A_933 = arith.addf %add3A_877, %get3A_932 : vector<16xf32>
        %add3A_934 = arith.constant 26 : i32
        %add3A_935 = arith.addi %mul3A_224, %add3A_934 : i32
        %add3A_936 = arith.constant 1 : i32
        %add3A_937 = arith.addi %add3A_935, %add3A_936 : i32
        %get3A_938 = arith.index_cast %add3A_937 : i32 to index
        %get3A_939 = arith.constant 0 : index
        %get3A_940 = tpu.vector_load %arg9[%get3A_938, %get3A_939] {strides = array<i32>} : memref<640x32xf32, #tpu.memory_space<vmem>>, vector<16xf32>,
        %add3A_941 = arith.addf %add3A_885, %get3A_940 : vector<16xf32>
        %add3A_942 = arith.constant 26 : i32
        %add3A_943 = arith.addi %mul3A_224, %add3A_942 : i32
        %get3A_944 = arith.index_cast %add3A_943 : i32 to index
        %get3A_945 = arith.constant 0 : index
        %get3A_946 = tpu.vector_load %arg11[%get3A_944, %get3A_945] {strides = array<i32>} : memref<640x32xf32, #tpu.memory_space<vmem>>, vector<16xf32>,
        %add3A_947 = arith.addf %add3A_891, %get3A_946 : vector<16xf32>
        %add3A_948 = arith.constant 26 : i32
        %add3A_949 = arith.addi %mul3A_224, %add3A_948 : i32
        %add3A_950 = arith.constant 1 : i32
        %add3A_951 = arith.addi %add3A_949, %add3A_950 : i32
        %get3A_952 = arith.index_cast %add3A_951 : i32 to index
        %get3A_953 = arith.constant 0 : index
        %get3A_954 = tpu.vector_load %arg11[%get3A_952, %get3A_953] {strides = array<i32>} : memref<640x32xf32, #tpu.memory_space<vmem>>, vector<16xf32>,
        %add3A_955 = arith.addf %add3A_899, %get3A_954 : vector<16xf32>
        %add3A_956 = arith.constant 26 : i32
        %add3A_957 = arith.addi %mul3A_224, %add3A_956 : i32
        %get3A_958 = arith.index_cast %add3A_957 : i32 to index
        %get3A_959 = arith.constant 16 : index
        %get3A_960 = tpu.vector_load %arg9[%get3A_958, %get3A_959] {strides = array<i32>} : memref<640x32xf32, #tpu.memory_space<vmem>>, vector<16xf32>,
        %add3A_961 = arith.addf %add3A_905, %get3A_960 : vector<16xf32>
        %add3A_962 = arith.constant 26 : i32
        %add3A_963 = arith.addi %mul3A_224, %add3A_962 : i32
        %add3A_964 = arith.constant 1 : i32
        %add3A_965 = arith.addi %add3A_963, %add3A_964 : i32
        %get3A_966 = arith.index_cast %add3A_965 : i32 to index
        %get3A_967 = arith.constant 16 : index
        %get3A_968 = tpu.vector_load %arg9[%get3A_966, %get3A_967] {strides = array<i32>} : memref<640x32xf32, #tpu.memory_space<vmem>>, vector<16xf32>,
        %add3A_969 = arith.addf %add3A_913, %get3A_968 : vector<16xf32>
        %add3A_970 = arith.constant 26 : i32
        %add3A_971 = arith.addi %mul3A_224, %add3A_970 : i32
        %get3A_972 = arith.index_cast %add3A_971 : i32 to index
        %get3A_973 = arith.constant 16 : index
        %get3A_974 = tpu.vector_load %arg11[%get3A_972, %get3A_973] {strides = array<i32>} : memref<640x32xf32, #tpu.memory_space<vmem>>, vector<16xf32>,
        %add3A_975 = arith.addf %add3A_919, %get3A_974 : vector<16xf32>
        %add3A_976 = arith.constant 26 : i32
        %add3A_977 = arith.addi %mul3A_224, %add3A_976 : i32
        %add3A_978 = arith.constant 1 : i32
        %add3A_979 = arith.addi %add3A_977, %add3A_978 : i32
        %get3A_980 = arith.index_cast %add3A_979 : i32 to index
        %get3A_981 = arith.constant 16 : index
        %get3A_982 = tpu.vector_load %arg11[%get3A_980, %get3A_981] {strides = array<i32>} : memref<640x32xf32, #tpu.memory_space<vmem>>, vector<16xf32>,
        %add3A_983 = arith.addf %add3A_927, %get3A_982 : vector<16xf32>
        %add3A_984 = arith.constant 28 : i32
        %add3A_985 = arith.addi %mul3A_224, %add3A_984 : i32
        %get3A_986 = arith.index_cast %add3A_985 : i32 to index
        %get3A_987 = arith.constant 0 : index
        %get3A_988 = tpu.vector_load %arg9[%get3A_986, %get3A_987] {strides = array<i32>} : memref<640x32xf32, #tpu.memory_space<vmem>>, vector<16xf32>,
        %add3A_989 = arith.addf %add3A_933, %get3A_988 : vector<16xf32>
        %add3A_990 = arith.constant 28 : i32
        %add3A_991 = arith.addi %mul3A_224, %add3A_990 : i32
        %add3A_992 = arith.constant 1 : i32
        %add3A_993 = arith.addi %add3A_991, %add3A_992 : i32
        %get3A_994 = arith.index_cast %add3A_993 : i32 to index
        %get3A_995 = arith.constant 0 : index
        %get3A_996 = tpu.vector_load %arg9[%get3A_994, %get3A_995] {strides = array<i32>} : memref<640x32xf32, #tpu.memory_space<vmem>>, vector<16xf32>,
        %add3A_997 = arith.addf %add3A_941, %get3A_996 : vector<16xf32>
        %add3A_998 = arith.constant 28 : i32
        %add3A_999 = arith.addi %mul3A_224, %add3A_998 : i32
        %get3A_1000 = arith.index_cast %add3A_999 : i32 to index
        %get3A_1001 = arith.constant 0 : index
        %get3A_1002 = tpu.vector_load %arg11[%get3A_1000, %get3A_1001] {strides = array<i32>} : memref<640x32xf32, #tpu.memory_space<vmem>>, vector<16xf32>,
        %add3A_1003 = arith.addf %add3A_947, %get3A_1002 : vector<16xf32>
        %add3A_1004 = arith.constant 28 : i32
        %add3A_1005 = arith.addi %mul3A_224, %add3A_1004 : i32
        %add3A_1006 = arith.constant 1 : i32
        %add3A_1007 = arith.addi %add3A_1005, %add3A_1006 : i32
        %get3A_1008 = arith.index_cast %add3A_1007 : i32 to index
        %get3A_1009 = arith.constant 0 : index
        %get3A_1010 = tpu.vector_load %arg11[%get3A_1008, %get3A_1009] {strides = array<i32>} : memref<640x32xf32, #tpu.memory_space<vmem>>, vector<16xf32>,
        %add3A_1011 = arith.addf %add3A_955, %get3A_1010 : vector<16xf32>
        %add3A_1012 = arith.constant 28 : i32
        %add3A_1013 = arith.addi %mul3A_224, %add3A_1012 : i32
        %get3A_1014 = arith.index_cast %add3A_1013 : i32 to index
        %get3A_1015 = arith.constant 16 : index
        %get3A_1016 = tpu.vector_load %arg9[%get3A_1014, %get3A_1015] {strides = array<i32>} : memref<640x32xf32, #tpu.memory_space<vmem>>, vector<16xf32>,
        %add3A_1017 = arith.addf %add3A_961, %get3A_1016 : vector<16xf32>
        %add3A_1018 = arith.constant 28 : i32
        %add3A_1019 = arith.addi %mul3A_224, %add3A_1018 : i32
        %add3A_1020 = arith.constant 1 : i32
        %add3A_1021 = arith.addi %add3A_1019, %add3A_1020 : i32
        %get3A_1022 = arith.index_cast %add3A_1021 : i32 to index
        %get3A_1023 = arith.constant 16 : index
        %get3A_1024 = tpu.vector_load %arg9[%get3A_1022, %get3A_1023] {strides = array<i32>} : memref<640x32xf32, #tpu.memory_space<vmem>>, vector<16xf32>,
        %add3A_1025 = arith.addf %add3A_969, %get3A_1024 : vector<16xf32>
        %add3A_1026 = arith.constant 28 : i32
        %add3A_1027 = arith.addi %mul3A_224, %add3A_1026 : i32
        %get3A_1028 = arith.index_cast %add3A_1027 : i32 to index
        %get3A_1029 = arith.constant 16 : index
        %get3A_1030 = tpu.vector_load %arg11[%get3A_1028, %get3A_1029] {strides = array<i32>} : memref<640x32xf32, #tpu.memory_space<vmem>>, vector<16xf32>,
        %add3A_1031 = arith.addf %add3A_975, %get3A_1030 : vector<16xf32>
        %add3A_1032 = arith.constant 28 : i32
        %add3A_1033 = arith.addi %mul3A_224, %add3A_1032 : i32
        %add3A_1034 = arith.constant 1 : i32
        %add3A_1035 = arith.addi %add3A_1033, %add3A_1034 : i32
        %get3A_1036 = arith.index_cast %add3A_1035 : i32 to index
        %get3A_1037 = arith.constant 16 : index
        %get3A_1038 = tpu.vector_load %arg11[%get3A_1036, %get3A_1037] {strides = array<i32>} : memref<640x32xf32, #tpu.memory_space<vmem>>, vector<16xf32>,
        %add3A_1039 = arith.addf %add3A_983, %get3A_1038 : vector<16xf32>
        %add3A_1040 = arith.constant 30 : i32
        %add3A_1041 = arith.addi %mul3A_224, %add3A_1040 : i32
        %get3A_1042 = arith.index_cast %add3A_1041 : i32 to index
        %get3A_1043 = arith.constant 0 : index
        %get3A_1044 = tpu.vector_load %arg9[%get3A_1042, %get3A_1043] {strides = array<i32>} : memref<640x32xf32, #tpu.memory_space<vmem>>, vector<16xf32>,
        %add3A_1045 = arith.addf %add3A_989, %get3A_1044 : vector<16xf32>
        %add3A_1046 = arith.constant 30 : i32
        %add3A_1047 = arith.addi %mul3A_224, %add3A_1046 : i32
        %add3A_1048 = arith.constant 1 : i32
        %add3A_1049 = arith.addi %add3A_1047, %add3A_1048 : i32
        %get3A_1050 = arith.index_cast %add3A_1049 : i32 to index
        %get3A_1051 = arith.constant 0 : index
        %get3A_1052 = tpu.vector_load %arg9[%get3A_1050, %get3A_1051] {strides = array<i32>} : memref<640x32xf32, #tpu.memory_space<vmem>>, vector<16xf32>,
        %add3A_1053 = arith.addf %add3A_997, %get3A_1052 : vector<16xf32>
        %add3A_1054 = arith.constant 30 : i32
        %add3A_1055 = arith.addi %mul3A_224, %add3A_1054 : i32
        %get3A_1056 = arith.index_cast %add3A_1055 : i32 to index
        %get3A_1057 = arith.constant 0 : index
        %get3A_1058 = tpu.vector_load %arg11[%get3A_1056, %get3A_1057] {strides = array<i32>} : memref<640x32xf32, #tpu.memory_space<vmem>>, vector<16xf32>,
        %add3A_1059 = arith.addf %add3A_1003, %get3A_1058 : vector<16xf32>
        %add3A_1060 = arith.constant 30 : i32
        %add3A_1061 = arith.addi %mul3A_224, %add3A_1060 : i32
        %add3A_1062 = arith.constant 1 : i32
        %add3A_1063 = arith.addi %add3A_1061, %add3A_1062 : i32
        %get3A_1064 = arith.index_cast %add3A_1063 : i32 to index
        %get3A_1065 = arith.constant 0 : index
        %get3A_1066 = tpu.vector_load %arg11[%get3A_1064, %get3A_1065] {strides = array<i32>} : memref<640x32xf32, #tpu.memory_space<vmem>>, vector<16xf32>,
        %add3A_1067 = arith.addf %add3A_1011, %get3A_1066 : vector<16xf32>
        %add3A_1068 = arith.constant 30 : i32
        %add3A_1069 = arith.addi %mul3A_224, %add3A_1068 : i32
        %get3A_1070 = arith.index_cast %add3A_1069 : i32 to index
        %get3A_1071 = arith.constant 16 : index
        %get3A_1072 = tpu.vector_load %arg9[%get3A_1070, %get3A_1071] {strides = array<i32>} : memref<640x32xf32, #tpu.memory_space<vmem>>, vector<16xf32>,
        %add3A_1073 = arith.addf %add3A_1017, %get3A_1072 : vector<16xf32>
        %add3A_1074 = arith.constant 30 : i32
        %add3A_1075 = arith.addi %mul3A_224, %add3A_1074 : i32
        %add3A_1076 = arith.constant 1 : i32
        %add3A_1077 = arith.addi %add3A_1075, %add3A_1076 : i32
        %get3A_1078 = arith.index_cast %add3A_1077 : i32 to index
        %get3A_1079 = arith.constant 16 : index
        %get3A_1080 = tpu.vector_load %arg9[%get3A_1078, %get3A_1079] {strides = array<i32>} : memref<640x32xf32, #tpu.memory_space<vmem>>, vector<16xf32>,
        %add3A_1081 = arith.addf %add3A_1025, %get3A_1080 : vector<16xf32>
        %add3A_1082 = arith.constant 30 : i32
        %add3A_1083 = arith.addi %mul3A_224, %add3A_1082 : i32
        %get3A_1084 = arith.index_cast %add3A_1083 : i32 to index
        %get3A_1085 = arith.constant 16 : index
        %get3A_1086 = tpu.vector_load %arg11[%get3A_1084, %get3A_1085] {strides = array<i32>} : memref<640x32xf32, #tpu.memory_space<vmem>>, vector<16xf32>,
        %add3A_1087 = arith.addf %add3A_1031, %get3A_1086 : vector<16xf32>
        %add3A_1088 = arith.constant 30 : i32
        %add3A_1089 = arith.addi %mul3A_224, %add3A_1088 : i32
        %add3A_1090 = arith.constant 1 : i32
        %add3A_1091 = arith.addi %add3A_1089, %add3A_1090 : i32
        %get3A_1092 = arith.index_cast %add3A_1091 : i32 to index
        %get3A_1093 = arith.constant 16 : index
        %get3A_1094 = tpu.vector_load %arg11[%get3A_1092, %get3A_1093] {strides = array<i32>} : memref<640x32xf32, #tpu.memory_space<vmem>>, vector<16xf32>,
        %add3A_1095 = arith.addf %add3A_1039, %get3A_1094 : vector<16xf32>
        %add3A_1096 = arith.constant 32 : i32
        %add3A_1097 = arith.addi %mul3A_224, %add3A_1096 : i32
        %get3A_1098 = arith.index_cast %add3A_1097 : i32 to index
        %get3A_1099 = arith.constant 0 : index
        %get3A_1100 = tpu.vector_load %arg9[%get3A_1098, %get3A_1099] {strides = array<i32>} : memref<640x32xf32, #tpu.memory_space<vmem>>, vector<16xf32>,
        %add3A_1101 = arith.addf %add3A_1045, %get3A_1100 : vector<16xf32>
        %add3A_1102 = arith.constant 32 : i32
        %add3A_1103 = arith.addi %mul3A_224, %add3A_1102 : i32
        %add3A_1104 = arith.constant 1 : i32
        %add3A_1105 = arith.addi %add3A_1103, %add3A_1104 : i32
        %get3A_1106 = arith.index_cast %add3A_1105 : i32 to index
        %get3A_1107 = arith.constant 0 : index
        %get3A_1108 = tpu.vector_load %arg9[%get3A_1106, %get3A_1107] {strides = array<i32>} : memref<640x32xf32, #tpu.memory_space<vmem>>, vector<16xf32>,
        %add3A_1109 = arith.addf %add3A_1053, %get3A_1108 : vector<16xf32>
        %add3A_1110 = arith.constant 32 : i32
        %add3A_1111 = arith.addi %mul3A_224, %add3A_1110 : i32
        %get3A_1112 = arith.index_cast %add3A_1111 : i32 to index
        %get3A_1113 = arith.constant 0 : index
        %get3A_1114 = tpu.vector_load %arg11[%get3A_1112, %get3A_1113] {strides = array<i32>} : memref<640x32xf32, #tpu.memory_space<vmem>>, vector<16xf32>,
        %add3A_1115 = arith.addf %add3A_1059, %get3A_1114 : vector<16xf32>
        %add3A_1116 = arith.constant 32 : i32
        %add3A_1117 = arith.addi %mul3A_224, %add3A_1116 : i32
        %add3A_1118 = arith.constant 1 : i32
        %add3A_1119 = arith.addi %add3A_1117, %add3A_1118 : i32
        %get3A_1120 = arith.index_cast %add3A_1119 : i32 to index
        %get3A_1121 = arith.constant 0 : index
        %get3A_1122 = tpu.vector_load %arg11[%get3A_1120, %get3A_1121] {strides = array<i32>} : memref<640x32xf32, #tpu.memory_space<vmem>>, vector<16xf32>,
        %add3A_1123 = arith.addf %add3A_1067, %get3A_1122 : vector<16xf32>
        %add3A_1124 = arith.constant 32 : i32
        %add3A_1125 = arith.addi %mul3A_224, %add3A_1124 : i32
        %get3A_1126 = arith.index_cast %add3A_1125 : i32 to index
        %get3A_1127 = arith.constant 16 : index
        %get3A_1128 = tpu.vector_load %arg9[%get3A_1126, %get3A_1127] {strides = array<i32>} : memref<640x32xf32, #tpu.memory_space<vmem>>, vector<16xf32>,
        %add3A_1129 = arith.addf %add3A_1073, %get3A_1128 : vector<16xf32>
        %add3A_1130 = arith.constant 32 : i32
        %add3A_1131 = arith.addi %mul3A_224, %add3A_1130 : i32
        %add3A_1132 = arith.constant 1 : i32
        %add3A_1133 = arith.addi %add3A_1131, %add3A_1132 : i32
        %get3A_1134 = arith.index_cast %add3A_1133 : i32 to index
        %get3A_1135 = arith.constant 16 : index
        %get3A_1136 = tpu.vector_load %arg9[%get3A_1134, %get3A_1135] {strides = array<i32>} : memref<640x32xf32, #tpu.memory_space<vmem>>, vector<16xf32>,
        %add3A_1137 = arith.addf %add3A_1081, %get3A_1136 : vector<16xf32>
        %add3A_1138 = arith.constant 32 : i32
        %add3A_1139 = arith.addi %mul3A_224, %add3A_1138 : i32
        %get3A_1140 = arith.index_cast %add3A_1139 : i32 to index
        %get3A_1141 = arith.constant 16 : index
        %get3A_1142 = tpu.vector_load %arg11[%get3A_1140, %get3A_1141] {strides = array<i32>} : memref<640x32xf32, #tpu.memory_space<vmem>>, vector<16xf32>,
        %add3A_1143 = arith.addf %add3A_1087, %get3A_1142 : vector<16xf32>
        %add3A_1144 = arith.constant 32 : i32
        %add3A_1145 = arith.addi %mul3A_224, %add3A_1144 : i32
        %add3A_1146 = arith.constant 1 : i32
        %add3A_1147 = arith.addi %add3A_1145, %add3A_1146 : i32
        %get3A_1148 = arith.index_cast %add3A_1147 : i32 to index
        %get3A_1149 = arith.constant 16 : index
        %get3A_1150 = tpu.vector_load %arg11[%get3A_1148, %get3A_1149] {strides = array<i32>} : memref<640x32xf32, #tpu.memory_space<vmem>>, vector<16xf32>,
        %add3A_1151 = arith.addf %add3A_1095, %get3A_1150 : vector<16xf32>
        %add3A_1152 = arith.constant 34 : i32
        %add3A_1153 = arith.addi %mul3A_224, %add3A_1152 : i32
        %get3A_1154 = arith.index_cast %add3A_1153 : i32 to index
        %get3A_1155 = arith.constant 0 : index
        %get3A_1156 = tpu.vector_load %arg9[%get3A_1154, %get3A_1155] {strides = array<i32>} : memref<640x32xf32, #tpu.memory_space<vmem>>, vector<16xf32>,
        %add3A_1157 = arith.addf %add3A_1101, %get3A_1156 : vector<16xf32>
        %add3A_1158 = arith.constant 34 : i32
        %add3A_1159 = arith.addi %mul3A_224, %add3A_1158 : i32
        %add3A_1160 = arith.constant 1 : i32
        %add3A_1161 = arith.addi %add3A_1159, %add3A_1160 : i32
        %get3A_1162 = arith.index_cast %add3A_1161 : i32 to index
        %get3A_1163 = arith.constant 0 : index
        %get3A_1164 = tpu.vector_load %arg9[%get3A_1162, %get3A_1163] {strides = array<i32>} : memref<640x32xf32, #tpu.memory_space<vmem>>, vector<16xf32>,
        %add3A_1165 = arith.addf %add3A_1109, %get3A_1164 : vector<16xf32>
        %add3A_1166 = arith.constant 34 : i32
        %add3A_1167 = arith.addi %mul3A_224, %add3A_1166 : i32
        %get3A_1168 = arith.index_cast %add3A_1167 : i32 to index
        %get3A_1169 = arith.constant 0 : index
        %get3A_1170 = tpu.vector_load %arg11[%get3A_1168, %get3A_1169] {strides = array<i32>} : memref<640x32xf32, #tpu.memory_space<vmem>>, vector<16xf32>,
        %add3A_1171 = arith.addf %add3A_1115, %get3A_1170 : vector<16xf32>
        %add3A_1172 = arith.constant 34 : i32
        %add3A_1173 = arith.addi %mul3A_224, %add3A_1172 : i32
        %add3A_1174 = arith.constant 1 : i32
        %add3A_1175 = arith.addi %add3A_1173, %add3A_1174 : i32
        %get3A_1176 = arith.index_cast %add3A_1175 : i32 to index
        %get3A_1177 = arith.constant 0 : index
        %get3A_1178 = tpu.vector_load %arg11[%get3A_1176, %get3A_1177] {strides = array<i32>} : memref<640x32xf32, #tpu.memory_space<vmem>>, vector<16xf32>,
        %add3A_1179 = arith.addf %add3A_1123, %get3A_1178 : vector<16xf32>
        %add3A_1180 = arith.constant 34 : i32
        %add3A_1181 = arith.addi %mul3A_224, %add3A_1180 : i32
        %get3A_1182 = arith.index_cast %add3A_1181 : i32 to index
        %get3A_1183 = arith.constant 16 : index
        %get3A_1184 = tpu.vector_load %arg9[%get3A_1182, %get3A_1183] {strides = array<i32>} : memref<640x32xf32, #tpu.memory_space<vmem>>, vector<16xf32>,
        %add3A_1185 = arith.addf %add3A_1129, %get3A_1184 : vector<16xf32>
        %add3A_1186 = arith.constant 34 : i32
        %add3A_1187 = arith.addi %mul3A_224, %add3A_1186 : i32
        %add3A_1188 = arith.constant 1 : i32
        %add3A_1189 = arith.addi %add3A_1187, %add3A_1188 : i32
        %get3A_1190 = arith.index_cast %add3A_1189 : i32 to index
        %get3A_1191 = arith.constant 16 : index
        %get3A_1192 = tpu.vector_load %arg9[%get3A_1190, %get3A_1191] {strides = array<i32>} : memref<640x32xf32, #tpu.memory_space<vmem>>, vector<16xf32>,
        %add3A_1193 = arith.addf %add3A_1137, %get3A_1192 : vector<16xf32>
        %add3A_1194 = arith.constant 34 : i32
        %add3A_1195 = arith.addi %mul3A_224, %add3A_1194 : i32
        %get3A_1196 = arith.index_cast %add3A_1195 : i32 to index
        %get3A_1197 = arith.constant 16 : index
        %get3A_1198 = tpu.vector_load %arg11[%get3A_1196, %get3A_1197] {strides = array<i32>} : memref<640x32xf32, #tpu.memory_space<vmem>>, vector<16xf32>,
        %add3A_1199 = arith.addf %add3A_1143, %get3A_1198 : vector<16xf32>
        %add3A_1200 = arith.constant 34 : i32
        %add3A_1201 = arith.addi %mul3A_224, %add3A_1200 : i32
        %add3A_1202 = arith.constant 1 : i32
        %add3A_1203 = arith.addi %add3A_1201, %add3A_1202 : i32
        %get3A_1204 = arith.index_cast %add3A_1203 : i32 to index
        %get3A_1205 = arith.constant 16 : index
        %get3A_1206 = tpu.vector_load %arg11[%get3A_1204, %get3A_1205] {strides = array<i32>} : memref<640x32xf32, #tpu.memory_space<vmem>>, vector<16xf32>,
        %add3A_1207 = arith.addf %add3A_1151, %get3A_1206 : vector<16xf32>
        %add3A_1208 = arith.constant 36 : i32
        %add3A_1209 = arith.addi %mul3A_224, %add3A_1208 : i32
        %get3A_1210 = arith.index_cast %add3A_1209 : i32 to index
        %get3A_1211 = arith.constant 0 : index
        %get3A_1212 = tpu.vector_load %arg9[%get3A_1210, %get3A_1211] {strides = array<i32>} : memref<640x32xf32, #tpu.memory_space<vmem>>, vector<16xf32>,
        %add3A_1213 = arith.addf %add3A_1157, %get3A_1212 : vector<16xf32>
        %add3A_1214 = arith.constant 36 : i32
        %add3A_1215 = arith.addi %mul3A_224, %add3A_1214 : i32
        %add3A_1216 = arith.constant 1 : i32
        %add3A_1217 = arith.addi %add3A_1215, %add3A_1216 : i32
        %get3A_1218 = arith.index_cast %add3A_1217 : i32 to index
        %get3A_1219 = arith.constant 0 : index
        %get3A_1220 = tpu.vector_load %arg9[%get3A_1218, %get3A_1219] {strides = array<i32>} : memref<640x32xf32, #tpu.memory_space<vmem>>, vector<16xf32>,
        %add3A_1221 = arith.addf %add3A_1165, %get3A_1220 : vector<16xf32>
        %add3A_1222 = arith.constant 36 : i32
        %add3A_1223 = arith.addi %mul3A_224, %add3A_1222 : i32
        %get3A_1224 = arith.index_cast %add3A_1223 : i32 to index
        %get3A_1225 = arith.constant 0 : index
        %get3A_1226 = tpu.vector_load %arg11[%get3A_1224, %get3A_1225] {strides = array<i32>} : memref<640x32xf32, #tpu.memory_space<vmem>>, vector<16xf32>,
        %add3A_1227 = arith.addf %add3A_1171, %get3A_1226 : vector<16xf32>
        %add3A_1228 = arith.constant 36 : i32
        %add3A_1229 = arith.addi %mul3A_224, %add3A_1228 : i32
        %add3A_1230 = arith.constant 1 : i32
        %add3A_1231 = arith.addi %add3A_1229, %add3A_1230 : i32
        %get3A_1232 = arith.index_cast %add3A_1231 : i32 to index
        %get3A_1233 = arith.constant 0 : index
        %get3A_1234 = tpu.vector_load %arg11[%get3A_1232, %get3A_1233] {strides = array<i32>} : memref<640x32xf32, #tpu.memory_space<vmem>>, vector<16xf32>,
        %add3A_1235 = arith.addf %add3A_1179, %get3A_1234 : vector<16xf32>
        %add3A_1236 = arith.constant 36 : i32
        %add3A_1237 = arith.addi %mul3A_224, %add3A_1236 : i32
        %get3A_1238 = arith.index_cast %add3A_1237 : i32 to index
        %get3A_1239 = arith.constant 16 : index
        %get3A_1240 = tpu.vector_load %arg9[%get3A_1238, %get3A_1239] {strides = array<i32>} : memref<640x32xf32, #tpu.memory_space<vmem>>, vector<16xf32>,
        %add3A_1241 = arith.addf %add3A_1185, %get3A_1240 : vector<16xf32>
        %add3A_1242 = arith.constant 36 : i32
        %add3A_1243 = arith.addi %mul3A_224, %add3A_1242 : i32
        %add3A_1244 = arith.constant 1 : i32
        %add3A_1245 = arith.addi %add3A_1243, %add3A_1244 : i32
        %get3A_1246 = arith.index_cast %add3A_1245 : i32 to index
        %get3A_1247 = arith.constant 16 : index
        %get3A_1248 = tpu.vector_load %arg9[%get3A_1246, %get3A_1247] {strides = array<i32>} : memref<640x32xf32, #tpu.memory_space<vmem>>, vector<16xf32>,
        %add3A_1249 = arith.addf %add3A_1193, %get3A_1248 : vector<16xf32>
        %add3A_1250 = arith.constant 36 : i32
        %add3A_1251 = arith.addi %mul3A_224, %add3A_1250 : i32
        %get3A_1252 = arith.index_cast %add3A_1251 : i32 to index
        %get3A_1253 = arith.constant 16 : index
        %get3A_1254 = tpu.vector_load %arg11[%get3A_1252, %get3A_1253] {strides = array<i32>} : memref<640x32xf32, #tpu.memory_space<vmem>>, vector<16xf32>,
        %add3A_1255 = arith.addf %add3A_1199, %get3A_1254 : vector<16xf32>
        %add3A_1256 = arith.constant 36 : i32
        %add3A_1257 = arith.addi %mul3A_224, %add3A_1256 : i32
        %add3A_1258 = arith.constant 1 : i32
        %add3A_1259 = arith.addi %add3A_1257, %add3A_1258 : i32
        %get3A_1260 = arith.index_cast %add3A_1259 : i32 to index
        %get3A_1261 = arith.constant 16 : index
        %get3A_1262 = tpu.vector_load %arg11[%get3A_1260, %get3A_1261] {strides = array<i32>} : memref<640x32xf32, #tpu.memory_space<vmem>>, vector<16xf32>,
        %add3A_1263 = arith.addf %add3A_1207, %get3A_1262 : vector<16xf32>
        %add3A_1264 = arith.constant 38 : i32
        %add3A_1265 = arith.addi %mul3A_224, %add3A_1264 : i32
        %get3A_1266 = arith.index_cast %add3A_1265 : i32 to index
        %get3A_1267 = arith.constant 0 : index
        %get3A_1268 = tpu.vector_load %arg9[%get3A_1266, %get3A_1267] {strides = array<i32>} : memref<640x32xf32, #tpu.memory_space<vmem>>, vector<16xf32>,
        %add3A_1269 = arith.addf %add3A_1213, %get3A_1268 : vector<16xf32>
        %add3A_1270 = arith.constant 38 : i32
        %add3A_1271 = arith.addi %mul3A_224, %add3A_1270 : i32
        %add3A_1272 = arith.constant 1 : i32
        %add3A_1273 = arith.addi %add3A_1271, %add3A_1272 : i32
        %get3A_1274 = arith.index_cast %add3A_1273 : i32 to index
        %get3A_1275 = arith.constant 0 : index
        %get3A_1276 = tpu.vector_load %arg9[%get3A_1274, %get3A_1275] {strides = array<i32>} : memref<640x32xf32, #tpu.memory_space<vmem>>, vector<16xf32>,
        %add3A_1277 = arith.addf %add3A_1221, %get3A_1276 : vector<16xf32>
        %add3A_1278 = arith.constant 38 : i32
        %add3A_1279 = arith.addi %mul3A_224, %add3A_1278 : i32
        %get3A_1280 = arith.index_cast %add3A_1279 : i32 to index
        %get3A_1281 = arith.constant 0 : index
        %get3A_1282 = tpu.vector_load %arg11[%get3A_1280, %get3A_1281] {strides = array<i32>} : memref<640x32xf32, #tpu.memory_space<vmem>>, vector<16xf32>,
        %add3A_1283 = arith.addf %add3A_1227, %get3A_1282 : vector<16xf32>
        %add3A_1284 = arith.constant 38 : i32
        %add3A_1285 = arith.addi %mul3A_224, %add3A_1284 : i32
        %add3A_1286 = arith.constant 1 : i32
        %add3A_1287 = arith.addi %add3A_1285, %add3A_1286 : i32
        %get3A_1288 = arith.index_cast %add3A_1287 : i32 to index
        %get3A_1289 = arith.constant 0 : index
        %get3A_1290 = tpu.vector_load %arg11[%get3A_1288, %get3A_1289] {strides = array<i32>} : memref<640x32xf32, #tpu.memory_space<vmem>>, vector<16xf32>,
        %add3A_1291 = arith.addf %add3A_1235, %get3A_1290 : vector<16xf32>
        %add3A_1292 = arith.constant 38 : i32
        %add3A_1293 = arith.addi %mul3A_224, %add3A_1292 : i32
        %get3A_1294 = arith.index_cast %add3A_1293 : i32 to index
        %get3A_1295 = arith.constant 16 : index
        %get3A_1296 = tpu.vector_load %arg9[%get3A_1294, %get3A_1295] {strides = array<i32>} : memref<640x32xf32, #tpu.memory_space<vmem>>, vector<16xf32>,
        %add3A_1297 = arith.addf %add3A_1241, %get3A_1296 : vector<16xf32>
        %add3A_1298 = arith.constant 38 : i32
        %add3A_1299 = arith.addi %mul3A_224, %add3A_1298 : i32
        %add3A_1300 = arith.constant 1 : i32
        %add3A_1301 = arith.addi %add3A_1299, %add3A_1300 : i32
        %get3A_1302 = arith.index_cast %add3A_1301 : i32 to index
        %get3A_1303 = arith.constant 16 : index
        %get3A_1304 = tpu.vector_load %arg9[%get3A_1302, %get3A_1303] {strides = array<i32>} : memref<640x32xf32, #tpu.memory_space<vmem>>, vector<16xf32>,
        %add3A_1305 = arith.addf %add3A_1249, %get3A_1304 : vector<16xf32>
        %add3A_1306 = arith.constant 38 : i32
        %add3A_1307 = arith.addi %mul3A_224, %add3A_1306 : i32
        %get3A_1308 = arith.index_cast %add3A_1307 : i32 to index
        %get3A_1309 = arith.constant 16 : index
        %get3A_1310 = tpu.vector_load %arg11[%get3A_1308, %get3A_1309] {strides = array<i32>} : memref<640x32xf32, #tpu.memory_space<vmem>>, vector<16xf32>,
        %add3A_1311 = arith.addf %add3A_1255, %get3A_1310 : vector<16xf32>
        %add3A_1312 = arith.constant 38 : i32
        %add3A_1313 = arith.addi %mul3A_224, %add3A_1312 : i32
        %add3A_1314 = arith.constant 1 : i32
        %add3A_1315 = arith.addi %add3A_1313, %add3A_1314 : i32
        %get3A_1316 = arith.index_cast %add3A_1315 : i32 to index
        %get3A_1317 = arith.constant 16 : index
        %get3A_1318 = tpu.vector_load %arg11[%get3A_1316, %get3A_1317] {strides = array<i32>} : memref<640x32xf32, #tpu.memory_space<vmem>>, vector<16xf32>,
        %add3A_1319 = arith.addf %add3A_1263, %get3A_1318 : vector<16xf32>
        %mul3A_1320 = arith.mulf %add3A_1269, %add3A_1283 : vector<16xf32>
        %mul3A_1321 = arith.mulf %add3A_1277, %add3A_1291 : vector<16xf32>
        %add3A_1322 = arith.addf %mul3A_1320, %mul3A_1321 : vector<16xf32>
        %mul3A_1323 = arith.mulf %add3A_1297, %add3A_1311 : vector<16xf32>
        %mul3A_1324 = arith.mulf %add3A_1305, %add3A_1319 : vector<16xf32>
        %add3A_1325 = arith.addf %mul3A_1323, %mul3A_1324 : vector<16xf32>
        %add3A_1326 = arith.addf %add3A_1322, %add3A_1325 : vector<16xf32>
        %swap3A_1327 = arith.index_cast %scan3A_222 : i32 to index
        %swap3A_1328 = arith.constant 0 : index
        %swap3A_1329 = tpu.vector_load %arg12[%swap3A_1327, %swap3A_1328] {strides = array<i32>} : memref<16x16xf32, #tpu.memory_space<vmem>>, vector<16xf32>,
        tpu.vector_store %arg12[%swap3A_1327, %swap3A_1328], %add3A_1326 {strides = array<i32>} : memref<16x16xf32, #tpu.memory_space<vmem>>, vector<16xf32>,
      }
      %scan3A_144 = arith.constant 16 : i32
      %broadcast_in_dim3A_145 = arith.constant 0 : i32
      %broadcast_in_dim3A_146 = vector.broadcast %broadcast_in_dim3A_145 : i32 to vector<16xi32>
      %gather3A_147 = tpu.vector_load_idx %arg12[%iota3A, %broadcast_in_dim3A_146] : memref<16x16xf32, #tpu.memory_space<vmem>>[vector<16xi32>, vector<16xi32>], vector<16xf32>,
      %broadcast_in_dim3A_148 = arith.constant 1 : i32
      %broadcast_in_dim3A_149 = vector.broadcast %broadcast_in_dim3A_148 : i32 to vector<16xi32>
      %gather3A_150 = tpu.vector_load_idx %arg12[%iota3A, %broadcast_in_dim3A_149] : memref<16x16xf32, #tpu.memory_space<vmem>>[vector<16xi32>, vector<16xi32>], vector<16xf32>,
      %add3A_151 = arith.addf %gather3A_147, %gather3A_150 : vector<16xf32>
      %broadcast_in_dim3A_152 = arith.constant 2 : i32
      %broadcast_in_dim3A_153 = vector.broadcast %broadcast_in_dim3A_152 : i32 to vector<16xi32>
      %gather3A_154 = tpu.vector_load_idx %arg12[%iota3A, %broadcast_in_dim3A_153] : memref<16x16xf32, #tpu.memory_space<vmem>>[vector<16xi32>, vector<16xi32>], vector<16xf32>,
      %add3A_155 = arith.addf %add3A_151, %gather3A_154 : vector<16xf32>
      %broadcast_in_dim3A_156 = arith.constant 3 : i32
      %broadcast_in_dim3A_157 = vector.broadcast %broadcast_in_dim3A_156 : i32 to vector<16xi32>
      %gather3A_158 = tpu.vector_load_idx %arg12[%iota3A, %broadcast_in_dim3A_157] : memref<16x16xf32, #tpu.memory_space<vmem>>[vector<16xi32>, vector<16xi32>], vector<16xf32>,
      %add3A_159 = arith.addf %add3A_155, %gather3A_158 : vector<16xf32>
      %broadcast_in_dim3A_160 = arith.constant 4 : i32
      %broadcast_in_dim3A_161 = vector.broadcast %broadcast_in_dim3A_160 : i32 to vector<16xi32>
      %gather3A_162 = tpu.vector_load_idx %arg12[%iota3A, %broadcast_in_dim3A_161] : memref<16x16xf32, #tpu.memory_space<vmem>>[vector<16xi32>, vector<16xi32>], vector<16xf32>,
      %add3A_163 = arith.addf %add3A_159, %gather3A_162 : vector<16xf32>
      %broadcast_in_dim3A_164 = arith.constant 5 : i32
      %broadcast_in_dim3A_165 = vector.broadcast %broadcast_in_dim3A_164 : i32 to vector<16xi32>
      %gather3A_166 = tpu.vector_load_idx %arg12[%iota3A, %broadcast_in_dim3A_165] : memref<16x16xf32, #tpu.memory_space<vmem>>[vector<16xi32>, vector<16xi32>], vector<16xf32>,
      %add3A_167 = arith.addf %add3A_163, %gather3A_166 : vector<16xf32>
      %broadcast_in_dim3A_168 = arith.constant 6 : i32
      %broadcast_in_dim3A_169 = vector.broadcast %broadcast_in_dim3A_168 : i32 to vector<16xi32>
      %gather3A_170 = tpu.vector_load_idx %arg12[%iota3A, %broadcast_in_dim3A_169] : memref<16x16xf32, #tpu.memory_space<vmem>>[vector<16xi32>, vector<16xi32>], vector<16xf32>,
      %add3A_171 = arith.addf %add3A_167, %gather3A_170 : vector<16xf32>
      %broadcast_in_dim3A_172 = arith.constant 7 : i32
      %broadcast_in_dim3A_173 = vector.broadcast %broadcast_in_dim3A_172 : i32 to vector<16xi32>
      %gather3A_174 = tpu.vector_load_idx %arg12[%iota3A, %broadcast_in_dim3A_173] : memref<16x16xf32, #tpu.memory_space<vmem>>[vector<16xi32>, vector<16xi32>], vector<16xf32>,
      %add3A_175 = arith.addf %add3A_171, %gather3A_174 : vector<16xf32>
      %broadcast_in_dim3A_176 = arith.constant 8 : i32
      %broadcast_in_dim3A_177 = vector.broadcast %broadcast_in_dim3A_176 : i32 to vector<16xi32>
      %gather3A_178 = tpu.vector_load_idx %arg12[%iota3A, %broadcast_in_dim3A_177] : memref<16x16xf32, #tpu.memory_space<vmem>>[vector<16xi32>, vector<16xi32>], vector<16xf32>,
      %add3A_179 = arith.addf %add3A_175, %gather3A_178 : vector<16xf32>
      %broadcast_in_dim3A_180 = arith.constant 9 : i32
      %broadcast_in_dim3A_181 = vector.broadcast %broadcast_in_dim3A_180 : i32 to vector<16xi32>
      %gather3A_182 = tpu.vector_load_idx %arg12[%iota3A, %broadcast_in_dim3A_181] : memref<16x16xf32, #tpu.memory_space<vmem>>[vector<16xi32>, vector<16xi32>], vector<16xf32>,
      %add3A_183 = arith.addf %add3A_179, %gather3A_182 : vector<16xf32>
      %broadcast_in_dim3A_184 = arith.constant 10 : i32
      %broadcast_in_dim3A_185 = vector.broadcast %broadcast_in_dim3A_184 : i32 to vector<16xi32>
      %gather3A_186 = tpu.vector_load_idx %arg12[%iota3A, %broadcast_in_dim3A_185] : memref<16x16xf32, #tpu.memory_space<vmem>>[vector<16xi32>, vector<16xi32>], vector<16xf32>,
      %add3A_187 = arith.addf %add3A_183, %gather3A_186 : vector<16xf32>
      %broadcast_in_dim3A_188 = arith.constant 11 : i32
      %broadcast_in_dim3A_189 = vector.broadcast %broadcast_in_dim3A_188 : i32 to vector<16xi32>
      %gather3A_190 = tpu.vector_load_idx %arg12[%iota3A, %broadcast_in_dim3A_189] : memref<16x16xf32, #tpu.memory_space<vmem>>[vector<16xi32>, vector<16xi32>], vector<16xf32>,
      %add3A_191 = arith.addf %add3A_187, %gather3A_190 : vector<16xf32>
      %broadcast_in_dim3A_192 = arith.constant 12 : i32
      %broadcast_in_dim3A_193 = vector.broadcast %broadcast_in_dim3A_192 : i32 to vector<16xi32>
      %gather3A_194 = tpu.vector_load_idx %arg12[%iota3A, %broadcast_in_dim3A_193] : memref<16x16xf32, #tpu.memory_space<vmem>>[vector<16xi32>, vector<16xi32>], vector<16xf32>,
      %add3A_195 = arith.addf %add3A_191, %gather3A_194 : vector<16xf32>
      %broadcast_in_dim3A_196 = arith.constant 13 : i32
      %broadcast_in_dim3A_197 = vector.broadcast %broadcast_in_dim3A_196 : i32 to vector<16xi32>
      %gather3A_198 = tpu.vector_load_idx %arg12[%iota3A, %broadcast_in_dim3A_197] : memref<16x16xf32, #tpu.memory_space<vmem>>[vector<16xi32>, vector<16xi32>], vector<16xf32>,
      %add3A_199 = arith.addf %add3A_195, %gather3A_198 : vector<16xf32>
      %broadcast_in_dim3A_200 = arith.constant 14 : i32
      %broadcast_in_dim3A_201 = vector.broadcast %broadcast_in_dim3A_200 : i32 to vector<16xi32>
      %gather3A_202 = tpu.vector_load_idx %arg12[%iota3A, %broadcast_in_dim3A_201] : memref<16x16xf32, #tpu.memory_space<vmem>>[vector<16xi32>, vector<16xi32>], vector<16xf32>,
      %add3A_203 = arith.addf %add3A_199, %gather3A_202 : vector<16xf32>
      %broadcast_in_dim3A_204 = arith.constant 15 : i32
      %broadcast_in_dim3A_205 = vector.broadcast %broadcast_in_dim3A_204 : i32 to vector<16xi32>
      %gather3A_206 = tpu.vector_load_idx %arg12[%iota3A, %broadcast_in_dim3A_205] : memref<16x16xf32, #tpu.memory_space<vmem>>[vector<16xi32>, vector<16xi32>], vector<16xf32>,
      %add3A_207 = arith.addf %add3A_203, %gather3A_206 : vector<16xf32>
      %neg3A_208 = arith.constant 0.000000e+00 : f32
      %neg3A_209 = vector.broadcast %neg3A_208 : f32 to vector<16xf32>
      %neg3A_210 = arith.subf %neg3A_209, %add3A_207 : vector<16xf32>
      %exp3A_211 = math.exp %neg3A_210 : vector<16xf32>
      %add3A_212 = arith.constant 1.000000e+00 : f32
      %add3A_213 = vector.broadcast %add3A_212 : f32 to vector<16xf32>
      %add3A_214 = arith.addf %add3A_213, %exp3A_211 : vector<16xf32>
      %div3A_215 = arith.constant 1.000000e+00 : f32
      %div3A_216 = vector.broadcast %div3A_215 : f32 to vector<16xf32>
      %div3A_217 = arith.divf %div3A_216, %add3A_214 : vector<16xf32>
      %mul3A_218 = arith.constant 16 : i32
      %mul3A_219 = arith.muli %add3A_119, %mul3A_218 : i32
      %swap3A_220 = arith.index_cast %mul3A_219 : i32 to index
      %swap3A_221 = tpu.vector_load %arg13[%swap3A_220] {strides = array<i32>} : memref<512xf32, #tpu.memory_space<vmem>>, vector<16xf32>,
      tpu.vector_store %arg13[%swap3A_220], %div3A_217 {strides = array<i32>} : memref<512xf32, #tpu.memory_space<vmem>>, vector<16xf32>,
    }
    %scan3A_18 = arith.constant 16 : i32
    %mul3A_19 = arith.constant 512 : i32
    %mul3A_20 = arith.muli %add3A, %mul3A_19 : i32
    "tpu.region"() ({
      %run_scoped3A = tpu.sem_alloc : memref<!tpu.dma_semaphore, #tpu.memory_space<semaphore_mem>>
      %dma_start3A_21 = tpu.memref_slice %arg5[%mul3A_20] : memref<16384xf32, #tpu.memory_space<hbm>> -> memref<512xf32, #tpu.memory_space<hbm>>
      %dma_start3A_22 = tpu.memref_slice %arg5[%mul3A_20] : memref<16384xf32, #tpu.memory_space<hbm>> -> memref<512xf32, #tpu.memory_space<hbm>>
      tpu.enqueue_dma source(%arg13 : memref<512xf32, #tpu.memory_space<vmem>>) target(%dma_start3A_22 : memref<512xf32, #tpu.memory_space<hbm>>) target_semaphore(%run_scoped3A : memref<!tpu.dma_semaphore, #tpu.memory_space<semaphore_mem>>)
      %dma_wait3A = tpu.memref_slice %arg5[%mul3A_20] : memref<16384xf32, #tpu.memory_space<hbm>> -> memref<512xf32, #tpu.memory_space<hbm>>
      %dma_wait3A_23 = tpu.memref_slice %arg5[%mul3A_20] : memref<16384xf32, #tpu.memory_space<hbm>> -> memref<512xf32, #tpu.memory_space<hbm>>
      tpu.wait_dma2 semaphore(%run_scoped3A : memref<!tpu.dma_semaphore, #tpu.memory_space<semaphore_mem>>) src(%arg13 : memref<512xf32, #tpu.memory_space<vmem>>) dst(%dma_wait3A_23 : memref<512xf32, #tpu.memory_space<hbm>>)
      tpu.yield
    }) : () -> ()
    return
  }
}

</mosaic_0001>

<sc_bundles>
// kernel: kernel.3.cloned.1.call-start
scs
__scs_entry_jumppad:
0x0: {  	(pc) =	sbr.rel $0x88, $3  }
0x1: {  	(tag) =	ssettag $0x0;
	lr =	simm.s32 $0x1  }
0x2: {  	[smem:$0x3F9E] =	sst lr;
	_ =	strace $0xD0000000  }
0x3: {  	_ = 	snop  }
0x4: {  	_ = 	snop  }
0x5: {  	_ = 	snop  }
0x6: {  	_ = 	snop  }
0x7: {  	_ = 	snop  }
__scs_overlays_trampoline_lowered:
0x8: {  	[smem:$0x3FAD] =	sst s0  }
0x9: {  	[smem:$0x3FAE] =	sst s1  }
0xa: {  	[smem:$0x3FAF] =	sst s2  }
0xb: {  	[smem:$0x3FB0] =	sst s3  }
0xc: {  	[smem:$0x3FB1] =	sst s4  }
0xd: {  	[smem:$0x3FB2] =	sst s5  }
0xe: {  	[smem:$0x3FB3] =	sst s6  }
0xf: {  	[smem:$0x3FB4] =	sst s7  }
0x10: {  	[smem:$0x3FB5] =	sst s8  }
0x11: {  	[smem:$0x3FB6] =	sst s9;
	s0 =	simm.s32 @!p0 $0x0  }
0x12: {  	s1 =	sld [smem:$0x3F9C];
	s0 =	simm.s32 @p0 $0x1  }
0x13: {  	[smem:$0x3FB7] =	sst s0;
	s0 =	simm.s32 @!p1 $0x0  }
0x14: {  	s2 =	sld [smem:$0x3F9B];
	s0 =	simm.s32 @p1 $0x1  }
0x15: {  	[smem:$0x3FB8] =	sst s0;
	s0 =	simm.s32 @!p2 $0x0  }
0x16: {  	s3 =	sld [smem:$0x3FDB];
	s0 =	simm.s32 @p2 $0x1  }
0x17: {  	s4 =	simm.s32 $0x1BF5;
	[smem:$0x3FBA] =	sst s0  }
0x18: {  	s0 =	sld [smem:$0x3F9D];
	_ =	swait.ge [sflag:s4], $0x0  }
0x19: {  	s7 =	sld [smem:$0x3F9E]  }
0x1a: {  	s8 =	sadd.s32 $0xFFFFE003, lr  }
0x1b: {  	s9 =	sadd.s32 $0xFFFFFEF7, lr;
	s5 =	simm.s32 $0xFFFFFFFF;
	p2 =	slt.u32 s8, $0xFFFFF086  }
0x1c: {  	p1 =	slt.u32 s9, $0xF7A;
	s5 =	simm.s32 @!p2 $0x0  }
0x1d: {  	s5 =	simm.s32 @p1 $0x1;
	p0 =	seq.s32 s7, s2  }
0x1e: {  	s7 =	smul.u32 @!p0 $0xF7A, s2;
	p2 =	seq.s32 @!p0 s5, $0x0  }
0x1f: {  	s9 =	smul.u32 $0xF7A, s1;
	s8 =	simm.s32 @!p0 $0x1BF5;
	p2 =	por !p2, p0  }
0x20: {  	[sflag:s8] =	ssyncset.s32 @!p0 $0xFFFFF086;
	s6 =	sadd.s32 @!p0 s3, s7;
	s7 =	simm.s32 @!p0 $0x108  }
0x21: {  	s3 =	sadd.s32 s3, s9;
	s6 =	sadd.s32 @!p0 $0x88, s6;
	s7 =	simm.s32 @p2 $0x1082  }
0x22: {  	[simem:s7], [sflag:s8] =	dma.local @!p0 [hbm:s6], $0xF7A  }
0x23: {  	s9 =	sor.u32 $0xD0000000, s2;
	s6 =	simm.s32 $0x108;
	_ =	swait.ge @!p0 [sflag:s8], $0x0  }
0x24: {  	s3 =	sadd.s32 $0x88, s3;
	s6 =	simm.s32 @!p1 $0x1082;
	[sflag:s4] =	ssyncset.s32 $0xFFFFF086  }
0x25: {  	[simem:s6], [sflag:s4] =	dma.local [hbm:s3], $0xF7A  }
0x26: {  	[smem:$0x3F9E] =	sst s1;
	(tag) =	ssettag s2;
	_ =	strace s9  }
0x27: {  	s1 =	sld [smem:$0x3FAE]  }
0x28: {  	s2 =	sld [smem:$0x3FAF]  }
0x29: {  	s4 =	sld [smem:$0x3FB1]  }
0x2a: {  	p0 =	seq.s32 s5, $0x0;
	s5 =	sld [smem:$0x3FB2]  }
0x2b: {  	s6 =	sld [smem:$0x3FB3]  }
0x2c: {  	s7 =	sld [smem:$0x3FB4]  }
0x2d: {  	s3 =	simm.s32 $0x108;
	s8 =	sld [smem:$0x3FB5]  }
0x2e: {  	s3 =	simm.s32 @!p0 $0x1082;
	s9 =	sld [smem:$0x3FB6]  }
0x2f: {  	lr =	sadd.s32 s0, s3;
	s0 =	sld [smem:$0x3FAD]  }
0x30: {  	s3 =	sld [smem:$0x3FB0]  }
0x31: {  	[smem:$0x3FB9] =	sst s10  }
0x32: {  	s10 =	sld [smem:$0x3FB7];
	_ =	sdelay $0x3  }
0x33: {  	p0 =	seq.s32 s10, $0x1;
	s10 =	sld [smem:$0x3FB9];
	_ =	sdelay $0x3  }
0x34: {  	[smem:$0x3FB9] =	sst s10  }
0x35: {  	s10 =	sld [smem:$0x3FB8];
	_ =	sdelay $0x3  }
0x36: {  	p1 =	seq.s32 s10, $0x1;
	s10 =	sld [smem:$0x3FB9];
	_ =	sdelay $0x3  }
0x37: {  	[smem:$0x3FB9] =	sst s10  }
0x38: {  	s10 =	sld [smem:$0x3FBA]  }
0x39: {  	_ = 	snop;
	(pc) =	sbr.ind lr, $3  }
0x3a: {  	_ = 	snop  }
0x3b: {  	_ = 	snop  }
0x3c: {  	p2 =	seq.s32 s10, $0x1;
	s10 =	sld [smem:$0x3FB9]  }
0x3d: {  	_ =	shalt  }
0x3e: {  	_ =	shalt  }
0x3f: {  	_ =	shalt  }
0x40: {  	_ =	shalt  }
0x41: {  	_ =	shalt  }
0x42: {  	_ =	shalt  }
0x43: {  	_ =	shalt  }
0x44: {  	_ =	shalt  }
0x45: {  	_ =	shalt  }
0x46: {  	_ =	shalt  }
0x47: {  	_ =	shalt  }
0x48: {  	_ =	shalt  }
0x49: {  	_ =	shalt  }
0x4a: {  	_ =	shalt  }
0x4b: {  	_ =	shalt  }
0x4c: {  	_ =	shalt  }
0x4d: {  	_ =	shalt  }
0x4e: {  	_ =	shalt  }
0x4f: {  	_ =	shalt  }
0x50: {  	_ =	shalt  }
0x51: {  	_ =	shalt  }
0x52: {  	_ =	shalt  }
0x53: {  	_ =	shalt  }
0x54: {  	_ =	shalt  }
0x55: {  	_ =	shalt  }
0x56: {  	_ =	shalt  }
0x57: {  	_ =	shalt  }
0x58: {  	_ =	shalt  }
0x59: {  	_ =	shalt  }
0x5a: {  	_ =	shalt  }
0x5b: {  	_ =	shalt  }
0x5c: {  	_ =	shalt  }
0x5d: {  	_ =	shalt  }
0x5e: {  	_ =	shalt  }
0x5f: {  	_ =	shalt  }
0x60: {  	_ =	shalt  }
0x61: {  	_ =	shalt  }
0x62: {  	_ =	shalt  }
0x63: {  	_ =	shalt  }
0x64: {  	_ =	shalt  }
0x65: {  	_ =	shalt  }
0x66: {  	_ =	shalt  }
0x67: {  	_ =	shalt  }
0x68: {  	_ =	shalt  }
0x69: {  	_ =	shalt  }
0x6a: {  	_ =	shalt  }
0x6b: {  	_ =	shalt  }
0x6c: {  	_ =	shalt  }
0x6d: {  	_ =	shalt  }
0x6e: {  	_ =	shalt  }
0x6f: {  	_ =	shalt  }
0x70: {  	_ =	shalt  }
0x71: {  	_ =	shalt  }
0x72: {  	_ =	shalt  }
0x73: {  	_ =	shalt  }
0x74: {  	_ =	shalt  }
0x75: {  	_ =	shalt  }
0x76: {  	_ =	shalt  }
0x77: {  	_ =	shalt  }
0x78: {  	_ =	shalt  }
0x79: {  	_ =	shalt  }
0x7a: {  	_ =	shalt  }
0x7b: {  	_ =	shalt  }
0x7c: {  	_ =	shalt  }
0x7d: {  	_ =	shalt  }
0x7e: {  	_ =	shalt  }
0x7f: {  	_ =	shalt  }
0x80: {  	_ =	shalt  }
0x81: {  	_ =	shalt  }
0x82: {  	_ =	shalt  }
0x83: {  	_ =	shalt  }
0x84: {  	_ =	shalt  }
0x85: {  	_ =	shalt  }
0x86: {  	_ =	shalt  }
0x87: {  	_ =	shalt  }
.Lfunc_end0:
.L_simem_size_0:
called_computation_lowered:
.L_overlay_start_0:
0x88: {  	s2 =	sld [smem:$0x3FD9]  }
0x89: {  	s3 =	sld [smem:$0x3FFE];
	_ =	sdelay $0x1  }
0x8a: {  	s1 =	srdreg.scid  }
0x8b: {  	s0 =	sand.u32 $0x1, s1  }
0x8c: {  	s17 =	sshll.u32 s0, $0xA;
	s2 =	sadd.s32 s3, s2  }
0x8d: {  	s2 =	sadd.s32 s2, s17  }
0x8e: {  	[smem:$0x3FC5] =	sst s2  }
0x8f: {  	_ = 	snop  }
0x90: {  	s2 =	sld [smem:$0x3FD0];
	(tm) =	ssettm $0x1  }
0x91: {  	s18 =	sld [smem:$0x3FFB];
	_ =	sdelay $0x3  }
0x92: {  	_ =	strace s18  }
0x93: {  	s3 =	sld [smem:$0x3FFC];
	_ =	sdelay $0x3  }
0x94: {  	_ =	strace s3  }
0x95: {  	s3 =	sld [smem:$0x3FFD];
	_ =	sdelay $0x3  }
0x96: {  	_ =	strace s3  }
0x97: {  	_ =	strace $0x8FFFFFFF  }
0x98: {  	s19 =	sld [smem:$0x3FDB];
	_ =	sdelay $0x1  }
0x99: {  	s4 =	simm.s32 $_scs_section_size  }
0x9a: {  	s5 =	simm.s32 $_size__tile_overlayer_lowered;
	s6 =	simm.s32 $_tile_overlayer_lowered  }
0x9b: {  	s22 =	simm.s32 $0x1BFF;
	s21 =	sshll.u32 s6, $0x1;
	s3 =	sadd.s32 s4, s19  }
0x9c: {  	s7 =	simm.s32 $0x0;
	s20 =	sshll.u32 s5, $0x1;
	s5 =	sadd.s32 s21, s3  }
0x9d: {  	[timem:s7], [sflag:s22] =	dma.local [hbm:s5], s20  }
0x9e: {  	_ =	swait.ge [sflag:s22], s20  }
0x9f: {  	s4 =	ssub.s32 $0x0, s20;
	[sflag:s22] =	ssyncset.done $0x0  }
0xa0: {  	[sflag:s22] =	ssyncadd.s32 s4;
	_ =	sdelay $0x1  }
0xa1: {  	s23 =	simm.s32 $0x1B8B  }
0xa2: {  	_ =	swait.ge [sflag:s23], $0x1  }
0xa3: {  	[sflag:s23] =	ssyncset.done $0x0  }
0xa4: {  	s25 =	simm.s32 $0x1B8E;
	s24 =	sld [smem:$0x3FFE];
	[sflag:s23] =	ssyncadd.s32 $0xFFFFFFFF  }
0xa5: {  	s26 =	simm.s32 $execute0_lowered;
	[smem:$0x3FD2] =	sst s25  }
0xa6: {  	s5 =	sshll.u32 s26, $0x1;
	_ =	strace $0x80000046;
	[dreg:$0x1] =	wrdreg $0xFFFFFFFF  }
0xa7: {  	s28 =	simm.s32 $_size_execute0_lowered;
	s3 =	sadd.s32 s3, s5;
	[dreg:$0x0] =	wrdreg $0x0  }
0xa8: {  	s5 =	sshll.u32 s28, $0x1;
	[dreg:$0x2] =	wrdreg s3  }
0xa9: {  	[dreg:$0x3] =	wrdreg s5  }
0xaa: {  	[dreg:$0x4] =	wrdreg $0xC0  }
0xab: {  	_ =	task [dreg:s7], $0x5FFFF  }
0xac: {  	[dreg:$0x1] =	wrdreg $0xFFFFFFFF  }
0xad: {  	[dreg:$0x0] =	wrdreg $0x60  }
0xae: {  	[dreg:$0x2] =	wrdreg s24  }
0xaf: {  	[dreg:$0x3] =	wrdreg s2  }
0xb0: {  	[dreg:$0x4] =	wrdreg $0x9  }
0xb1: {  	_ =	task.clear_ibuf [dreg:s7], $0x5FFFF;
	_ =	strace $0x90000046  }
0xb2: {  	s29 =	simm.s32 $0x9;
	_ =	strace $0x80000048  }
0xb3: {  	_ =	swait.ge [sflag:s29], $0x1  }
0xb4: {  	[sflag:s29] =	ssyncadd.s32 $0xFFFFFFFF  }
0xb5: {  	_ =	strace $0x90000048  }
0xb6: {  	_ =	sfence  }
0xb7: {  	s30 =	sld [smem:$0x0];
	_ =	sdelay $0x2  }
0xb8: {  	s31 =	sshll.u32 s1, $0xD;
	s1 =	sshrl.u32 s1, $0x2  }
0xb9: {  	s3 =	sand.u32 $0x4000, s31;
	s1 =	sadd.s32 s1, s30  }
0xba: {  	s0 =	sor.u32 s3, s0;
	s1 =	sshll.u32 s1, $0x11  }
0xbb: {  	s0 =	sor.u32 s1, s0  }
0xbc: {  	s0 =	sadd.s32 $0x8F2B, s0  }
0xbd: {  	[sflag:s0] =	ssyncadd.remote.s32 $0x1  }
0xbe: {  	_ =	sfence.sel $0xFFFF  }
0xbf: {  	[dreg:$0x0] =	wrdreg $0xFFFFFFFF;
	(pc) =	sbr.abs _section_cstart, $3  }
0xc0: {  	[dreg:$0x1] =	wrdreg $0xFFFFFFFF  }
0xc1: {  	_ =	task.clear_ibuf [dreg:s7], $0x2FFFF;
	_ =	strace $0x9FFFFFFF  }
0xc2: {  	(tm) =	ssettm $0x7FFFFFFF  }
0xc3: {  	_ =	shalt  }
tec
execute0_lowered:
.L_overlay_start_1:
0x0: {  	(tag) =	ssettag $0x1  }
0x1: {  	s3 =	rddreg [dreg:$0x0];
	v0 =	vlaneseq.u32  }
0x2: {  	s6 =	rddreg [dreg:$0x1];
	s2 =	simm.s32 $0x0;
	v0 =	vmul.u32 $0x10, v0  }
0x3: {  	s1 =	srdreg.scid;
	[smem:$0x7FF] =	sst s2  }
0x4: {  	s4 =	sand.u32 $0x1, s1;
	s1 =	rddreg [dreg:$0x2];
	_ =	strace $0x80000047;
	v1 =	vor.u32 $0x1, v0;
	[tilespmem:$0x1FFE0] =	vst v0  }
0x5: {  	v51 =	vor.u32 $0x2, v0;
	[tilespmem:$0x1FF00] =	vst v1  }
0x6: {  	v52 =	vor.u32 $0x3, v0;
	[tilespmem:$0x1FF10] =	vst v51  }
0x7: {  	v53 =	vor.u32 $0x4, v0;
	[tilespmem:$0x1FF20] =	vst v52  }
0x8: {  	v54 =	vor.u32 $0x5, v0;
	[tilespmem:$0x1FF30] =	vst v53  }
0x9: {  	v55 =	vor.u32 $0x6, v0;
	[tilespmem:$0x1FF40] =	vst v54  }
0xa: {  	v56 =	vor.u32 $0x7, v0;
	[tilespmem:$0x1FF50] =	vst v55  }
0xb: {  	s0 =	stileid.u32;
	s10 =	simm.s32 $0x280;
	v57 =	vor.u32 $0x8, v0;
	[tilespmem:$0x1FF60] =	vst v56  }
0xc: {  	s11 =	simm.s32 $0xA000;
	s12 =	simm.s32 $0x14000;
	s13 =	simm.s32 $0xF000;
	v58 =	vor.u32 $0x9, v0;
	[tilespmem:$0x1FF70] =	vst v57  }
0xd: {  	s14 =	simm.s32 $0x19000;
	s15 =	simm.s32 $0x1;
	s5 =	sshll.u32 s0, $0x1;
	v59 =	vor.u32 $0xA, v0;
	[tilespmem:$0x1FF80] =	vst v58  }
0xe: {  	s16 =	simm.s32 $0x1E000;
	s17 =	simm.s32 $0x2;
	s5 =	sor.u32 s4, s5;
	v60 =	vor.u32 $0xB, v0;
	[tilespmem:$0x1FF90] =	vst v59  }
0xf: {  	s18 =	simm.s32 $0x1E100;
	s4 =	ssub.s32 $0x2, s4;
	s7 =	smul.u32 $0xA00, s5;
	v61 =	vor.u32 $0xC, v0;
	[tilespmem:$0x1FFA0] =	vst v60  }
0x10: {  	s19 =	simm.s32 $0x0;
	s8 =	sshrl.u32 s4, $0x1;
	s9 =	sshll.u32 s5, $0x6;
	v62 =	vor.u32 $0xD, v0;
	[tilespmem:$0x1FFB0] =	vst v61  }
0x11: {  	v63 =	vor.u32 $0xE, v0;
	s6 =	sadd.s32 s6, s9;
	s9 =	simm.s32 $0x5000;
	[tilespmem:$0x1FFC0] =	vst v62;
	s7 =	sadd.s32 s7, s3  }
0x12: {  	v0 =	vor.u32 $0xF, v0;
	s8 =	ssub.s32 s4, s8;
	[tilespmem:$0x1FFD0] =	vst v63;
	s3 =	sadd.s32 $0x156AE00, s3;
	s4 =	sadd.s32 $0x614A00, s7  }
0x13: {  	[tilespmem:$0x1FFF0] =	vst v0;
	s5 =	sadd.s32 $0x600A00, s7;
	s7 =	smax.u32 s8, $0x1;
	s8 =	simm.s32 $0x3  }
.LBB2_1:
0x14: {  	[tilespmem:s2], [sflag:$0x3] =	stream.linear.gather [hbm4b:s4+s2], $0x5000, $0x38;
	[tilespmem:$0x1E300] =	vst v63  }
0x15: {  	_ =	swait.ge [sflag:s8], $0x5000  }
0x16: {  	[sflag:s8] =	ssyncset.done $0x0  }
0x17: {  	[sflag:s8] =	ssyncadd.s32 $0xFFFFB000  }
0x18: {  	[tilespmem:s9], [sflag:$0x3] =	stream.linear.gather [hbm4b:s5+s2], $0x5000, $0x38;
	[tilespmem:$0x1E300] =	vst v63  }
0x19: {  	_ =	swait.ge [sflag:s8], $0x5000  }
0x1a: {  	[sflag:s8] =	ssyncset.done $0x0  }
0x1b: {  	[sflag:s8] =	ssyncadd.s32 $0xFFFFB000  }
0x1c: {  	[tilespmem:s11], [sflag:$0x1] =	stream.indirect.gather [hbm4b:s3+s10], $0x20, s2, s10, $0xb8;
	[tilespmem:$0x1E300] =	vst v63  }
0x1d: {  	s20 =	simm.s32 $0x0  }
0x1e: {  	[tilespmem:s12], [sflag:$0x1] =	stream.indirect.gather [hbm4b:s3+s10], $0x20, s9, s10, $0xb8;
	[tilespmem:$0x1E300] =	vst v63  }
.LBB2_2:
0x1f: {  	s21 =	sshllo.u32 s20, $0x1  }
0x20: {  	s22 =	smul.u32 $0x280, s21;
	_ =	sdelay $0x1  }
0x21: {  	[tilespmem:s13], [sflag:$0x2] =	stream.indirect.gather [hbm4b:s3+s10], $0x20, s22, s10, $0xb8;
	[tilespmem:$0x1E300] =	vst v63  }
0x22: {  	s22 =	sadd.s32 $0x5000, s22  }
0x23: {  	[tilespmem:s14], [sflag:$0x2] =	stream.indirect.gather [hbm4b:s3+s10], $0x20, s22, s10, $0xb8;
	[tilespmem:$0x1E300] =	vst v63  }
0x24: {  	_ =	swait.ge [sflag:s15], $0x5000  }
0x25: {  	[sflag:s15] =	ssyncset.done $0x0  }
0x26: {  	[sflag:s15] =	ssyncadd.s32 $0xFFFFB000  }
0x27: {  	_ =	swait.ge [sflag:s15], $0x5000  }
0x28: {  	[sflag:s15] =	ssyncset.done $0x0  }
0x29: {  	s31 =	simm.s32 $0x4F0;
	[sflag:s15] =	ssyncadd.s32 $0xFFFFB000  }
0x2a: {  	v0 =	vld [tilespmem:s31+$0x9FD0];
	_ =	sdelay $0x4  }
0x2b: {  	[tilespmem:$0x1FBF0] =	vst v0;
	v0 =	vld [tilespmem:s31+$0x13FD0];
	_ =	sdelay $0x4  }
0x2c: {  	[tilespmem:$0x1FC00] =	vst v0;
	v0 =	vld [tilespmem:s31+$0x9FF0];
	_ =	sdelay $0x4  }
0x2d: {  	[tilespmem:$0x1FC10] =	vst v0;
	v0 =	vld [tilespmem:s31+$0x13FF0];
	_ =	sdelay $0x4  }
0x2e: {  	[tilespmem:$0x1FC20] =	vst v0;
	v0 =	vld [tilespmem:s31+$0x9FE0];
	_ =	sdelay $0x4  }
0x2f: {  	[tilespmem:$0x1FD50] =	vst v0;
	v0 =	vld [tilespmem:s31+$0x13FE0];
	_ =	sdelay $0x4  }
0x30: {  	[tilespmem:$0x1FD60] =	vst v0;
	v0 =	vld [tilespmem:s31+$0x9FB0];
	_ =	sdelay $0x4  }
0x31: {  	[tilespmem:$0x1FBE0] =	vst v0;
	v0 =	vld [tilespmem:s31+$0x9FA0];
	_ =	sdelay $0x4  }
0x32: {  	[tilespmem:$0x1FD30] =	vst v0;
	v0 =	vld [tilespmem:s31+$0x13FA0];
	_ =	sdelay $0x4  }
0x33: {  	[tilespmem:$0x1FD40] =	vst v0;
	v0 =	vld [tilespmem:s31+$0x9F60];
	_ =	sdelay $0x4  }
0x34: {  	[tilespmem:$0x1FD10] =	vst v0;
	v0 =	vld [tilespmem:s31+$0x13F60];
	_ =	sdelay $0x3  }
0x35: {  	v32 =	vld [tilespmem:s31+$0x9F90]  }
0x36: {  	[tilespmem:$0x1FD20] =	vst v0;
	v0 =	vld [tilespmem:s31+$0x9F20]  }
0x37: {  	v33 =	vld [tilespmem:s31+$0x13F90]  }
0x38: {  	v28 =	vld [tilespmem:s31+$0x9F50]  }
0x39: {  	v27 =	vld [tilespmem:s31+$0x13F50]  }
0x3a: {  	v30 =	vld [tilespmem:s31+$0x9F70]  }
0x3b: {  	[tilespmem:$0x1FCF0] =	vst v0;
	v0 =	vld [tilespmem:s31+$0x13F20]  }
0x3c: {  	v29 =	vld [tilespmem:s31+$0x13F70]  }
0x3d: {  	v34 =	vld [tilespmem:s31+$0x9F10]  }
0x3e: {  	v35 =	vld [tilespmem:s31+$0x13F10]  }
0x3f: {  	v26 =	vld [tilespmem:s31+$0x9F30]  }
0x40: {  	[tilespmem:$0x1FD00] =	vst v0;
	v0 =	vld [tilespmem:s31+$0x9EE0]  }
0x41: {  	v25 =	vld [tilespmem:s31+$0x13F30]  }
0x42: {  	v38 =	vld [tilespmem:s31+$0x9ED0]  }
0x43: {  	v39 =	vld [tilespmem:s31+$0x13ED0]  }
0x44: {  	v36 =	vld [tilespmem:s31+$0x9EF0]  }
0x45: {  	[tilespmem:$0x1FCD0] =	vst v0;
	v0 =	vld [tilespmem:s31+$0x13EE0]  }
0x46: {  	v37 =	vld [tilespmem:s31+$0x13EF0]  }
0x47: {  	v42 =	vld [tilespmem:s31+$0x9E90]  }
0x48: {  	v43 =	vld [tilespmem:s31+$0x13E90]  }
0x49: {  	v40 =	vld [tilespmem:s31+$0x9EB0]  }
0x4a: {  	[tilespmem:$0x1FCE0] =	vst v0;
	v0 =	vld [tilespmem:s31+$0x9EA0]  }
0x4b: {  	v41 =	vld [tilespmem:s31+$0x13EB0]  }
0x4c: {  	v44 =	vld [tilespmem:s31+$0x9E50]  }
0x4d: {  	v45 =	vld [tilespmem:s31+$0x13E50]  }
0x4e: {  	v46 =	vld [tilespmem:s31+$0x9E70]  }
0x4f: {  	[tilespmem:$0x1FCB0] =	vst v0;
	v0 =	vld [tilespmem:s31+$0x13EA0]  }
0x50: {  	v47 =	vld [tilespmem:s31+$0x13E70]  }
0x51: {  	v48 =	vld [tilespmem:s31+$0x9E10]  }
0x52: {  	v49 =	vld [tilespmem:s31+$0x13E10]  }
0x53: {  	v50 =	vld [tilespmem:s31+$0x9E30]  }
0x54: {  	[tilespmem:$0x1FCC0] =	vst v0;
	v0 =	vld [tilespmem:s31+$0x9E60]  }
0x55: {  	v51 =	vld [tilespmem:s31+$0x13E30]  }
0x56: {  	v52 =	vld [tilespmem:s31+$0x9DD0]  }
0x57: {  	v53 =	vld [tilespmem:s31+$0x13DD0]  }
0x58: {  	v54 =	vld [tilespmem:s31+$0x9DF0]  }
0x59: {  	[tilespmem:$0x1FC90] =	vst v0;
	v0 =	vld [tilespmem:s31+$0x13E60]  }
0x5a: {  	v55 =	vld [tilespmem:s31+$0x13DF0]  }
0x5b: {  	v56 =	vld [tilespmem:s31+$0x9D90]  }
0x5c: {  	v57 =	vld [tilespmem:s31+$0x13D90]  }
0x5d: {  	v58 =	vld [tilespmem:s31+$0x9DB0]  }
0x5e: {  	[tilespmem:$0x1FCA0] =	vst v0;
	v0 =	vld [tilespmem:s31+$0x9E20]  }
0x5f: {  	v59 =	vld [tilespmem:s31+$0x13DB0]  }
0x60: {  	v60 =	vld [tilespmem:s31+$0x9D50]  }
0x61: {  	v61 =	vld [tilespmem:s31+$0x13D50]  }
0x62: {  	v62 =	vld [tilespmem:s31+$0x9D70]  }
0x63: {  	[tilespmem:$0x1FC70] =	vst v0;
	v0 =	vld [tilespmem:s31+$0x13E20]  }
0x64: {  	v24 =	vld [tilespmem:s31+$0x9D10]  }
0x65: {  	v23 =	vld [tilespmem:s31+$0x13D10]  }
0x66: {  	v22 =	vld [tilespmem:s31+$0x9CD0]  }
0x67: {  	v20 =	vld [tilespmem:s31+$0x9C90]  }
0x68: {  	[tilespmem:$0x1FC80] =	vst v0;
	v0 =	vld [tilespmem:s31+$0x9DE0]  }
0x69: {  	v19 =	vld [tilespmem:s31+$0x13C90]  }
0x6a: {  	v18 =	vld [tilespmem:s31+$0x9C50]  }
0x6b: {  	v17 =	vld [tilespmem:s31+$0x13C50]  }
0x6c: {  	v16 =	vld [tilespmem:s31+$0x9C10]  }
0x6d: {  	[tilespmem:$0x1FC50] =	vst v0;
	v0 =	vld [tilespmem:s31+$0x13DE0]  }
0x6e: {  	v15 =	vld [tilespmem:s31+$0x13C10]  }
0x6f: {  	v14 =	vld [tilespmem:s31+$0x9BD0]  }
0x70: {  	v13 =	vld [tilespmem:s31+$0x13BD0]  }
0x71: {  	v12 =	vld [tilespmem:s31+$0x9B90]  }
0x72: {  	[tilespmem:$0x1FC60] =	vst v0;
	v0 =	vld [tilespmem:s31+$0x9DA0]  }
0x73: {  	v7 =	vld [tilespmem:s31+$0x9B50]  }
0x74: {  	v5 =	vld [tilespmem:s31+$0x9B10]  }
0x75: {  	v4 =	vld [tilespmem:s31+$0x13B10]  }
0x76: {  	v3 =	vld [tilespmem:s31+$0x13B50]  }
0x77: {  	[tilespmem:$0x1FC30] =	vst v0;
	v0 =	vld [tilespmem:s31+$0x13DA0]  }
0x78: {  	v11 =	vld [tilespmem:s31+$0x13B90]  }
0x79: {  	v6 =	vld [tilespmem:s31+$0x9B30]  }
0x7a: {  	v1 =	vld [tilespmem:s31+$0x9B70];
	v5 =	vadd.f32 v7, v5  }
0x7b: {  	v2 =	vld [tilespmem:s31+$0x13B30];
	v3 =	vadd.f32 v3, v4  }
0x7c: {  	v5 =	vadd.f32 v12, v5;
	[tilespmem:$0x1FC40] =	vst v0;
	v0 =	vld [tilespmem:s31+$0x13B70]  }
0x7d: {  	v8 =	vld [tilespmem:s31+$0x9BB0];
	v3 =	vadd.f32 v11, v3  }
0x7e: {  	v9 =	vld [tilespmem:s31+$0x13BB0];
	v5 =	vadd.f32 v14, v5  }
0x7f: {  	v10 =	vld [tilespmem:s31+$0x9BF0];
	v3 =	vadd.f32 v13, v3  }
0x80: {  	v4 =	vld [tilespmem:s31+$0x13BF0];
	v1 =	vadd.f32 v1, v6;
	v5 =	vadd.f32 v16, v5  }
0x81: {  	v3 =	vadd.f32 v15, v3;
	v0 =	vadd.f32 v0, v2;
	v2 =	vld [tilespmem:s31+$0x9C30]  }
0x82: {  	v21 =	vld [tilespmem:s31+$0x13CD0];
	v1 =	vadd.f32 v8, v1;
	v5 =	vadd.f32 v18, v5  }
0x83: {  	v7 =	vld [tilespmem:s31+$0x9C70];
	v3 =	vadd.f32 v17, v3;
	v0 =	vadd.f32 v9, v0  }
0x84: {  	v6 =	vld [tilespmem:s31+$0x13C30];
	v1 =	vadd.f32 v10, v1;
	v5 =	vadd.f32 v20, v5  }
0x85: {  	v3 =	vadd.f32 v19, v3;
	v0 =	vadd.f32 v4, v0;
	v4 =	vld [tilespmem:s31+$0x9CB0]  }
0x86: {  	v8 =	vld [tilespmem:s31+$0x13C70];
	v5 =	vadd.f32 v22, v5;
	v1 =	vadd.f32 v2, v1  }
0x87: {  	v3 =	vadd.f32 v21, v3;
	v2 =	vld [tilespmem:s31+$0x9CF0]  }
0x88: {  	v5 =	vadd.f32 v24, v5;
	v9 =	vld [tilespmem:s31+$0x13CB0];
	v1 =	vadd.f32 v7, v1  }
0x89: {  	v3 =	vadd.f32 v23, v3;
	v0 =	vadd.f32 v6, v0;
	v7 =	vld [tilespmem:s31+$0x9D30]  }
0x8a: {  	v5 =	vadd.f32 v60, v5;
	v6 =	vld [tilespmem:s31+$0x13CF0];
	v1 =	vadd.f32 v4, v1  }
0x8b: {  	v63 =	vld [tilespmem:s31+$0x13D70];
	v3 =	vadd.f32 v61, v3;
	v0 =	vadd.f32 v8, v0  }
0x8c: {  	v5 =	vadd.f32 v56, v5;
	v8 =	vld [tilespmem:s31+$0x13D30];
	v1 =	vadd.f32 v2, v1  }
0x8d: {  	v11 =	vld [tilespmem:s31+$0x13CA0];
	v3 =	vadd.f32 v57, v3;
	v0 =	vadd.f32 v9, v0  }
0x8e: {  	v20 =	vld [tilespmem:s31+$0x9B20];
	v5 =	vadd.f32 v52, v5;
	v1 =	vadd.f32 v7, v1  }
0x8f: {  	v3 =	vadd.f32 v53, v3;
	v53 =	vld [tilespmem:s31+$0x9B60];
	v0 =	vadd.f32 v6, v0  }
0x90: {  	v12 =	vld [tilespmem:s31+$0x9C60];
	v5 =	vadd.f32 v48, v5;
	v1 =	vadd.f32 v62, v1  }
0x91: {  	v10 =	vld [tilespmem:s31+$0x9CA0];
	v3 =	vadd.f32 v49, v3;
	v0 =	vadd.f32 v8, v0  }
0x92: {  	v18 =	vld [tilespmem:s31+$0x9BA0];
	v5 =	vadd.f32 v44, v5;
	v1 =	vadd.f32 v58, v1  }
0x93: {  	v13 =	vld [tilespmem:s31+$0x13C60];
	v3 =	vadd.f32 v45, v3;
	v0 =	vadd.f32 v63, v0  }
0x94: {  	v14 =	vld [tilespmem:s31+$0x9C20];
	v20 =	vadd.f32 v53, v20;
	v1 =	vadd.f32 v54, v1  }
0x95: {  	v16 =	vld [tilespmem:s31+$0x9BE0];
	v5 =	vadd.f32 v42, v5;
	v0 =	vadd.f32 v59, v0  }
0x96: {  	v15 =	vld [tilespmem:s31+$0x13C20];
	v3 =	vadd.f32 v43, v3;
	v1 =	vadd.f32 v50, v1  }
0x97: {  	v17 =	vld [tilespmem:s31+$0x13BE0];
	v18 =	vadd.f32 v18, v20;
	v0 =	vadd.f32 v55, v0  }
0x98: {  	v19 =	vld [tilespmem:s31+$0x13BA0];
	v5 =	vadd.f32 v38, v5;
	v1 =	vadd.f32 v46, v1  }
0x99: {  	v24 =	vld [tilespmem:s31+$0x9B40];
	v3 =	vadd.f32 v39, v3;
	v0 =	vadd.f32 v51, v0  }
0x9a: {  	v57 =	vld [tilespmem:s31+$0x13C00];
	v16 =	vadd.f32 v16, v18;
	v1 =	vadd.f32 v40, v1  }
0x9b: {  	v20 =	vld [tilespmem:s31+$0x13C40];
	v5 =	vadd.f32 v34, v5;
	v0 =	vadd.f32 v47, v0  }
0x9c: {  	v18 =	vld [tilespmem:s31+$0x13C80];
	v3 =	vadd.f32 v35, v3;
	v1 =	vadd.f32 v36, v1  }
0x9d: {  	v14 =	vadd.f32 v14, v16;
	v16 =	vld [tilespmem:s31+$0x13CC0];
	v0 =	vadd.f32 v41, v0  }
0x9e: {  	v3 =	vadd.f32 v27, v3;
	v27 =	vld [tilespmem:s31+$0x13B80];
	v1 =	vadd.f32 v26, v1  }
0x9f: {  	v5 =	vadd.f32 v28, v5;
	v28 =	vld [tilespmem:s31+$0x9BC0];
	v0 =	vadd.f32 v37, v0  }
0xa0: {  	v1 =	vadd.f32 v30, v1;
	v30 =	vld [tilespmem:$0x1FBF0]  }
0xa1: {  	v54 =	vld [tilespmem:s31+$0x13B20];
	v0 =	vadd.f32 v25, v0  }
0xa2: {  	v55 =	vld [tilespmem:s31+$0x13B60]  }
0xa3: {  	v5 =	vadd.f32 v32, v5;
	v0 =	vadd.f32 v29, v0;
	v29 =	vld [tilespmem:$0x1FBE0]  }
0xa4: {  	v26 =	vld [tilespmem:s31+$0x13B40]  }
0xa5: {  	v5 =	vadd.f32 v30, v5;
	v30 =	vld [tilespmem:$0x1FC00]  }
0xa6: {  	v25 =	vld [tilespmem:s31+$0x9B80]  }
0xa7: {  	v12 =	vadd.f32 v12, v14;
	v14 =	vld [tilespmem:s31+$0x13D00]  }
0xa8: {  	v3 =	vadd.f32 v33, v3;
	v1 =	vadd.f32 v29, v1;
	v29 =	vld [tilespmem:s31+$0x13BC0]  }
0xa9: {  	v10 =	vadd.f32 v10, v12;
	v12 =	vld [tilespmem:s31+$0x13D40]  }
0xaa: {  	v56 =	vadd.f32 v55, v54;
	v3 =	vadd.f32 v30, v3;
	v30 =	vld [tilespmem:s31+$0x9C00]  }
0xab: {  	v4 =	vld [tilespmem:s31+$0x9D60];
	v58 =	vadd.f32 v25, v24;
	v24 =	vadd.f32 v27, v26  }
0xac: {  	v19 =	vadd.f32 v19, v56;
	v25 =	vld [tilespmem:s31+$0x9C40]  }
0xad: {  	v2 =	vld [tilespmem:s31+$0x9D20];
	v59 =	vadd.f32 v28, v58;
	v60 =	vadd.f32 v29, v24  }
0xae: {  	v17 =	vadd.f32 v17, v19;
	v24 =	vld [tilespmem:s31+$0x9C80]  }
0xaf: {  	v7 =	vld [tilespmem:s31+$0x9CE0];
	v61 =	vadd.f32 v57, v60;
	v19 =	vadd.f32 v30, v59  }
0xb0: {  	v62 =	vld [tilespmem:s31+$0x9CC0];
	v15 =	vadd.f32 v15, v17  }
0xb1: {  	v8 =	vld [tilespmem:s31+$0x13CE0];
	v17 =	vadd.f32 v25, v19;
	v19 =	vadd.f32 v20, v61  }
0xb2: {  	v13 =	vadd.f32 v13, v15;
	v20 =	vld [tilespmem:s31+$0x9D00]  }
0xb3: {  	v6 =	vld [tilespmem:s31+$0x13D20];
	v15 =	vadd.f32 v24, v17;
	v17 =	vadd.f32 v18, v19  }
0xb4: {  	v11 =	vadd.f32 v11, v13;
	v18 =	vld [tilespmem:s31+$0x9D40]  }
0xb5: {  	v9 =	vld [tilespmem:s31+$0x13D60];
	v13 =	vadd.f32 v62, v15;
	v15 =	vadd.f32 v16, v17  }
0xb6: {  	v7 =	vadd.f32 v7, v10;
	v10 =	vld [tilespmem:s31+$0x13D80];
	v8 =	vadd.f32 v8, v11  }
0xb7: {  	v11 =	vadd.f32 v20, v13;
	v13 =	vadd.f32 v14, v15  }
0xb8: {  	v2 =	vadd.f32 v2, v7;
	v6 =	vadd.f32 v6, v8  }
0xb9: {  	v8 =	vadd.f32 v18, v11;
	v11 =	vadd.f32 v12, v13  }
0xba: {  	v2 =	vadd.f32 v4, v2  }
0xbb: {  	v4 =	vadd.f32 v9, v6;
	v9 =	vadd.f32 v10, v11;
	v11 =	vld [tilespmem:$0x1FC30]  }
0xbc: {  	v7 =	vld [tilespmem:s31+$0x13DC0]  }
0xbd: {  	v13 =	vld [tilespmem:$0x1FC50]  }
0xbe: {  	v6 =	vld [tilespmem:s31+$0x13E00]  }
0xbf: {  	v16 =	vld [tilespmem:s31+$0x9D80]  }
0xc0: {  	v2 =	vadd.f32 v11, v2;
	v11 =	vld [tilespmem:$0x1FC40]  }
0xc1: {  	v14 =	vld [tilespmem:s31+$0x9DC0]  }
0xc2: {  	v2 =	vadd.f32 v13, v2;
	v13 =	vld [tilespmem:$0x1FC60]  }
0xc3: {  	v12 =	vld [tilespmem:s31+$0x9E00]  }
0xc4: {  	v8 =	vadd.f32 v16, v8  }
0xc5: {  	v4 =	vadd.f32 v11, v4;
	v11 =	vld [tilespmem:s31+$0x13E40]  }
0xc6: {  	v8 =	vadd.f32 v14, v8;
	v7 =	vadd.f32 v7, v9  }
0xc7: {  	v4 =	vadd.f32 v13, v4;
	v13 =	vld [tilespmem:s31+$0x13E80]  }
0xc8: {  	v8 =	vadd.f32 v12, v8;
	v6 =	vadd.f32 v6, v7;
	v12 =	vld [tilespmem:$0x1FC70];
	_ =	sdelay $0x1  }
0xc9: {  	v6 =	vadd.f32 v11, v6;
	v11 =	vld [tilespmem:$0x1FC90]  }
0xca: {  	v10 =	vld [tilespmem:s31+$0x9E40]  }
0xcb: {  	v6 =	vadd.f32 v13, v6;
	v13 =	vld [tilespmem:$0x1FCB0]  }
0xcc: {  	v2 =	vadd.f32 v12, v2;
	v12 =	vld [tilespmem:$0x1FC80]  }
0xcd: {  	v9 =	vld [tilespmem:s31+$0x9E80]  }
0xce: {  	v2 =	vadd.f32 v11, v2;
	v11 =	vld [tilespmem:$0x1FCA0]  }
0xcf: {  	v7 =	vld [tilespmem:s31+$0x9EC0]  }
0xd0: {  	v2 =	vadd.f32 v13, v2;
	v13 =	vld [tilespmem:$0x1FCC0]  }
0xd1: {  	v4 =	vadd.f32 v12, v4;
	v12 =	vld [tilespmem:s31+$0x13EC0]  }
0xd2: {  	v8 =	vadd.f32 v10, v8;
	v10 =	vld [tilespmem:s31+$0x9F00]  }
0xd3: {  	v4 =	vadd.f32 v11, v4;
	v11 =	vld [tilespmem:s31+$0x13F00]  }
0xd4: {  	v8 =	vadd.f32 v9, v8;
	v9 =	vld [tilespmem:s31+$0x9F40]  }
0xd5: {  	v4 =	vadd.f32 v13, v4;
	v13 =	vld [tilespmem:s31+$0x13F40]  }
0xd6: {  	v7 =	vadd.f32 v7, v8;
	v6 =	vadd.f32 v12, v6;
	v12 =	vld [tilespmem:$0x1FCD0]  }
0xd7: {  	v8 =	vld [tilespmem:s31+$0x9F80]  }
0xd8: {  	v7 =	vadd.f32 v10, v7;
	v6 =	vadd.f32 v11, v6;
	v11 =	vld [tilespmem:$0x1FCF0]  }
0xd9: {  	v31 =	vld [tilespmem:s31+$0x13FB0]  }
0xda: {  	v7 =	vadd.f32 v9, v7;
	v6 =	vadd.f32 v13, v6;
	v13 =	vld [tilespmem:$0x1FD10]  }
0xdb: {  	v2 =	vadd.f32 v12, v2;
	v12 =	vld [tilespmem:$0x1FCE0]  }
0xdc: {  	v7 =	vadd.f32 v8, v7;
	v8 =	vld [tilespmem:$0x1FD30]  }
0xdd: {  	v2 =	vadd.f32 v11, v2;
	v11 =	vld [tilespmem:$0x1FD00]  }
0xde: {  	v0 =	vadd.f32 v31, v0;
	v31 =	vld [tilespmem:$0x1FC10]  }
0xdf: {  	v2 =	vadd.f32 v13, v2;
	v13 =	vld [tilespmem:$0x1FD20]  }
0xe0: {  	v4 =	vadd.f32 v12, v4  }
0xe1: {  	v2 =	vadd.f32 v8, v2;
	v8 =	vld [tilespmem:$0x1FD40]  }
0xe2: {  	v4 =	vadd.f32 v11, v4;
	_ =	sdelay $0x1  }
0xe3: {  	v1 =	vadd.f32 v31, v1;
	v31 =	vld [tilespmem:$0x1FC20];
	v4 =	vadd.f32 v13, v4  }
0xe4: {  	v10 =	vld [tilespmem:s31+$0x9FC0]  }
0xe5: {  	v4 =	vadd.f32 v8, v4;
	v8 =	vld [tilespmem:$0x1FD50]  }
0xe6: {  	v12 =	vld [tilespmem:s31+$0x13F80]  }
0xe7: {  	v9 =	vld [tilespmem:s31+$0xA000]  }
0xe8: {  	v11 =	vld [tilespmem:s31+$0x13FC0]  }
0xe9: {  	v13 =	vld [tilespmem:s31+$0x14000]  }
0xea: {  	v2 =	vadd.f32 v8, v2;
	v8 =	vld [tilespmem:$0x1FD60]  }
0xeb: {  	v6 =	vadd.f32 v12, v6  }
0xec: {  	v7 =	vadd.f32 v10, v7  }
0xed: {  	v6 =	vadd.f32 v11, v6  }
0xee: {  	v0 =	vadd.f32 v31, v0;
	v7 =	vadd.f32 v9, v7  }
0xef: {  	v6 =	vadd.f32 v13, v6;
	v4 =	vadd.f32 v8, v4  }
0xf0: {  	v3 =	vmul.f32 v3, v5;
	v0 =	vmul.f32 v0, v1  }
0xf1: {  	v1 =	vmul.f32 v4, v2;
	v2 =	vmul.f32 v6, v7;
	_ =	sdelay $0x1  }
0xf2: {  	v0 =	vadd.f32 v0, v3;
	v1 =	vadd.f32 v2, v1;
	_ =	sdelay $0x1  }
0xf3: {  	v0 =	vadd.f32 v1, v0  }
0xf4: {  	s22 =	simm.s32 $0x1E000  }
0xf5: {  	s23 =	simm.s32 $0x9F0;
	[tilespmem:s22+$0x0] =	vst v0  }
0xf6: {  	v0 =	vld [tilespmem:s23+$0x9F50];
	_ =	sdelay $0x4  }
0xf7: {  	[tilespmem:$0x1FEC0] =	vst v0;
	v0 =	vld [tilespmem:s23+$0x13F50];
	_ =	sdelay $0x4  }
0xf8: {  	[tilespmem:$0x1FED0] =	vst v0;
	v0 =	vld [tilespmem:s23+$0x9F70];
	_ =	sdelay $0x4  }
0xf9: {  	[tilespmem:$0x1FEE0] =	vst v0;
	v0 =	vld [tilespmem:s23+$0x13F70];
	_ =	sdelay $0x4  }
0xfa: {  	[tilespmem:$0x1FEF0] =	vst v0;
	v0 =	vld [tilespmem:s23+$0x9F10];
	_ =	sdelay $0x4  }
0xfb: {  	[tilespmem:$0x1FE80] =	vst v0;
	v0 =	vld [tilespmem:s23+$0x13F10];
	_ =	sdelay $0x4  }
0xfc: {  	[tilespmem:$0x1FE90] =	vst v0;
	v0 =	vld [tilespmem:s23+$0x9F30];
	_ =	sdelay $0x4  }
0xfd: {  	[tilespmem:$0x1FEA0] =	vst v0;
	v0 =	vld [tilespmem:s23+$0x13F30];
	_ =	sdelay $0x4  }
0xfe: {  	[tilespmem:$0x1FEB0] =	vst v0;
	v0 =	vld [tilespmem:s23+$0x9ED0];
	_ =	sdelay $0x4  }
0xff: {  	[tilespmem:$0x1FE40] =	vst v0;
	v0 =	vld [tilespmem:s23+$0x13ED0];
	_ =	sdelay $0x4  }
0x100: {  	[tilespmem:$0x1FE50] =	vst v0;
	v0 =	vld [tilespmem:s23+$0x9EF0];
	_ =	sdelay $0x4  }
0x101: {  	[tilespmem:$0x1FE60] =	vst v0;
	v0 =	vld [tilespmem:s23+$0x13EF0];
	_ =	sdelay $0x4  }
0x102: {  	[tilespmem:$0x1FE70] =	vst v0;
	v0 =	vld [tilespmem:s23+$0x9E90];
	_ =	sdelay $0x4  }
0x103: {  	[tilespmem:$0x1FE00] =	vst v0;
	v0 =	vld [tilespmem:s23+$0x13E90];
	_ =	sdelay $0x4  }
0x104: {  	[tilespmem:$0x1FE10] =	vst v0;
	v0 =	vld [tilespmem:s23+$0x9EB0];
	_ =	sdelay $0x4  }
0x105: {  	[tilespmem:$0x1FE20] =	vst v0;
	v0 =	vld [tilespmem:s23+$0x13EB0];
	_ =	sdelay $0x4  }
0x106: {  	[tilespmem:$0x1FE30] =	vst v0;
	v0 =	vld [tilespmem:s23+$0x9E50];
	_ =	sdelay $0x4  }
0x107: {  	[tilespmem:$0x1FDC0] =	vst v0;
	v0 =	vld [tilespmem:s23+$0x13E50];
	_ =	sdelay $0x4  }
0x108: {  	[tilespmem:$0x1FDD0] =	vst v0;
	v0 =	vld [tilespmem:s23+$0x9E70];
	_ =	sdelay $0x4  }
0x109: {  	[tilespmem:$0x1FDE0] =	vst v0;
	v0 =	vld [tilespmem:s23+$0x13E70];
	_ =	sdelay $0x4  }
0x10a: {  	[tilespmem:$0x1FDF0] =	vst v0;
	v0 =	vld [tilespmem:s23+$0x9E30];
	_ =	sdelay $0x1  }
0x10b: {  	v32 =	vld [tilespmem:s23+$0x9DF0]  }
0x10c: {  	v21 =	vld [tilespmem:s23+$0x9D90]  }
0x10d: {  	v36 =	vld [tilespmem:s23+$0x9DB0]  }
0x10e: {  	[tilespmem:$0x1FDB0] =	vst v0;
	v0 =	vld [tilespmem:s23+$0x9DE0]  }
0x10f: {  	v63 =	vld [tilespmem:s23+$0x9D70]  }
0x110: {  	v51 =	vld [tilespmem:s23+$0x9D10]  }
0x111: {  	v45 =	vld [tilespmem:s23+$0x9CD0]  }
0x112: {  	v44 =	vld [tilespmem:s23+$0x9C90]  }
0x113: {  	[tilespmem:$0x1FD70] =	vst v0;
	v0 =	vld [tilespmem:s23+$0x13DE0]  }
0x114: {  	v18 =	vld [tilespmem:s23+$0x9C50]  }
0x115: {  	v16 =	vld [tilespmem:s23+$0x9C10]  }
0x116: {  	v15 =	vld [tilespmem:s23+$0x13C10]  }
0x117: {  	v14 =	vld [tilespmem:s23+$0x9BD0]  }
0x118: {  	[tilespmem:$0x1FD80] =	vst v0;
	v0 =	vld [tilespmem:s23+$0x9DA0]  }
0x119: {  	v12 =	vld [tilespmem:s23+$0x9B90]  }
0x11a: {  	v7 =	vld [tilespmem:s23+$0x9B50]  }
0x11b: {  	v5 =	vld [tilespmem:s23+$0x9B10]  }
0x11c: {  	v4 =	vld [tilespmem:s23+$0x13B10]  }
0x11d: {  	[tilespmem:$0x1FD90] =	vst v0;
	v0 =	vld [tilespmem:s23+$0x13DA0]  }
0x11e: {  	v3 =	vld [tilespmem:s23+$0x13B50]  }
0x11f: {  	v6 =	vld [tilespmem:s23+$0x9B30]  }
0x120: {  	v1 =	vld [tilespmem:s23+$0x9B70]  }
0x121: {  	v2 =	vld [tilespmem:s23+$0x13B30]  }
0x122: {  	[tilespmem:$0x1FDA0] =	vst v0;
	v0 =	vld [tilespmem:s23+$0x13B70]  }
0x123: {  	v8 =	vld [tilespmem:s23+$0x9BB0]  }
0x124: {  	v9 =	vld [tilespmem:s23+$0x13BB0]  }
0x125: {  	v10 =	vld [tilespmem:s23+$0x9BF0]  }
0x126: {  	v3 =	vadd.f32 v3, v4;
	v4 =	vld [tilespmem:s23+$0x13BF0];
	v1 =	vadd.f32 v1, v6  }
0x127: {  	v0 =	vadd.f32 v0, v2;
	v2 =	vld [tilespmem:s23+$0x9C30]  }
0x128: {  	v13 =	vld [tilespmem:s23+$0x13BD0];
	v1 =	vadd.f32 v8, v1  }
0x129: {  	v5 =	vadd.f32 v7, v5;
	v7 =	vld [tilespmem:s23+$0x9C70];
	v0 =	vadd.f32 v9, v0  }
0x12a: {  	v11 =	vld [tilespmem:s23+$0x13B90];
	v1 =	vadd.f32 v10, v1  }
0x12b: {  	v5 =	vadd.f32 v12, v5;
	v0 =	vadd.f32 v4, v0;
	v4 =	vld [tilespmem:s23+$0x9CB0]  }
0x12c: {  	v6 =	vld [tilespmem:s23+$0x13C30];
	v1 =	vadd.f32 v2, v1  }
0x12d: {  	v5 =	vadd.f32 v14, v5;
	v2 =	vld [tilespmem:s23+$0x9CF0]  }
0x12e: {  	v8 =	vld [tilespmem:s23+$0x13C70];
	v1 =	vadd.f32 v7, v1  }
0x12f: {  	v5 =	vadd.f32 v16, v5;
	v7 =	vld [tilespmem:s23+$0x9D30]  }
0x130: {  	v3 =	vadd.f32 v11, v3;
	v9 =	vld [tilespmem:s23+$0x13CB0];
	v1 =	vadd.f32 v4, v1  }
0x131: {  	v17 =	vld [tilespmem:s23+$0x13C50];
	v5 =	vadd.f32 v18, v5;
	v0 =	vadd.f32 v6, v0  }
0x132: {  	v3 =	vadd.f32 v13, v3;
	v6 =	vld [tilespmem:s23+$0x13CF0];
	v1 =	vadd.f32 v2, v1  }
0x133: {  	v19 =	vld [tilespmem:s23+$0x13C90];
	v5 =	vadd.f32 v44, v5;
	v0 =	vadd.f32 v8, v0  }
0x134: {  	v46 =	vld [tilespmem:s23+$0x9D50];
	v3 =	vadd.f32 v15, v3;
	v1 =	vadd.f32 v7, v1  }
0x135: {  	v50 =	vld [tilespmem:s23+$0x13CD0];
	v4 =	vadd.f32 v45, v5;
	v0 =	vadd.f32 v9, v0  }
0x136: {  	v56 =	vld [tilespmem:s23+$0x13D10];
	v3 =	vadd.f32 v17, v3;
	v1 =	vadd.f32 v63, v1  }
0x137: {  	v2 =	vadd.f32 v51, v4;
	v0 =	vadd.f32 v6, v0;
	v6 =	vld [tilespmem:$0x1FDB0]  }
0x138: {  	v23 =	vld [tilespmem:s23+$0x9DD0];
	v3 =	vadd.f32 v19, v3;
	v1 =	vadd.f32 v36, v1  }
0x139: {  	v57 =	vld [tilespmem:s23+$0x13D50];
	v2 =	vadd.f32 v46, v2  }
0x13a: {  	v24 =	vld [tilespmem:s23+$0x9E10];
	v3 =	vadd.f32 v50, v3;
	v1 =	vadd.f32 v32, v1  }
0x13b: {  	v20 =	vld [tilespmem:s23+$0x13D90];
	v2 =	vadd.f32 v21, v2  }
0x13c: {  	v3 =	vadd.f32 v56, v3;
	v1 =	vadd.f32 v6, v1;
	v6 =	vld [tilespmem:$0x1FDC0]  }
0x13d: {  	v22 =	vld [tilespmem:s23+$0x13DD0];
	v2 =	vadd.f32 v23, v2  }
0x13e: {  	v4 =	vadd.f32 v57, v3  }
0x13f: {  	v25 =	vld [tilespmem:s23+$0x13E10];
	v2 =	vadd.f32 v24, v2  }
0x140: {  	v8 =	vld [tilespmem:s23+$0x13D30];
	v5 =	vadd.f32 v20, v4  }
0x141: {  	v2 =	vadd.f32 v6, v2;
	v6 =	vld [tilespmem:$0x1FDD0]  }
0x142: {  	v5 =	vadd.f32 v22, v5  }
0x143: {  	v47 =	vld [tilespmem:s23+$0x13D70]  }
0x144: {  	v5 =	vadd.f32 v25, v5  }
0x145: {  	v62 =	vld [tilespmem:s23+$0x13DB0]  }
0x146: {  	v0 =	vadd.f32 v8, v0;
	v5 =	vadd.f32 v6, v5;
	v6 =	vld [tilespmem:$0x1FDE0]  }
0x147: {  	v33 =	vld [tilespmem:s23+$0x13DF0]  }
0x148: {  	v7 =	vld [tilespmem:$0x1FE20];
	v0 =	vadd.f32 v47, v0  }
0x149: {  	v30 =	vld [tilespmem:s23+$0x13E30]  }
0x14a: {  	v0 =	vadd.f32 v62, v0  }
0x14b: {  	v1 =	vadd.f32 v6, v1;
	v6 =	vld [tilespmem:$0x1FDF0]  }
0x14c: {  	v0 =	vadd.f32 v33, v0  }
0x14d: {  	v1 =	vadd.f32 v7, v1;
	v7 =	vld [tilespmem:$0x1FE30]  }
0x14e: {  	v0 =	vadd.f32 v30, v0;
	_ =	sdelay $0x1  }
0x14f: {  	v0 =	vadd.f32 v6, v0;
	v6 =	vld [tilespmem:$0x1FE00];
	_ =	sdelay $0x1  }
0x150: {  	v0 =	vadd.f32 v7, v0;
	v7 =	vld [tilespmem:$0x1FE40];
	_ =	sdelay $0x1  }
0x151: {  	v59 =	vld [tilespmem:s23+$0x9FD0]  }
0x152: {  	v2 =	vadd.f32 v6, v2;
	v6 =	vld [tilespmem:$0x1FE10]  }
0x153: {  	v61 =	vld [tilespmem:s23+$0x13FD0]  }
0x154: {  	v2 =	vadd.f32 v7, v2;
	v7 =	vld [tilespmem:$0x1FE50]  }
0x155: {  	v58 =	vld [tilespmem:s23+$0x9FF0]  }
0x156: {  	v60 =	vld [tilespmem:s23+$0x13FF0]  }
0x157: {  	v26 =	vld [tilespmem:s23+$0x9FE0];
	v5 =	vadd.f32 v6, v5  }
0x158: {  	v27 =	vld [tilespmem:s23+$0x13FE0]  }
0x159: {  	v5 =	vadd.f32 v7, v5;
	v7 =	vld [tilespmem:$0x1FE60]  }
0x15a: {  	v39 =	vld [tilespmem:s23+$0x9F90]  }
0x15b: {  	v41 =	vld [tilespmem:s23+$0x13F90]  }
0x15c: {  	v38 =	vld [tilespmem:s23+$0x9FB0]  }
0x15d: {  	v40 =	vld [tilespmem:s23+$0x13FB0]  }
0x15e: {  	v1 =	vadd.f32 v7, v1;
	v7 =	vld [tilespmem:$0x1FE70]  }
0x15f: {  	v28 =	vld [tilespmem:s23+$0x9FA0]  }
0x160: {  	v29 =	vld [tilespmem:s23+$0x13FA0]  }
0x161: {  	v31 =	vld [tilespmem:s23+$0x9F60]  }
0x162: {  	v34 =	vld [tilespmem:s23+$0x13F60]  }
0x163: {  	v0 =	vadd.f32 v7, v0;
	v7 =	vld [tilespmem:$0x1FE80]  }
0x164: {  	v35 =	vld [tilespmem:s23+$0x9F20]  }
0x165: {  	v37 =	vld [tilespmem:s23+$0x13F20]  }
0x166: {  	v48 =	vld [tilespmem:s23+$0x9EE0]  }
0x167: {  	v49 =	vld [tilespmem:s23+$0x13EE0]  }
0x168: {  	v2 =	vadd.f32 v7, v2;
	v7 =	vld [tilespmem:$0x1FE90]  }
0x169: {  	v52 =	vld [tilespmem:s23+$0x9EA0]  }
0x16a: {  	v53 =	vld [tilespmem:s23+$0x13EA0]  }
0x16b: {  	v42 =	vld [tilespmem:s23+$0x9E60]  }
0x16c: {  	v43 =	vld [tilespmem:s23+$0x13E60]  }
0x16d: {  	v5 =	vadd.f32 v7, v5;
	v7 =	vld [tilespmem:$0x1FEA0]  }
0x16e: {  	v54 =	vld [tilespmem:s23+$0x9E20]  }
0x16f: {  	v55 =	vld [tilespmem:s23+$0x13E20]  }
0x170: {  	v11 =	vld [tilespmem:s23+$0x13BE0]  }
0x171: {  	v12 =	vld [tilespmem:s23+$0x9BA0]  }
0x172: {  	v1 =	vadd.f32 v7, v1;
	v7 =	vld [tilespmem:$0x1FEB0]  }
0x173: {  	v14 =	vld [tilespmem:s23+$0x9C20]  }
0x174: {  	v10 =	vld [tilespmem:s23+$0x9BE0]  }
0x175: {  	v13 =	vld [tilespmem:s23+$0x13B20]  }
0x176: {  	v15 =	vld [tilespmem:s23+$0x13C20]  }
0x177: {  	v63 =	vadd.f32 v7, v0;
	v0 =	vld [tilespmem:$0x1FEC0]  }
0x178: {  	v16 =	vld [tilespmem:s23+$0x9B60]  }
0x179: {  	v18 =	vld [tilespmem:s23+$0x9B20]  }
0x17a: {  	v17 =	vld [tilespmem:s23+$0x13B60]  }
0x17b: {  	v44 =	vld [tilespmem:s23+$0x9D60]  }
0x17c: {  	v2 =	vadd.f32 v0, v2;
	v0 =	vld [tilespmem:$0x1FED0]  }
0x17d: {  	v19 =	vld [tilespmem:s23+$0x9B80]  }
0x17e: {  	v50 =	vld [tilespmem:s23+$0x9D20]  }
0x17f: {  	v56 =	vld [tilespmem:s23+$0x9CE0]  }
0x180: {  	v45 =	vld [tilespmem:s23+$0x13D60]  }
0x181: {  	v5 =	vadd.f32 v0, v5;
	v0 =	vld [tilespmem:$0x1FEE0]  }
0x182: {  	v9 =	vld [tilespmem:s23+$0x13C60]  }
0x183: {  	v51 =	vld [tilespmem:s23+$0x13D20]  }
0x184: {  	v57 =	vld [tilespmem:s23+$0x13CE0]  }
0x185: {  	v3 =	vld [tilespmem:s23+$0x9CA0]  }
0x186: {  	v0 =	vadd.f32 v0, v1;
	v1 =	vld [tilespmem:$0x1FEF0]  }
0x187: {  	v4 =	vld [tilespmem:s23+$0x13CA0]  }
0x188: {  	v46 =	vld [tilespmem:s23+$0x13B40]  }
0x189: {  	v8 =	vld [tilespmem:s23+$0x9C60]  }
0x18a: {  	v6 =	vld [tilespmem:s23+$0x13BA0]  }
0x18b: {  	s24 =	simm.s32 $0x3BC0;
	v7 =	vld [tilespmem:s23+$0x9B40];
	v1 =	vadd.f32 v1, v63  }
.LBB2_3:
0x18c: {  	v47 =	vld [tilespmem:s23+$0x13B80]  }
0x18d: {  	v23 =	vld [tilespmem:s23+$0x9BC0]  }
0x18e: {  	v36 =	vld [tilespmem:s23+$0x13BC0]  }
0x18f: {  	v33 =	vld [tilespmem:s23+$0x9C00]  }
0x190: {  	v16 =	vadd.f32 v16, v18;
	v13 =	vadd.f32 v17, v13;
	v17 =	vld [tilespmem:s23+$0x13C00]  }
0x191: {  	v7 =	vadd.f32 v19, v7;
	v18 =	vadd.f32 v47, v46  }
0x192: {  	v12 =	vadd.f32 v12, v16;
	v6 =	vadd.f32 v6, v13;
	v13 =	vld [tilespmem:s23+$0x13C40]  }
0x193: {  	v19 =	vld [tilespmem:s23+$0x9C40];
	v7 =	vadd.f32 v23, v7;
	v16 =	vadd.f32 v36, v18  }
0x194: {  	v10 =	vadd.f32 v10, v12;
	v6 =	vadd.f32 v11, v6;
	v11 =	vld [tilespmem:s23+$0x13C80]  }
0x195: {  	v18 =	vld [tilespmem:s23+$0x9C80];
	v7 =	vadd.f32 v33, v7;
	v12 =	vadd.f32 v17, v16  }
0x196: {  	v10 =	vadd.f32 v14, v10;
	v6 =	vadd.f32 v15, v6;
	v14 =	vld [tilespmem:s23+$0x13CC0]  }
0x197: {  	v16 =	vld [tilespmem:s23+$0x9CC0];
	v12 =	vadd.f32 v13, v12  }
0x198: {  	v7 =	vadd.f32 v19, v7;
	v6 =	vadd.f32 v9, v6;
	v9 =	vld [tilespmem:s23+$0x13D00]  }
0x199: {  	v13 =	vld [tilespmem:s23+$0x9D00];
	v8 =	vadd.f32 v8, v10;
	v10 =	vadd.f32 v11, v12  }
0x19a: {  	v7 =	vadd.f32 v18, v7;
	v4 =	vadd.f32 v4, v6;
	v6 =	vld [tilespmem:s23+$0x13D40]  }
0x19b: {  	v3 =	vadd.f32 v3, v8;
	v8 =	vadd.f32 v14, v10  }
0x19c: {  	v12 =	vld [tilespmem:s23+$0x13D80];
	v7 =	vadd.f32 v16, v7  }
0x19d: {  	v8 =	vadd.f32 v9, v8  }
0x19e: {  	v7 =	vadd.f32 v13, v7;
	v13 =	vld [tilespmem:s23+$0x13DC0]  }
0x19f: {  	v6 =	vadd.f32 v6, v8  }
0x1a0: {  	v3 =	vadd.f32 v56, v3  }
0x1a1: {  	v6 =	vadd.f32 v12, v6;
	v12 =	vld [tilespmem:$0x1FD90]  }
0x1a2: {  	v11 =	vld [tilespmem:s23+$0x9D40];
	v3 =	vadd.f32 v50, v3  }
0x1a3: {  	v6 =	vadd.f32 v13, v6;
	v13 =	vld [tilespmem:$0x1FD70]  }
0x1a4: {  	v10 =	vld [tilespmem:s23+$0x9D80];
	v3 =	vadd.f32 v44, v3  }
0x1a5: {  	v2 =	vadd.f32 v39, v2;
	v4 =	vadd.f32 v57, v4;
	v9 =	vld [tilespmem:s23+$0x9DC0]  }
0x1a6: {  	v5 =	vadd.f32 v41, v5;
	v3 =	vadd.f32 v12, v3;
	v12 =	vld [tilespmem:$0x1FDA0]  }
0x1a7: {  	v4 =	vadd.f32 v51, v4;
	v7 =	vadd.f32 v11, v7;
	v8 =	vld [tilespmem:s23+$0x9E00]  }
0x1a8: {  	v40 =	vadd.f32 v40, v1;
	v3 =	vadd.f32 v13, v3;
	v13 =	vld [tilespmem:$0x1FD80]  }
0x1a9: {  	v11 =	vld [tilespmem:s23+$0x13E00];
	v4 =	vadd.f32 v45, v4;
	v7 =	vadd.f32 v10, v7  }
0x1aa: {  	v38 =	vadd.f32 v38, v0;
	v0 =	vadd.f32 v59, v2;
	v10 =	vld [tilespmem:s23+$0x9E40]  }
0x1ab: {  	v7 =	vadd.f32 v9, v7;
	v4 =	vadd.f32 v12, v4;
	v12 =	vld [tilespmem:s23+$0x13E40]  }
0x1ac: {  	v1 =	vadd.f32 v61, v5;
	v5 =	vadd.f32 v60, v40;
	v9 =	vld [tilespmem:s23+$0x9E80]  }
0x1ad: {  	v7 =	vadd.f32 v8, v7;
	v4 =	vadd.f32 v13, v4;
	v13 =	vld [tilespmem:s23+$0x13E80]  }
0x1ae: {  	v2 =	vadd.f32 v58, v38;
	v8 =	vld [tilespmem:s23+$0x9EC0];
	v6 =	vadd.f32 v11, v6  }
0x1af: {  	v11 =	vld [tilespmem:s23+$0x13EC0];
	v7 =	vadd.f32 v10, v7;
	v3 =	vadd.f32 v54, v3  }
0x1b0: {  	v10 =	vld [tilespmem:s23+$0x9F00];
	v4 =	vadd.f32 v55, v4;
	v6 =	vadd.f32 v12, v6  }
0x1b1: {  	v7 =	vadd.f32 v9, v7;
	v3 =	vadd.f32 v42, v3;
	v12 =	vld [tilespmem:s23+$0x13F00]  }
0x1b2: {  	v9 =	vld [tilespmem:s23+$0x9F40];
	v4 =	vadd.f32 v43, v4;
	v6 =	vadd.f32 v13, v6  }
0x1b3: {  	v7 =	vadd.f32 v8, v7;
	v3 =	vadd.f32 v52, v3;
	v13 =	vld [tilespmem:s23+$0x13F40]  }
0x1b4: {  	v8 =	vld [tilespmem:s23+$0x9F80];
	v4 =	vadd.f32 v53, v4;
	v6 =	vadd.f32 v11, v6  }
0x1b5: {  	v7 =	vadd.f32 v10, v7;
	v3 =	vadd.f32 v48, v3;
	v11 =	vld [tilespmem:s23+$0x13F80]  }
0x1b6: {  	v10 =	vld [tilespmem:s23+$0x9FC0];
	v4 =	vadd.f32 v49, v4;
	v6 =	vadd.f32 v12, v6  }
0x1b7: {  	v7 =	vadd.f32 v9, v7;
	v3 =	vadd.f32 v35, v3;
	v12 =	vld [tilespmem:s23+$0x13FC0]  }
0x1b8: {  	v9 =	vld [tilespmem:s23+$0xA000];
	v4 =	vadd.f32 v37, v4;
	v6 =	vadd.f32 v13, v6  }
0x1b9: {  	v7 =	vadd.f32 v8, v7;
	v3 =	vadd.f32 v31, v3;
	v13 =	vld [tilespmem:s23+$0x14000]  }
0x1ba: {  	v4 =	vadd.f32 v34, v4;
	v6 =	vadd.f32 v11, v6  }
0x1bb: {  	v7 =	vadd.f32 v10, v7;
	v3 =	vadd.f32 v28, v3  }
0x1bc: {  	v4 =	vadd.f32 v29, v4;
	v6 =	vadd.f32 v12, v6  }
0x1bd: {  	v7 =	vadd.f32 v9, v7;
	v3 =	vadd.f32 v26, v3  }
0x1be: {  	v4 =	vadd.f32 v27, v4;
	v6 =	vadd.f32 v13, v6  }
0x1bf: {  	v0 =	vmul.f32 v1, v0;
	v1 =	vmul.f32 v5, v2  }
0x1c0: {  	v2 =	vmul.f32 v4, v3;
	v3 =	vmul.f32 v6, v7;
	_ =	sdelay $0x1  }
0x1c1: {  	v0 =	vadd.f32 v1, v0;
	v1 =	vadd.f32 v3, v2;
	_ =	sdelay $0x1  }
0x1c2: {  	v0 =	vadd.f32 v1, v0  }
0x1c3: {  	s22 =	sadd.s32 $0x10, s22  }
0x1c4: {  	s23 =	sshra.s32 s24, $0x2;
	[tilespmem:s22+$0x0] =	vst v0  }
0x1c5: {  	v0 =	vld [tilespmem:s23+$0x13FD0];
	_ =	sdelay $0x4  }
0x1c6: {  	[tilespmem:$0x1FAA0] =	vst v0;
	v0 =	vld [tilespmem:s23+$0x13FF0];
	_ =	sdelay $0x4  }
0x1c7: {  	[tilespmem:$0x1FAC0] =	vst v0;
	v0 =	vld [tilespmem:s23+$0x9FE0];
	_ =	sdelay $0x4  }
0x1c8: {  	[tilespmem:$0x1FA90] =	vst v0;
	v0 =	vld [tilespmem:s23+$0x9FB0];
	_ =	sdelay $0x4  }
0x1c9: {  	[tilespmem:$0x1FAD0] =	vst v0;
	v0 =	vld [tilespmem:s23+$0x13FA0];
	_ =	sdelay $0x4  }
0x1ca: {  	[tilespmem:$0x1FAB0] =	vst v0;
	v0 =	vld [tilespmem:s23+$0x9F50];
	_ =	sdelay $0x4  }
0x1cb: {  	[tilespmem:$0x1FBA0] =	vst v0;
	v0 =	vld [tilespmem:s23+$0x13F50];
	_ =	sdelay $0x4  }
0x1cc: {  	[tilespmem:$0x1FBB0] =	vst v0;
	v0 =	vld [tilespmem:s23+$0x9F70];
	_ =	sdelay $0x3  }
0x1cd: {  	v7 =	vld [tilespmem:s23+$0x9FD0]  }
0x1ce: {  	[tilespmem:$0x1FBC0] =	vst v0;
	v0 =	vld [tilespmem:s23+$0x13F70]  }
0x1cf: {  	v38 =	vld [tilespmem:s23+$0x9FF0]  }
0x1d0: {  	v60 =	vld [tilespmem:s23+$0x13FE0]  }
0x1d1: {  	v36 =	vld [tilespmem:s23+$0x9F90]  }
0x1d2: {  	v6 =	vld [tilespmem:s23+$0x13F90]  }
0x1d3: {  	[tilespmem:$0x1FBD0] =	vst v0;
	v0 =	vld [tilespmem:s23+$0x9F10]  }
0x1d4: {  	v5 =	vld [tilespmem:s23+$0x13FB0]  }
0x1d5: {  	v61 =	vld [tilespmem:s23+$0x9FA0]  }
0x1d6: {  	v58 =	vld [tilespmem:s23+$0x9F60]  }
0x1d7: {  	v59 =	vld [tilespmem:s23+$0x13F60]  }
0x1d8: {  	[tilespmem:$0x1FB60] =	vst v0;
	v0 =	vld [tilespmem:s23+$0x13F10]  }
0x1d9: {  	v35 =	vld [tilespmem:s23+$0x9F20]  }
0x1da: {  	v37 =	vld [tilespmem:s23+$0x13F20]  }
0x1db: {  	v39 =	vld [tilespmem:s23+$0x9EE0]  }
0x1dc: {  	v40 =	vld [tilespmem:s23+$0x13EE0]  }
0x1dd: {  	[tilespmem:$0x1FB70] =	vst v0;
	v0 =	vld [tilespmem:s23+$0x9F30]  }
0x1de: {  	v41 =	vld [tilespmem:s23+$0x9EA0]  }
0x1df: {  	v2 =	vld [tilespmem:s23+$0x13EA0]  }
0x1e0: {  	v63 =	vld [tilespmem:s23+$0x9E50]  }
0x1e1: {  	v47 =	vld [tilespmem:s23+$0x13E50]  }
0x1e2: {  	[tilespmem:$0x1FB80] =	vst v0;
	v0 =	vld [tilespmem:s23+$0x13F30]  }
0x1e3: {  	v62 =	vld [tilespmem:s23+$0x9E70]  }
0x1e4: {  	v46 =	vld [tilespmem:s23+$0x13E70]  }
0x1e5: {  	v42 =	vld [tilespmem:s23+$0x9E60]  }
0x1e6: {  	v43 =	vld [tilespmem:s23+$0x13E60]  }
0x1e7: {  	[tilespmem:$0x1FB90] =	vst v0;
	v0 =	vld [tilespmem:s23+$0x9ED0]  }
0x1e8: {  	v10 =	vld [tilespmem:s23+$0x9E10]  }
0x1e9: {  	v12 =	vld [tilespmem:s23+$0x13E10]  }
0x1ea: {  	v11 =	vld [tilespmem:s23+$0x9E30]  }
0x1eb: {  	v13 =	vld [tilespmem:s23+$0x13E30]  }
0x1ec: {  	[tilespmem:$0x1FB20] =	vst v0;
	v0 =	vld [tilespmem:s23+$0x13ED0]  }
0x1ed: {  	v1 =	vld [tilespmem:s23+$0x13E20]  }
0x1ee: {  	v14 =	vld [tilespmem:s23+$0x9DD0]  }
0x1ef: {  	v16 =	vld [tilespmem:s23+$0x13DD0]  }
0x1f0: {  	v17 =	vld [tilespmem:s23+$0x13DF0]  }
0x1f1: {  	[tilespmem:$0x1FB30] =	vst v0;
	v0 =	vld [tilespmem:s23+$0x9EF0]  }
0x1f2: {  	v3 =	vld [tilespmem:s23+$0x9DE0]  }
0x1f3: {  	v8 =	vld [tilespmem:s23+$0x9D90]  }
0x1f4: {  	v18 =	vld [tilespmem:s23+$0x13D90]  }
0x1f5: {  	v19 =	vld [tilespmem:s23+$0x13DB0]  }
0x1f6: {  	[tilespmem:$0x1FB40] =	vst v0;
	v0 =	vld [tilespmem:s23+$0x13EF0]  }
0x1f7: {  	v22 =	vld [tilespmem:s23+$0x9C50]  }
0x1f8: {  	v24 =	vld [tilespmem:s23+$0x9C10]  }
0x1f9: {  	v25 =	vld [tilespmem:s23+$0x13C10]  }
0x1fa: {  	v26 =	vld [tilespmem:s23+$0x9BD0]  }
0x1fb: {  	[tilespmem:$0x1FB50] =	vst v0;
	v0 =	vld [tilespmem:s23+$0x9E90]  }
0x1fc: {  	v27 =	vld [tilespmem:s23+$0x13BD0]  }
0x1fd: {  	v28 =	vld [tilespmem:s23+$0x9B90]  }
0x1fe: {  	v48 =	vld [tilespmem:s23+$0x13B90]  }
0x1ff: {  	v49 =	vld [tilespmem:s23+$0x9B50]  }
0x200: {  	[tilespmem:$0x1FAE0] =	vst v0;
	v0 =	vld [tilespmem:s23+$0x13E90]  }
0x201: {  	v29 =	vld [tilespmem:s23+$0x9B10]  }
0x202: {  	v30 =	vld [tilespmem:s23+$0x13B10]  }
0x203: {  	v31 =	vld [tilespmem:s23+$0x13B50]  }
0x204: {  	v32 =	vld [tilespmem:s23+$0x9B30]  }
0x205: {  	[tilespmem:$0x1FAF0] =	vst v0;
	v0 =	vld [tilespmem:s23+$0x9EB0]  }
0x206: {  	v52 =	vld [tilespmem:s23+$0x9B70]  }
0x207: {  	v53 =	vld [tilespmem:s23+$0x13B30]  }
0x208: {  	v54 =	vld [tilespmem:s23+$0x13B70]  }
0x209: {  	v55 =	vld [tilespmem:s23+$0x9BB0]  }
0x20a: {  	[tilespmem:$0x1FB00] =	vst v0;
	v0 =	vld [tilespmem:s23+$0x13EB0]  }
0x20b: {  	v33 =	vld [tilespmem:s23+$0x13BB0]  }
0x20c: {  	v34 =	vld [tilespmem:s23+$0x9BF0]  }
0x20d: {  	[tilespmem:$0x1FD70] =	vst v3;
	v3 =	vld [tilespmem:s23+$0x13DE0]  }
0x20e: {  	v29 =	vadd.f32 v49, v29;
	v30 =	vadd.f32 v31, v30;
	v31 =	vld [tilespmem:s23+$0x13BF0]  }
0x20f: {  	v32 =	vadd.f32 v52, v32;
	[tilespmem:$0x1FB10] =	vst v0;
	v0 =	vld [tilespmem:s23+$0x9E20]  }
0x210: {  	v49 =	vadd.f32 v54, v53;
	v52 =	vld [tilespmem:s23+$0x9C30];
	v28 =	vadd.f32 v28, v29  }
0x211: {  	v29 =	vadd.f32 v48, v30;
	v30 =	vld [tilespmem:s23+$0x13C30];
	v32 =	vadd.f32 v55, v32  }
0x212: {  	v33 =	vadd.f32 v33, v49;
	v26 =	vadd.f32 v26, v28;
	v28 =	vld [tilespmem:s23+$0x13C70]  }
0x213: {  	v27 =	vadd.f32 v27, v29;
	[tilespmem:$0x1FD80] =	vst v3;
	v3 =	vld [tilespmem:s23+$0x9DA0]  }
0x214: {  	v21 =	vld [tilespmem:s23+$0x13D70];
	v29 =	vadd.f32 v34, v32;
	v54 =	vmov v0;
	v0 =	vadd.f32 v31, v33  }
0x215: {  	v24 =	vadd.f32 v24, v26;
	v25 =	vadd.f32 v25, v27;
	v26 =	vld [tilespmem:s23+$0x13CB0]  }
0x216: {  	v44 =	vld [tilespmem:s23+$0x9C90];
	v27 =	vadd.f32 v52, v29;
	v29 =	vadd.f32 v30, v0  }
0x217: {  	v22 =	vadd.f32 v22, v24;
	v24 =	vld [tilespmem:s23+$0x13CF0]  }
0x218: {  	[tilespmem:$0x1FD90] =	vst v3;
	v3 =	vld [tilespmem:s23+$0x13DA0];
	v0 =	vadd.f32 v28, v29  }
0x219: {  	v29 =	vld [tilespmem:s23+$0x13D30]  }
0x21a: {  	v45 =	vld [tilespmem:s23+$0x9CD0];
	v26 =	vadd.f32 v26, v0  }
0x21b: {  	v23 =	vld [tilespmem:s23+$0x13C50]  }
0x21c: {  	v51 =	vld [tilespmem:s23+$0x9D10];
	v24 =	vadd.f32 v24, v26  }
0x21d: {  	v57 =	vld [tilespmem:s23+$0x13C90];
	v22 =	vadd.f32 v44, v22  }
0x21e: {  	[tilespmem:$0x1FDA0] =	vst v3;
	v3 =	vld [tilespmem:s23+$0x9D50];
	v24 =	vadd.f32 v29, v24  }
0x21f: {  	v50 =	vld [tilespmem:s23+$0x13CD0];
	v22 =	vadd.f32 v45, v22  }
0x220: {  	v48 =	vld [tilespmem:s23+$0x9C70];
	v23 =	vadd.f32 v23, v25;
	v21 =	vadd.f32 v21, v24  }
0x221: {  	v56 =	vld [tilespmem:s23+$0x13D10];
	v22 =	vadd.f32 v51, v22  }
0x222: {  	v32 =	vld [tilespmem:s23+$0x9CB0];
	v23 =	vadd.f32 v57, v23;
	v19 =	vadd.f32 v19, v21  }
0x223: {  	v4 =	vld [tilespmem:s23+$0x13D50];
	v22 =	vadd.f32 v3, v22  }
0x224: {  	v23 =	vadd.f32 v50, v23;
	v30 =	vld [tilespmem:s23+$0x9CF0];
	v17 =	vadd.f32 v17, v19  }
0x225: {  	v53 =	vmov v2;
	v25 =	vadd.f32 v48, v27;
	v22 =	vadd.f32 v8, v22;
	v2 =	vld [tilespmem:$0x1FB10]  }
0x226: {  	v23 =	vadd.f32 v56, v23;
	v28 =	vld [tilespmem:s23+$0x9D30];
	v13 =	vadd.f32 v13, v17  }
0x227: {  	v20 =	vld [tilespmem:s23+$0x9D70];
	v25 =	vadd.f32 v32, v25;
	v31 =	vmovc v58;
	v58 =	vmov v38;
	v38 =	vadd.f32 v14, v22  }
0x228: {  	v55 =	vmovc v1;
	v34 =	vmovc v59;
	v59 =	vmov v7;
	v23 =	vadd.f32 v4, v23;
	v1 =	vld [tilespmem:$0x1FAE0];
	v7 =	vadd.f32 v46, v13  }
0x229: {  	v9 =	vld [tilespmem:s23+$0x9DB0];
	v25 =	vadd.f32 v30, v25;
	v19 =	vadd.f32 v10, v38  }
0x22a: {  	v18 =	vadd.f32 v18, v23;
	v2 =	vadd.f32 v2, v7;
	v7 =	vld [tilespmem:$0x1FB20]  }
0x22b: {  	v15 =	vld [tilespmem:s23+$0x9DF0];
	v49 =	vmovc v40;
	v40 =	vmov v5;
	v25 =	vadd.f32 v28, v25;
	v5 =	vadd.f32 v63, v19  }
0x22c: {  	v52 =	vmov v41;
	v41 =	vmov v6;
	v6 =	vld [tilespmem:s23+$0x13BA0];
	v16 =	vadd.f32 v16, v18  }
0x22d: {  	v20 =	vadd.f32 v20, v25;
	v5 =	vadd.f32 v1, v5;
	v1 =	vld [tilespmem:$0x1FAF0]  }
0x22e: {  	v44 =	vld [tilespmem:s23+$0x9D60];
	v12 =	vadd.f32 v12, v16  }
0x22f: {  	v20 =	vadd.f32 v9, v20;
	v5 =	vadd.f32 v7, v5;
	v7 =	vld [tilespmem:$0x1FB30]  }
0x230: {  	v27 =	vmov v60;
	v60 =	vld [tilespmem:$0x1FAC0];
	v0 =	vadd.f32 v47, v12  }
0x231: {  	v57 =	vld [tilespmem:s23+$0x13CE0];
	v18 =	vadd.f32 v15, v20  }
0x232: {  	v0 =	vadd.f32 v1, v0;
	v1 =	vld [tilespmem:$0x1FB00]  }
0x233: {  	v45 =	vld [tilespmem:s23+$0x13D60];
	v16 =	vadd.f32 v11, v18  }
0x234: {  	v0 =	vadd.f32 v7, v0;
	v7 =	vld [tilespmem:$0x1FB40]  }
0x235: {  	v50 =	vld [tilespmem:s23+$0x9D20];
	v16 =	vadd.f32 v62, v16  }
0x236: {  	v19 =	vld [tilespmem:$0x1FB80]  }
0x237: {  	v51 =	vld [tilespmem:s23+$0x13D20];
	v1 =	vadd.f32 v1, v16  }
0x238: {  	v56 =	vld [tilespmem:s23+$0x9CE0]  }
0x239: {  	v1 =	vadd.f32 v7, v1;
	v7 =	vld [tilespmem:$0x1FB50]  }
0x23a: {  	v4 =	vld [tilespmem:s23+$0x13CA0]  }
0x23b: {  	v1 =	vadd.f32 v19, v1;
	v19 =	vld [tilespmem:$0x1FB90]  }
0x23c: {  	v3 =	vld [tilespmem:s23+$0x9CA0]  }
0x23d: {  	v8 =	vld [tilespmem:s23+$0x9C60]  }
0x23e: {  	v2 =	vadd.f32 v7, v2;
	v7 =	vld [tilespmem:$0x1FB60]  }
0x23f: {  	v14 =	vld [tilespmem:s23+$0x9C20]  }
0x240: {  	v20 =	vadd.f32 v19, v2;
	v2 =	vld [tilespmem:$0x1FBA0]  }
0x241: {  	v12 =	vld [tilespmem:s23+$0x9BA0]  }
0x242: {  	v26 =	vld [tilespmem:$0x1FA90]  }
0x243: {  	v5 =	vadd.f32 v7, v5;
	v7 =	vld [tilespmem:$0x1FB70]  }
0x244: {  	v28 =	vmov v61;
	v61 =	vld [tilespmem:$0x1FAA0]  }
0x245: {  	v2 =	vadd.f32 v2, v5;
	v5 =	vld [tilespmem:$0x1FBB0]  }
0x246: {  	v29 =	vld [tilespmem:$0x1FAB0]  }
0x247: {  	v9 =	vld [tilespmem:s23+$0x13C60]  }
0x248: {  	v15 =	vld [tilespmem:s23+$0x13C20];
	v0 =	vadd.f32 v7, v0  }
0x249: {  	v10 =	vld [tilespmem:s23+$0x9BE0]  }
0x24a: {  	v5 =	vadd.f32 v5, v0;
	v0 =	vld [tilespmem:$0x1FBC0]  }
0x24b: {  	v38 =	vld [tilespmem:$0x1FAD0]  }
0x24c: {  	v11 =	vld [tilespmem:s23+$0x13BE0]  }
0x24d: {  	v18 =	vld [tilespmem:s23+$0x9B20]  }
0x24e: {  	v17 =	vld [tilespmem:s23+$0x13B60]  }
0x24f: {  	p0 =	sne.s32 s24, $0x13FC0;
	v0 =	vadd.f32 v0, v1;
	v1 =	vld [tilespmem:$0x1FBD0]  }
.Ltmp0:
0x250: {  	v13 =	vld [tilespmem:s23+$0x13B20];
	(pc) =	sbr.rel @p0 .LBB2_3-.Ltmp0, $4  }
0x251: {  	v46 =	vld [tilespmem:s23+$0x13B40]  }
0x252: {  	v16 =	vld [tilespmem:s23+$0x9B60]  }
0x253: {  	v19 =	vld [tilespmem:s23+$0x9B80]  }
0x254: {  	s24 =	sadd.s32 $0x1400, s24;
	v48 =	vmov v39;
	v39 =	vmov v36;
	v7 =	vld [tilespmem:s23+$0x9B40];
	v1 =	vadd.f32 v1, v20  }
0x255: {  	v20 =	vld [tilespmem:s23+$0x13B80];
	_ =	sdelay $0x1  }
0x256: {  	v22 =	vld [tilespmem:s23+$0x13BC0]  }
0x257: {  	v21 =	vld [tilespmem:s23+$0x9BC0];
	v13 =	vadd.f32 v17, v13  }
0x258: {  	v17 =	vld [tilespmem:s23+$0x13C00];
	v16 =	vadd.f32 v16, v18  }
0x259: {  	v23 =	vld [tilespmem:s23+$0x9C00];
	v6 =	vadd.f32 v6, v13;
	v18 =	vadd.f32 v20, v46  }
0x25a: {  	v13 =	vld [tilespmem:s23+$0x13C40];
	v7 =	vadd.f32 v19, v7;
	v12 =	vadd.f32 v12, v16  }
0x25b: {  	v19 =	vld [tilespmem:s23+$0x9C40];
	v6 =	vadd.f32 v11, v6;
	v16 =	vadd.f32 v22, v18  }
0x25c: {  	v11 =	vld [tilespmem:s23+$0x13C80];
	v7 =	vadd.f32 v21, v7;
	v10 =	vadd.f32 v10, v12  }
0x25d: {  	v6 =	vadd.f32 v15, v6;
	v18 =	vld [tilespmem:s23+$0x9C80];
	v12 =	vadd.f32 v17, v16  }
0x25e: {  	v7 =	vadd.f32 v23, v7;
	v10 =	vadd.f32 v14, v10;
	v14 =	vld [tilespmem:s23+$0x13CC0]  }
0x25f: {  	v16 =	vld [tilespmem:s23+$0x9CC0];
	v12 =	vadd.f32 v13, v12  }
0x260: {  	v6 =	vadd.f32 v9, v6;
	v9 =	vld [tilespmem:s23+$0x13D00];
	v7 =	vadd.f32 v19, v7  }
0x261: {  	v8 =	vadd.f32 v8, v10;
	v13 =	vld [tilespmem:s23+$0x9D00];
	v10 =	vadd.f32 v11, v12  }
0x262: {  	v4 =	vadd.f32 v4, v6;
	v6 =	vld [tilespmem:s23+$0x13D40];
	v7 =	vadd.f32 v18, v7  }
0x263: {  	v3 =	vadd.f32 v3, v8;
	v8 =	vadd.f32 v14, v10  }
0x264: {  	v12 =	vld [tilespmem:s23+$0x13D80];
	v7 =	vadd.f32 v16, v7  }
0x265: {  	v8 =	vadd.f32 v9, v8  }
0x266: {  	v7 =	vadd.f32 v13, v7;
	v13 =	vld [tilespmem:s23+$0x13DC0]  }
0x267: {  	v6 =	vadd.f32 v6, v8  }
0x268: {  	v3 =	vadd.f32 v56, v3  }
0x269: {  	v6 =	vadd.f32 v12, v6;
	v12 =	vld [tilespmem:$0x1FD90]  }
0x26a: {  	v11 =	vld [tilespmem:s23+$0x9D40];
	v3 =	vadd.f32 v50, v3  }
0x26b: {  	v6 =	vadd.f32 v13, v6;
	v13 =	vld [tilespmem:$0x1FD70]  }
0x26c: {  	v10 =	vld [tilespmem:s23+$0x9D80];
	v3 =	vadd.f32 v44, v3  }
0x26d: {  	v2 =	vadd.f32 v39, v2;
	v4 =	vadd.f32 v57, v4;
	v9 =	vld [tilespmem:s23+$0x9DC0]  }
0x26e: {  	v5 =	vadd.f32 v41, v5;
	v3 =	vadd.f32 v12, v3;
	v12 =	vld [tilespmem:$0x1FDA0]  }
0x26f: {  	v4 =	vadd.f32 v51, v4;
	v7 =	vadd.f32 v11, v7;
	v8 =	vld [tilespmem:s23+$0x9E00]  }
0x270: {  	v0 =	vadd.f32 v38, v0;
	v3 =	vadd.f32 v13, v3;
	v13 =	vld [tilespmem:$0x1FD80]  }
0x271: {  	v4 =	vadd.f32 v45, v4;
	v11 =	vld [tilespmem:s23+$0x13E00];
	v7 =	vadd.f32 v10, v7  }
0x272: {  	v1 =	vadd.f32 v40, v1;
	v2 =	vadd.f32 v59, v2;
	v10 =	vld [tilespmem:s23+$0x9E40]  }
0x273: {  	v7 =	vadd.f32 v9, v7;
	v4 =	vadd.f32 v12, v4;
	v12 =	vld [tilespmem:s23+$0x13E40]  }
0x274: {  	v5 =	vadd.f32 v61, v5;
	v0 =	vadd.f32 v58, v0;
	v9 =	vld [tilespmem:s23+$0x9E80]  }
0x275: {  	v7 =	vadd.f32 v8, v7;
	v4 =	vadd.f32 v13, v4;
	v13 =	vld [tilespmem:s23+$0x13E80]  }
0x276: {  	v1 =	vadd.f32 v60, v1;
	v8 =	vld [tilespmem:s23+$0x9EC0];
	v6 =	vadd.f32 v11, v6  }
0x277: {  	v11 =	vld [tilespmem:s23+$0x13EC0];
	v7 =	vadd.f32 v10, v7;
	v3 =	vadd.f32 v54, v3  }
0x278: {  	v10 =	vld [tilespmem:s23+$0x9F00];
	v4 =	vadd.f32 v55, v4;
	v6 =	vadd.f32 v12, v6  }
0x279: {  	v7 =	vadd.f32 v9, v7;
	v3 =	vadd.f32 v42, v3;
	v12 =	vld [tilespmem:s23+$0x13F00]  }
0x27a: {  	v9 =	vld [tilespmem:s23+$0x9F40];
	v4 =	vadd.f32 v43, v4;
	v6 =	vadd.f32 v13, v6  }
0x27b: {  	v7 =	vadd.f32 v8, v7;
	v3 =	vadd.f32 v52, v3;
	v13 =	vld [tilespmem:s23+$0x13F40]  }
0x27c: {  	v8 =	vld [tilespmem:s23+$0x9F80];
	v4 =	vadd.f32 v53, v4;
	v6 =	vadd.f32 v11, v6  }
0x27d: {  	v7 =	vadd.f32 v10, v7;
	v3 =	vadd.f32 v48, v3;
	v11 =	vld [tilespmem:s23+$0x13F80]  }
0x27e: {  	v10 =	vld [tilespmem:s23+$0x9FC0];
	v4 =	vadd.f32 v49, v4;
	v6 =	vadd.f32 v12, v6  }
0x27f: {  	v7 =	vadd.f32 v9, v7;
	v3 =	vadd.f32 v35, v3;
	v12 =	vld [tilespmem:s23+$0x13FC0]  }
0x280: {  	v9 =	vld [tilespmem:s23+$0xA000];
	v4 =	vadd.f32 v37, v4;
	v6 =	vadd.f32 v13, v6  }
0x281: {  	v7 =	vadd.f32 v8, v7;
	v3 =	vadd.f32 v31, v3;
	v13 =	vld [tilespmem:s23+$0x14000]  }
0x282: {  	v4 =	vadd.f32 v34, v4;
	v6 =	vadd.f32 v11, v6  }
0x283: {  	v7 =	vadd.f32 v10, v7;
	v3 =	vadd.f32 v28, v3  }
0x284: {  	v4 =	vadd.f32 v29, v4;
	v6 =	vadd.f32 v12, v6  }
0x285: {  	v7 =	vadd.f32 v9, v7;
	v3 =	vadd.f32 v26, v3  }
0x286: {  	v4 =	vadd.f32 v27, v4;
	v6 =	vadd.f32 v13, v6  }
0x287: {  	v2 =	vmul.f32 v5, v2;
	v0 =	vmul.f32 v1, v0  }
0x288: {  	v1 =	vmul.f32 v4, v3;
	v3 =	vmul.f32 v6, v7;
	_ =	sdelay $0x1  }
0x289: {  	v0 =	vadd.f32 v0, v2;
	v1 =	vadd.f32 v3, v1;
	_ =	sdelay $0x1  }
0x28a: {  	v0 =	vadd.f32 v1, v0  }
0x28b: {  	s22 =	sadd.s32 $0x10, s22;
	v1 =	vld [tilespmem:$0x1FF00]  }
0x28c: {  	[tilespmem:s22+$0x0] =	vst v0;
	v0 =	vld [tilespmem:$0x1FFE0];
	_ =	sdelay $0x1  }
0x28d: {  	v2 =	vld [tilespmem:$0x1FF10];
	_ =	sdelay $0x1  }
0x28e: {  	v3 =	vld [tilespmem:$0x1FF20];
	_ =	sdelay $0x2  }
0x28f: {  	v1 =	vld.idx.msk [tilespmem:v1+s16+$0x0], $0xffff  }
0x290: {  	v0 =	vld.idx.msk [tilespmem:v0+s16+$0x0], $0xffff;
	_ =	sdelay $0x1  }
0x291: {  	v2 =	vld.idx.msk [tilespmem:v2+s16+$0x0], $0xffff;
	_ =	sdelay $0x1  }
0x292: {  	v3 =	vld.idx.msk [tilespmem:v3+s16+$0x0], $0xffff  }
0x293: {  	v0 =	vadd.f32 v1, v0;
	v1 =	vld [tilespmem:$0x1FF30];
	_ =	sdelay $0x1  }
0x294: {  	v0 =	vadd.f32 v2, v0;
	v2 =	vld [tilespmem:$0x1FF40];
	_ =	sdelay $0x1  }
0x295: {  	v0 =	vadd.f32 v3, v0;
	v3 =	vld [tilespmem:$0x1FF50];
	_ =	sdelay $0x3  }
0x296: {  	v1 =	vld.idx.msk [tilespmem:v1+s16+$0x0], $0xffff;
	_ =	sdelay $0x1  }
0x297: {  	v2 =	vld.idx.msk [tilespmem:v2+s16+$0x0], $0xffff;
	_ =	sdelay $0x1  }
0x298: {  	v3 =	vld.idx.msk [tilespmem:v3+s16+$0x0], $0xffff  }
0x299: {  	v0 =	vadd.f32 v1, v0;
	v1 =	vld [tilespmem:$0x1FF60];
	_ =	sdelay $0x1  }
0x29a: {  	v0 =	vadd.f32 v2, v0;
	v2 =	vld [tilespmem:$0x1FF70];
	_ =	sdelay $0x1  }
0x29b: {  	v0 =	vadd.f32 v3, v0;
	v3 =	vld [tilespmem:$0x1FF80];
	_ =	sdelay $0x3  }
0x29c: {  	v1 =	vld.idx.msk [tilespmem:v1+s16+$0x0], $0xffff;
	_ =	sdelay $0x1  }
0x29d: {  	v2 =	vld.idx.msk [tilespmem:v2+s16+$0x0], $0xffff;
	_ =	sdelay $0x1  }
0x29e: {  	v3 =	vld.idx.msk [tilespmem:v3+s16+$0x0], $0xffff  }
0x29f: {  	v0 =	vadd.f32 v1, v0;
	v1 =	vld [tilespmem:$0x1FF90];
	_ =	sdelay $0x1  }
0x2a0: {  	v0 =	vadd.f32 v2, v0;
	v2 =	vld [tilespmem:$0x1FFA0];
	_ =	sdelay $0x1  }
0x2a1: {  	v0 =	vadd.f32 v3, v0;
	v3 =	vld [tilespmem:$0x1FFB0];
	_ =	sdelay $0x3  }
0x2a2: {  	v1 =	vld.idx.msk [tilespmem:v1+s16+$0x0], $0xffff;
	_ =	sdelay $0x1  }
0x2a3: {  	v2 =	vld.idx.msk [tilespmem:v2+s16+$0x0], $0xffff;
	_ =	sdelay $0x1  }
0x2a4: {  	v3 =	vld.idx.msk [tilespmem:v3+s16+$0x0], $0xffff  }
0x2a5: {  	v0 =	vadd.f32 v1, v0;
	v1 =	vld [tilespmem:$0x1FFC0];
	_ =	sdelay $0x1  }
0x2a6: {  	v0 =	vadd.f32 v2, v0;
	v2 =	vld [tilespmem:$0x1FFD0];
	_ =	sdelay $0x1  }
0x2a7: {  	v0 =	vadd.f32 v3, v0;
	v3 =	vld [tilespmem:$0x1FFF0];
	_ =	sdelay $0x3  }
0x2a8: {  	v1 =	vld.idx.msk [tilespmem:v1+s16+$0x0], $0xffff;
	_ =	sdelay $0x1  }
0x2a9: {  	v2 =	vld.idx.msk [tilespmem:v2+s16+$0x0], $0xffff;
	_ =	sdelay $0x1  }
0x2aa: {  	v3 =	vld.idx.msk [tilespmem:v3+s16+$0x0], $0xffff  }
0x2ab: {  	v0 =	vadd.f32 v1, v0;
	_ =	sdelay $0x1  }
0x2ac: {  	v0 =	vadd.f32 v2, v0;
	_ =	sdelay $0x1  }
0x2ad: {  	v0 =	vadd.f32 v3, v0;
	_ =	sdelay $0x1  }
0x2ae: {  	v0 =	vsub.f32 $0.0e+00, v0;
	_ =	sdelay $0x1  }
0x2af: {  	v0 =	vmul.f32 $1.442695020e+00, v0;
	_ =	sdelay $0x1  }
0x2b0: {  	(erf) = vpow2.f32 v0;
	_ =	sdelay $0x8  }
0x2b1: {  	v0 =	vpop (erf)  }
0x2b2: {  	v0 =	vadd.f32 $1.000000000e+00, v0;
	_ =	sdelay $0x1  }
0x2b3: {  	(erf) = vrcp.f32 v0;
	_ =	sdelay $0x6  }
0x2b4: {  	p0 =	seq.s32 s20, $0xF  }
0x2b5: {  	s30 =	sshll.u32 s20, $0x5;
	s23 =	smul.u32 @!p0 $0x500, s20  }
0x2b6: {  	s22 =	sand.u32 $0x3FFFFFE0, s30;
	v0 =	vpop (erf)  }
0x2b7: {  	s24 =	simm.s32 @!p0 $0x280;
	s25 =	simm.s32 @!p0 $0xA000;
	[tilespmem:s22+$0x1E100] =	vst v0;
	s22 =	sadd.s32 @!p0 $0x500, s23  }
0x2b8: {  	[tilespmem:s25], [sflag:$0x1] =	stream.indirect.gather @!p0 [hbm4b:s3+s24], $0x20, s22, s24, $0xb8;
	[tilespmem:$0x1E300] =	vst v63  }
0x2b9: {  	s22 =	sadd.s32 @!p0 $0x5500, s23;
	s23 =	simm.s32 @!p0 $0x14000  }
0x2ba: {  	[tilespmem:s23], [sflag:$0x1] =	stream.indirect.gather @!p0 [hbm4b:s3+s24], $0x20, s22, s24, $0xb8;
	[tilespmem:$0x1E300] =	vst v63  }
0x2bb: {  	_ =	swait.ge [sflag:s17], $0x5000  }
0x2bc: {  	[sflag:s17] =	ssyncset.done $0x0  }
0x2bd: {  	[sflag:s17] =	ssyncadd.s32 $0xFFFFB000  }
0x2be: {  	_ =	swait.ge [sflag:s17], $0x5000  }
0x2bf: {  	[sflag:s17] =	ssyncset.done $0x0  }
0x2c0: {  	s31 =	simm.s32 $0x4F0;
	[sflag:s17] =	ssyncadd.s32 $0xFFFFB000  }
0x2c1: {  	v0 =	vld [tilespmem:s31+$0xEFD0];
	_ =	sdelay $0x4  }
0x2c2: {  	[tilespmem:$0x1F780] =	vst v0;
	v0 =	vld [tilespmem:s31+$0x18FD0];
	_ =	sdelay $0x4  }
0x2c3: {  	[tilespmem:$0x1F790] =	vst v0;
	v0 =	vld [tilespmem:s31+$0xEFF0];
	_ =	sdelay $0x4  }
0x2c4: {  	[tilespmem:$0x1F7A0] =	vst v0;
	v0 =	vld [tilespmem:s31+$0x18FF0];
	_ =	sdelay $0x4  }
0x2c5: {  	[tilespmem:$0x1F7B0] =	vst v0;
	v0 =	vld [tilespmem:s31+$0xEFE0];
	_ =	sdelay $0x4  }
0x2c6: {  	[tilespmem:$0x1F8E0] =	vst v0;
	v0 =	vld [tilespmem:s31+$0x18FE0];
	_ =	sdelay $0x4  }
0x2c7: {  	[tilespmem:$0x1F8F0] =	vst v0;
	v0 =	vld [tilespmem:s31+$0xEFB0];
	_ =	sdelay $0x4  }
0x2c8: {  	[tilespmem:$0x1F770] =	vst v0;
	v0 =	vld [tilespmem:s31+$0xEFA0];
	_ =	sdelay $0x4  }
0x2c9: {  	[tilespmem:$0x1F8C0] =	vst v0;
	v0 =	vld [tilespmem:s31+$0x18FA0];
	_ =	sdelay $0x4  }
0x2ca: {  	[tilespmem:$0x1F8D0] =	vst v0;
	v0 =	vld [tilespmem:s31+$0xEF60];
	_ =	sdelay $0x4  }
0x2cb: {  	[tilespmem:$0x1F8A0] =	vst v0;
	v0 =	vld [tilespmem:s31+$0x18F60];
	_ =	sdelay $0x3  }
0x2cc: {  	v32 =	vld [tilespmem:s31+$0xEF90]  }
0x2cd: {  	[tilespmem:$0x1F8B0] =	vst v0;
	v0 =	vld [tilespmem:s31+$0xEF20]  }
0x2ce: {  	v33 =	vld [tilespmem:s31+$0x18F90]  }
0x2cf: {  	v28 =	vld [tilespmem:s31+$0xEF50]  }
0x2d0: {  	v27 =	vld [tilespmem:s31+$0x18F50]  }
0x2d1: {  	v30 =	vld [tilespmem:s31+$0xEF70]  }
0x2d2: {  	[tilespmem:$0x1F880] =	vst v0;
	v0 =	vld [tilespmem:s31+$0x18F20]  }
0x2d3: {  	v29 =	vld [tilespmem:s31+$0x18F70]  }
0x2d4: {  	v34 =	vld [tilespmem:s31+$0xEF10]  }
0x2d5: {  	v35 =	vld [tilespmem:s31+$0x18F10]  }
0x2d6: {  	v26 =	vld [tilespmem:s31+$0xEF30]  }
0x2d7: {  	[tilespmem:$0x1F890] =	vst v0;
	v0 =	vld [tilespmem:s31+$0xEEE0]  }
0x2d8: {  	v25 =	vld [tilespmem:s31+$0x18F30]  }
0x2d9: {  	v38 =	vld [tilespmem:s31+$0xEED0]  }
0x2da: {  	v39 =	vld [tilespmem:s31+$0x18ED0]  }
0x2db: {  	v36 =	vld [tilespmem:s31+$0xEEF0]  }
0x2dc: {  	[tilespmem:$0x1F860] =	vst v0;
	v0 =	vld [tilespmem:s31+$0x18EE0]  }
0x2dd: {  	v37 =	vld [tilespmem:s31+$0x18EF0]  }
0x2de: {  	v42 =	vld [tilespmem:s31+$0xEE90]  }
0x2df: {  	v43 =	vld [tilespmem:s31+$0x18E90]  }
0x2e0: {  	v40 =	vld [tilespmem:s31+$0xEEB0]  }
0x2e1: {  	[tilespmem:$0x1F870] =	vst v0;
	v0 =	vld [tilespmem:s31+$0xEEA0]  }
0x2e2: {  	v41 =	vld [tilespmem:s31+$0x18EB0]  }
0x2e3: {  	v44 =	vld [tilespmem:s31+$0xEE50]  }
0x2e4: {  	v45 =	vld [tilespmem:s31+$0x18E50]  }
0x2e5: {  	v46 =	vld [tilespmem:s31+$0xEE70]  }
0x2e6: {  	[tilespmem:$0x1F840] =	vst v0;
	v0 =	vld [tilespmem:s31+$0x18EA0]  }
0x2e7: {  	v47 =	vld [tilespmem:s31+$0x18E70]  }
0x2e8: {  	v48 =	vld [tilespmem:s31+$0xEE10]  }
0x2e9: {  	v49 =	vld [tilespmem:s31+$0x18E10]  }
0x2ea: {  	v50 =	vld [tilespmem:s31+$0xEE30]  }
0x2eb: {  	[tilespmem:$0x1F850] =	vst v0;
	v0 =	vld [tilespmem:s31+$0xEE60]  }
0x2ec: {  	v51 =	vld [tilespmem:s31+$0x18E30]  }
0x2ed: {  	v52 =	vld [tilespmem:s31+$0xEDD0]  }
0x2ee: {  	v53 =	vld [tilespmem:s31+$0x18DD0]  }
0x2ef: {  	v54 =	vld [tilespmem:s31+$0xEDF0]  }
0x2f0: {  	[tilespmem:$0x1F820] =	vst v0;
	v0 =	vld [tilespmem:s31+$0x18E60]  }
0x2f1: {  	v55 =	vld [tilespmem:s31+$0x18DF0]  }
0x2f2: {  	v56 =	vld [tilespmem:s31+$0xED90]  }
0x2f3: {  	v57 =	vld [tilespmem:s31+$0x18D90]  }
0x2f4: {  	v58 =	vld [tilespmem:s31+$0xEDB0]  }
0x2f5: {  	[tilespmem:$0x1F830] =	vst v0;
	v0 =	vld [tilespmem:s31+$0xEE20]  }
0x2f6: {  	v59 =	vld [tilespmem:s31+$0x18DB0]  }
0x2f7: {  	v60 =	vld [tilespmem:s31+$0xED50]  }
0x2f8: {  	v61 =	vld [tilespmem:s31+$0x18D50]  }
0x2f9: {  	v62 =	vld [tilespmem:s31+$0xED70]  }
0x2fa: {  	[tilespmem:$0x1F800] =	vst v0;
	v0 =	vld [tilespmem:s31+$0x18E20]  }
0x2fb: {  	v24 =	vld [tilespmem:s31+$0xED10]  }
0x2fc: {  	v23 =	vld [tilespmem:s31+$0x18D10]  }
0x2fd: {  	v22 =	vld [tilespmem:s31+$0xECD0]  }
0x2fe: {  	v20 =	vld [tilespmem:s31+$0xEC90]  }
0x2ff: {  	[tilespmem:$0x1F810] =	vst v0;
	v0 =	vld [tilespmem:s31+$0xEDE0]  }
0x300: {  	v19 =	vld [tilespmem:s31+$0x18C90]  }
0x301: {  	v18 =	vld [tilespmem:s31+$0xEC50]  }
0x302: {  	v17 =	vld [tilespmem:s31+$0x18C50]  }
0x303: {  	v16 =	vld [tilespmem:s31+$0xEC10]  }
0x304: {  	[tilespmem:$0x1F7E0] =	vst v0;
	v0 =	vld [tilespmem:s31+$0x18DE0]  }
0x305: {  	v15 =	vld [tilespmem:s31+$0x18C10]  }
0x306: {  	v14 =	vld [tilespmem:s31+$0xEBD0]  }
0x307: {  	v13 =	vld [tilespmem:s31+$0x18BD0]  }
0x308: {  	v12 =	vld [tilespmem:s31+$0xEB90]  }
0x309: {  	[tilespmem:$0x1F7F0] =	vst v0;
	v0 =	vld [tilespmem:s31+$0xEDA0]  }
0x30a: {  	v7 =	vld [tilespmem:s31+$0xEB50]  }
0x30b: {  	v5 =	vld [tilespmem:s31+$0xEB10]  }
0x30c: {  	v4 =	vld [tilespmem:s31+$0x18B10]  }
0x30d: {  	v3 =	vld [tilespmem:s31+$0x18B50]  }
0x30e: {  	[tilespmem:$0x1F7C0] =	vst v0;
	v0 =	vld [tilespmem:s31+$0x18DA0]  }
0x30f: {  	v11 =	vld [tilespmem:s31+$0x18B90]  }
0x310: {  	v6 =	vld [tilespmem:s31+$0xEB30]  }
0x311: {  	v1 =	vld [tilespmem:s31+$0xEB70];
	v5 =	vadd.f32 v7, v5  }
0x312: {  	v2 =	vld [tilespmem:s31+$0x18B30];
	v3 =	vadd.f32 v3, v4  }
0x313: {  	v5 =	vadd.f32 v12, v5;
	[tilespmem:$0x1F7D0] =	vst v0;
	v0 =	vld [tilespmem:s31+$0x18B70]  }
0x314: {  	v8 =	vld [tilespmem:s31+$0xEBB0];
	v3 =	vadd.f32 v11, v3  }
0x315: {  	v9 =	vld [tilespmem:s31+$0x18BB0];
	v5 =	vadd.f32 v14, v5  }
0x316: {  	v10 =	vld [tilespmem:s31+$0xEBF0];
	v3 =	vadd.f32 v13, v3  }
0x317: {  	v4 =	vld [tilespmem:s31+$0x18BF0];
	v1 =	vadd.f32 v1, v6;
	v5 =	vadd.f32 v16, v5  }
0x318: {  	v3 =	vadd.f32 v15, v3;
	v0 =	vadd.f32 v0, v2;
	v2 =	vld [tilespmem:s31+$0xEC30]  }
0x319: {  	v21 =	vld [tilespmem:s31+$0x18CD0];
	v1 =	vadd.f32 v8, v1;
	v5 =	vadd.f32 v18, v5  }
0x31a: {  	v7 =	vld [tilespmem:s31+$0xEC70];
	v3 =	vadd.f32 v17, v3;
	v0 =	vadd.f32 v9, v0  }
0x31b: {  	v6 =	vld [tilespmem:s31+$0x18C30];
	v1 =	vadd.f32 v10, v1;
	v5 =	vadd.f32 v20, v5  }
0x31c: {  	v3 =	vadd.f32 v19, v3;
	v0 =	vadd.f32 v4, v0;
	v4 =	vld [tilespmem:s31+$0xECB0]  }
0x31d: {  	v8 =	vld [tilespmem:s31+$0x18C70];
	v5 =	vadd.f32 v22, v5;
	v1 =	vadd.f32 v2, v1  }
0x31e: {  	v3 =	vadd.f32 v21, v3;
	v2 =	vld [tilespmem:s31+$0xECF0]  }
0x31f: {  	v5 =	vadd.f32 v24, v5;
	v9 =	vld [tilespmem:s31+$0x18CB0];
	v1 =	vadd.f32 v7, v1  }
0x320: {  	v3 =	vadd.f32 v23, v3;
	v0 =	vadd.f32 v6, v0;
	v7 =	vld [tilespmem:s31+$0xED30]  }
0x321: {  	v5 =	vadd.f32 v60, v5;
	v6 =	vld [tilespmem:s31+$0x18CF0];
	v1 =	vadd.f32 v4, v1  }
0x322: {  	v63 =	vld [tilespmem:s31+$0x18D70];
	v3 =	vadd.f32 v61, v3;
	v0 =	vadd.f32 v8, v0  }
0x323: {  	v5 =	vadd.f32 v56, v5;
	v8 =	vld [tilespmem:s31+$0x18D30];
	v1 =	vadd.f32 v2, v1  }
0x324: {  	v11 =	vld [tilespmem:s31+$0x18CA0];
	v3 =	vadd.f32 v57, v3;
	v0 =	vadd.f32 v9, v0  }
0x325: {  	v20 =	vld [tilespmem:s31+$0xEB20];
	v5 =	vadd.f32 v52, v5;
	v1 =	vadd.f32 v7, v1  }
0x326: {  	v3 =	vadd.f32 v53, v3;
	v53 =	vld [tilespmem:s31+$0xEB60];
	v0 =	vadd.f32 v6, v0  }
0x327: {  	v12 =	vld [tilespmem:s31+$0xEC60];
	v5 =	vadd.f32 v48, v5;
	v1 =	vadd.f32 v62, v1  }
0x328: {  	v10 =	vld [tilespmem:s31+$0xECA0];
	v3 =	vadd.f32 v49, v3;
	v0 =	vadd.f32 v8, v0  }
0x329: {  	v18 =	vld [tilespmem:s31+$0xEBA0];
	v5 =	vadd.f32 v44, v5;
	v1 =	vadd.f32 v58, v1  }
0x32a: {  	v13 =	vld [tilespmem:s31+$0x18C60];
	v3 =	vadd.f32 v45, v3;
	v0 =	vadd.f32 v63, v0  }
0x32b: {  	v14 =	vld [tilespmem:s31+$0xEC20];
	v20 =	vadd.f32 v53, v20;
	v1 =	vadd.f32 v54, v1  }
0x32c: {  	v16 =	vld [tilespmem:s31+$0xEBE0];
	v5 =	vadd.f32 v42, v5;
	v0 =	vadd.f32 v59, v0  }
0x32d: {  	v15 =	vld [tilespmem:s31+$0x18C20];
	v3 =	vadd.f32 v43, v3;
	v1 =	vadd.f32 v50, v1  }
0x32e: {  	v17 =	vld [tilespmem:s31+$0x18BE0];
	v18 =	vadd.f32 v18, v20;
	v0 =	vadd.f32 v55, v0  }
0x32f: {  	v19 =	vld [tilespmem:s31+$0x18BA0];
	v5 =	vadd.f32 v38, v5;
	v1 =	vadd.f32 v46, v1  }
0x330: {  	v24 =	vld [tilespmem:s31+$0xEB40];
	v3 =	vadd.f32 v39, v3;
	v0 =	vadd.f32 v51, v0  }
0x331: {  	v57 =	vld [tilespmem:s31+$0x18C00];
	v16 =	vadd.f32 v16, v18;
	v1 =	vadd.f32 v40, v1  }
0x332: {  	v20 =	vld [tilespmem:s31+$0x18C40];
	v5 =	vadd.f32 v34, v5;
	v0 =	vadd.f32 v47, v0  }
0x333: {  	v18 =	vld [tilespmem:s31+$0x18C80];
	v3 =	vadd.f32 v35, v3;
	v1 =	vadd.f32 v36, v1  }
0x334: {  	v14 =	vadd.f32 v14, v16;
	v16 =	vld [tilespmem:s31+$0x18CC0];
	v0 =	vadd.f32 v41, v0  }
0x335: {  	v3 =	vadd.f32 v27, v3;
	v27 =	vld [tilespmem:s31+$0x18B80];
	v1 =	vadd.f32 v26, v1  }
0x336: {  	v5 =	vadd.f32 v28, v5;
	v28 =	vld [tilespmem:s31+$0xEBC0];
	v0 =	vadd.f32 v37, v0  }
0x337: {  	v1 =	vadd.f32 v30, v1;
	v30 =	vld [tilespmem:$0x1F780]  }
0x338: {  	v54 =	vld [tilespmem:s31+$0x18B20];
	v0 =	vadd.f32 v25, v0  }
0x339: {  	v55 =	vld [tilespmem:s31+$0x18B60]  }
0x33a: {  	v5 =	vadd.f32 v32, v5;
	v0 =	vadd.f32 v29, v0;
	v29 =	vld [tilespmem:$0x1F770]  }
0x33b: {  	v26 =	vld [tilespmem:s31+$0x18B40]  }
0x33c: {  	v5 =	vadd.f32 v30, v5;
	v30 =	vld [tilespmem:$0x1F790]  }
0x33d: {  	v25 =	vld [tilespmem:s31+$0xEB80]  }
0x33e: {  	v12 =	vadd.f32 v12, v14;
	v14 =	vld [tilespmem:s31+$0x18D00]  }
0x33f: {  	v3 =	vadd.f32 v33, v3;
	v1 =	vadd.f32 v29, v1;
	v29 =	vld [tilespmem:s31+$0x18BC0]  }
0x340: {  	v10 =	vadd.f32 v10, v12;
	v12 =	vld [tilespmem:s31+$0x18D40]  }
0x341: {  	v56 =	vadd.f32 v55, v54;
	v3 =	vadd.f32 v30, v3;
	v30 =	vld [tilespmem:s31+$0xEC00]  }
0x342: {  	v4 =	vld [tilespmem:s31+$0xED60];
	v58 =	vadd.f32 v25, v24;
	v24 =	vadd.f32 v27, v26  }
0x343: {  	v19 =	vadd.f32 v19, v56;
	v25 =	vld [tilespmem:s31+$0xEC40]  }
0x344: {  	v2 =	vld [tilespmem:s31+$0xED20];
	v59 =	vadd.f32 v28, v58;
	v60 =	vadd.f32 v29, v24  }
0x345: {  	v17 =	vadd.f32 v17, v19;
	v24 =	vld [tilespmem:s31+$0xEC80]  }
0x346: {  	v7 =	vld [tilespmem:s31+$0xECE0];
	v61 =	vadd.f32 v57, v60;
	v19 =	vadd.f32 v30, v59  }
0x347: {  	v62 =	vld [tilespmem:s31+$0xECC0];
	v15 =	vadd.f32 v15, v17  }
0x348: {  	v8 =	vld [tilespmem:s31+$0x18CE0];
	v17 =	vadd.f32 v25, v19;
	v19 =	vadd.f32 v20, v61  }
0x349: {  	v13 =	vadd.f32 v13, v15;
	v20 =	vld [tilespmem:s31+$0xED00]  }
0x34a: {  	v6 =	vld [tilespmem:s31+$0x18D20];
	v15 =	vadd.f32 v24, v17;
	v17 =	vadd.f32 v18, v19  }
0x34b: {  	v11 =	vadd.f32 v11, v13;
	v18 =	vld [tilespmem:s31+$0xED40]  }
0x34c: {  	v9 =	vld [tilespmem:s31+$0x18D60];
	v13 =	vadd.f32 v62, v15;
	v15 =	vadd.f32 v16, v17  }
0x34d: {  	v7 =	vadd.f32 v7, v10;
	v10 =	vld [tilespmem:s31+$0x18D80];
	v8 =	vadd.f32 v8, v11  }
0x34e: {  	v11 =	vadd.f32 v20, v13;
	v13 =	vadd.f32 v14, v15  }
0x34f: {  	v2 =	vadd.f32 v2, v7;
	v6 =	vadd.f32 v6, v8  }
0x350: {  	v8 =	vadd.f32 v18, v11;
	v11 =	vadd.f32 v12, v13  }
0x351: {  	v2 =	vadd.f32 v4, v2  }
0x352: {  	v4 =	vadd.f32 v9, v6;
	v9 =	vadd.f32 v10, v11;
	v11 =	vld [tilespmem:$0x1F7C0]  }
0x353: {  	v7 =	vld [tilespmem:s31+$0x18DC0]  }
0x354: {  	v13 =	vld [tilespmem:$0x1F7E0]  }
0x355: {  	v6 =	vld [tilespmem:s31+$0x18E00]  }
0x356: {  	v16 =	vld [tilespmem:s31+$0xED80]  }
0x357: {  	v2 =	vadd.f32 v11, v2;
	v11 =	vld [tilespmem:$0x1F7D0]  }
0x358: {  	v14 =	vld [tilespmem:s31+$0xEDC0]  }
0x359: {  	v2 =	vadd.f32 v13, v2;
	v13 =	vld [tilespmem:$0x1F7F0]  }
0x35a: {  	v12 =	vld [tilespmem:s31+$0xEE00]  }
0x35b: {  	v8 =	vadd.f32 v16, v8  }
0x35c: {  	v4 =	vadd.f32 v11, v4;
	v11 =	vld [tilespmem:s31+$0x18E40]  }
0x35d: {  	v8 =	vadd.f32 v14, v8;
	v7 =	vadd.f32 v7, v9  }
0x35e: {  	v4 =	vadd.f32 v13, v4;
	v13 =	vld [tilespmem:s31+$0x18E80]  }
0x35f: {  	v8 =	vadd.f32 v12, v8;
	v6 =	vadd.f32 v6, v7;
	v12 =	vld [tilespmem:$0x1F800];
	_ =	sdelay $0x1  }
0x360: {  	v6 =	vadd.f32 v11, v6;
	v11 =	vld [tilespmem:$0x1F820]  }
0x361: {  	v10 =	vld [tilespmem:s31+$0xEE40]  }
0x362: {  	v6 =	vadd.f32 v13, v6;
	v13 =	vld [tilespmem:$0x1F840]  }
0x363: {  	v2 =	vadd.f32 v12, v2;
	v12 =	vld [tilespmem:$0x1F810]  }
0x364: {  	v9 =	vld [tilespmem:s31+$0xEE80]  }
0x365: {  	v2 =	vadd.f32 v11, v2;
	v11 =	vld [tilespmem:$0x1F830]  }
0x366: {  	v7 =	vld [tilespmem:s31+$0xEEC0]  }
0x367: {  	v2 =	vadd.f32 v13, v2;
	v13 =	vld [tilespmem:$0x1F850]  }
0x368: {  	v4 =	vadd.f32 v12, v4;
	v12 =	vld [tilespmem:s31+$0x18EC0]  }
0x369: {  	v8 =	vadd.f32 v10, v8;
	v10 =	vld [tilespmem:s31+$0xEF00]  }
0x36a: {  	v4 =	vadd.f32 v11, v4;
	v11 =	vld [tilespmem:s31+$0x18F00]  }
0x36b: {  	v8 =	vadd.f32 v9, v8;
	v9 =	vld [tilespmem:s31+$0xEF40]  }
0x36c: {  	v4 =	vadd.f32 v13, v4;
	v13 =	vld [tilespmem:s31+$0x18F40]  }
0x36d: {  	v7 =	vadd.f32 v7, v8;
	v6 =	vadd.f32 v12, v6;
	v12 =	vld [tilespmem:$0x1F860]  }
0x36e: {  	v8 =	vld [tilespmem:s31+$0xEF80]  }
0x36f: {  	v7 =	vadd.f32 v10, v7;
	v6 =	vadd.f32 v11, v6;
	v11 =	vld [tilespmem:$0x1F880]  }
0x370: {  	v31 =	vld [tilespmem:s31+$0x18FB0]  }
0x371: {  	v7 =	vadd.f32 v9, v7;
	v6 =	vadd.f32 v13, v6;
	v13 =	vld [tilespmem:$0x1F8A0]  }
0x372: {  	v2 =	vadd.f32 v12, v2;
	v12 =	vld [tilespmem:$0x1F870]  }
0x373: {  	v7 =	vadd.f32 v8, v7;
	v8 =	vld [tilespmem:$0x1F8C0]  }
0x374: {  	v2 =	vadd.f32 v11, v2;
	v11 =	vld [tilespmem:$0x1F890]  }
0x375: {  	v0 =	vadd.f32 v31, v0;
	v31 =	vld [tilespmem:$0x1F7A0]  }
0x376: {  	v2 =	vadd.f32 v13, v2;
	v13 =	vld [tilespmem:$0x1F8B0]  }
0x377: {  	v4 =	vadd.f32 v12, v4  }
0x378: {  	v2 =	vadd.f32 v8, v2;
	v8 =	vld [tilespmem:$0x1F8D0]  }
0x379: {  	v4 =	vadd.f32 v11, v4;
	_ =	sdelay $0x1  }
0x37a: {  	v1 =	vadd.f32 v31, v1;
	v31 =	vld [tilespmem:$0x1F7B0];
	v4 =	vadd.f32 v13, v4  }
0x37b: {  	v10 =	vld [tilespmem:s31+$0xEFC0]  }
0x37c: {  	v4 =	vadd.f32 v8, v4;
	v8 =	vld [tilespmem:$0x1F8E0]  }
0x37d: {  	v12 =	vld [tilespmem:s31+$0x18F80]  }
0x37e: {  	v9 =	vld [tilespmem:s31+$0xF000]  }
0x37f: {  	v11 =	vld [tilespmem:s31+$0x18FC0]  }
0x380: {  	v13 =	vld [tilespmem:s31+$0x19000]  }
0x381: {  	v2 =	vadd.f32 v8, v2;
	v8 =	vld [tilespmem:$0x1F8F0]  }
0x382: {  	v6 =	vadd.f32 v12, v6  }
0x383: {  	v7 =	vadd.f32 v10, v7  }
0x384: {  	v6 =	vadd.f32 v11, v6  }
0x385: {  	v0 =	vadd.f32 v31, v0;
	v7 =	vadd.f32 v9, v7  }
0x386: {  	v6 =	vadd.f32 v13, v6;
	v4 =	vadd.f32 v8, v4  }
0x387: {  	v3 =	vmul.f32 v3, v5;
	v0 =	vmul.f32 v0, v1  }
0x388: {  	v1 =	vmul.f32 v4, v2;
	v2 =	vmul.f32 v6, v7;
	_ =	sdelay $0x1  }
0x389: {  	v0 =	vadd.f32 v0, v3;
	v1 =	vadd.f32 v2, v1;
	_ =	sdelay $0x1  }
0x38a: {  	v0 =	vadd.f32 v1, v0  }
0x38b: {  	s22 =	simm.s32 $0x1E000  }
0x38c: {  	s23 =	simm.s32 $0x9F0;
	[tilespmem:s22+$0x0] =	vst v0  }
0x38d: {  	v0 =	vld [tilespmem:s23+$0xEF50];
	_ =	sdelay $0x4  }
0x38e: {  	[tilespmem:$0x1FA50] =	vst v0;
	v0 =	vld [tilespmem:s23+$0x18F50];
	_ =	sdelay $0x4  }
0x38f: {  	[tilespmem:$0x1FA60] =	vst v0;
	v0 =	vld [tilespmem:s23+$0xEF70];
	_ =	sdelay $0x4  }
0x390: {  	[tilespmem:$0x1FA70] =	vst v0;
	v0 =	vld [tilespmem:s23+$0x18F70];
	_ =	sdelay $0x4  }
0x391: {  	[tilespmem:$0x1FA80] =	vst v0;
	v0 =	vld [tilespmem:s23+$0xEF10];
	_ =	sdelay $0x4  }
0x392: {  	[tilespmem:$0x1FA10] =	vst v0;
	v0 =	vld [tilespmem:s23+$0x18F10];
	_ =	sdelay $0x4  }
0x393: {  	[tilespmem:$0x1FA20] =	vst v0;
	v0 =	vld [tilespmem:s23+$0xEF30];
	_ =	sdelay $0x4  }
0x394: {  	[tilespmem:$0x1FA30] =	vst v0;
	v0 =	vld [tilespmem:s23+$0x18F30];
	_ =	sdelay $0x4  }
0x395: {  	[tilespmem:$0x1FA40] =	vst v0;
	v0 =	vld [tilespmem:s23+$0xEED0];
	_ =	sdelay $0x4  }
0x396: {  	[tilespmem:$0x1F9D0] =	vst v0;
	v0 =	vld [tilespmem:s23+$0x18ED0];
	_ =	sdelay $0x4  }
0x397: {  	[tilespmem:$0x1F9E0] =	vst v0;
	v0 =	vld [tilespmem:s23+$0xEEF0];
	_ =	sdelay $0x4  }
0x398: {  	[tilespmem:$0x1F9F0] =	vst v0;
	v0 =	vld [tilespmem:s23+$0x18EF0];
	_ =	sdelay $0x4  }
0x399: {  	[tilespmem:$0x1FA00] =	vst v0;
	v0 =	vld [tilespmem:s23+$0xEE90];
	_ =	sdelay $0x4  }
0x39a: {  	[tilespmem:$0x1F990] =	vst v0;
	v0 =	vld [tilespmem:s23+$0x18E90];
	_ =	sdelay $0x4  }
0x39b: {  	[tilespmem:$0x1F9A0] =	vst v0;
	v0 =	vld [tilespmem:s23+$0xEEB0];
	_ =	sdelay $0x4  }
0x39c: {  	[tilespmem:$0x1F9B0] =	vst v0;
	v0 =	vld [tilespmem:s23+$0x18EB0];
	_ =	sdelay $0x4  }
0x39d: {  	[tilespmem:$0x1F9C0] =	vst v0;
	v0 =	vld [tilespmem:s23+$0xEE50];
	_ =	sdelay $0x4  }
0x39e: {  	[tilespmem:$0x1F950] =	vst v0;
	v0 =	vld [tilespmem:s23+$0x18E50];
	_ =	sdelay $0x4  }
0x39f: {  	[tilespmem:$0x1F960] =	vst v0;
	v0 =	vld [tilespmem:s23+$0xEE70];
	_ =	sdelay $0x4  }
0x3a0: {  	[tilespmem:$0x1F970] =	vst v0;
	v0 =	vld [tilespmem:s23+$0x18E70];
	_ =	sdelay $0x4  }
0x3a1: {  	[tilespmem:$0x1F980] =	vst v0;
	v0 =	vld [tilespmem:s23+$0xEE30];
	_ =	sdelay $0x1  }
0x3a2: {  	v32 =	vld [tilespmem:s23+$0xEDF0]  }
0x3a3: {  	v21 =	vld [tilespmem:s23+$0xED90]  }
0x3a4: {  	v36 =	vld [tilespmem:s23+$0xEDB0]  }
0x3a5: {  	[tilespmem:$0x1F940] =	vst v0;
	v0 =	vld [tilespmem:s23+$0xEDE0]  }
0x3a6: {  	v63 =	vld [tilespmem:s23+$0xED70]  }
0x3a7: {  	v51 =	vld [tilespmem:s23+$0xED10]  }
0x3a8: {  	v45 =	vld [tilespmem:s23+$0xECD0]  }
0x3a9: {  	v44 =	vld [tilespmem:s23+$0xEC90]  }
0x3aa: {  	[tilespmem:$0x1F900] =	vst v0;
	v0 =	vld [tilespmem:s23+$0x18DE0]  }
0x3ab: {  	v18 =	vld [tilespmem:s23+$0xEC50]  }
0x3ac: {  	v16 =	vld [tilespmem:s23+$0xEC10]  }
0x3ad: {  	v15 =	vld [tilespmem:s23+$0x18C10]  }
0x3ae: {  	v14 =	vld [tilespmem:s23+$0xEBD0]  }
0x3af: {  	[tilespmem:$0x1F910] =	vst v0;
	v0 =	vld [tilespmem:s23+$0xEDA0]  }
0x3b0: {  	v12 =	vld [tilespmem:s23+$0xEB90]  }
0x3b1: {  	v7 =	vld [tilespmem:s23+$0xEB50]  }
0x3b2: {  	v5 =	vld [tilespmem:s23+$0xEB10]  }
0x3b3: {  	v4 =	vld [tilespmem:s23+$0x18B10]  }
0x3b4: {  	[tilespmem:$0x1F920] =	vst v0;
	v0 =	vld [tilespmem:s23+$0x18DA0]  }
0x3b5: {  	v3 =	vld [tilespmem:s23+$0x18B50]  }
0x3b6: {  	v6 =	vld [tilespmem:s23+$0xEB30]  }
0x3b7: {  	v1 =	vld [tilespmem:s23+$0xEB70]  }
0x3b8: {  	v2 =	vld [tilespmem:s23+$0x18B30]  }
0x3b9: {  	[tilespmem:$0x1F930] =	vst v0;
	v0 =	vld [tilespmem:s23+$0x18B70]  }
0x3ba: {  	v8 =	vld [tilespmem:s23+$0xEBB0]  }
0x3bb: {  	v9 =	vld [tilespmem:s23+$0x18BB0]  }
0x3bc: {  	v10 =	vld [tilespmem:s23+$0xEBF0]  }
0x3bd: {  	v3 =	vadd.f32 v3, v4;
	v4 =	vld [tilespmem:s23+$0x18BF0];
	v1 =	vadd.f32 v1, v6  }
0x3be: {  	v0 =	vadd.f32 v0, v2;
	v2 =	vld [tilespmem:s23+$0xEC30]  }
0x3bf: {  	v13 =	vld [tilespmem:s23+$0x18BD0];
	v1 =	vadd.f32 v8, v1  }
0x3c0: {  	v5 =	vadd.f32 v7, v5;
	v7 =	vld [tilespmem:s23+$0xEC70];
	v0 =	vadd.f32 v9, v0  }
0x3c1: {  	v11 =	vld [tilespmem:s23+$0x18B90];
	v1 =	vadd.f32 v10, v1  }
0x3c2: {  	v5 =	vadd.f32 v12, v5;
	v0 =	vadd.f32 v4, v0;
	v4 =	vld [tilespmem:s23+$0xECB0]  }
0x3c3: {  	v6 =	vld [tilespmem:s23+$0x18C30];
	v1 =	vadd.f32 v2, v1  }
0x3c4: {  	v5 =	vadd.f32 v14, v5;
	v2 =	vld [tilespmem:s23+$0xECF0]  }
0x3c5: {  	v8 =	vld [tilespmem:s23+$0x18C70];
	v1 =	vadd.f32 v7, v1  }
0x3c6: {  	v5 =	vadd.f32 v16, v5;
	v7 =	vld [tilespmem:s23+$0xED30]  }
0x3c7: {  	v3 =	vadd.f32 v11, v3;
	v9 =	vld [tilespmem:s23+$0x18CB0];
	v1 =	vadd.f32 v4, v1  }
0x3c8: {  	v17 =	vld [tilespmem:s23+$0x18C50];
	v5 =	vadd.f32 v18, v5;
	v0 =	vadd.f32 v6, v0  }
0x3c9: {  	v3 =	vadd.f32 v13, v3;
	v6 =	vld [tilespmem:s23+$0x18CF0];
	v1 =	vadd.f32 v2, v1  }
0x3ca: {  	v19 =	vld [tilespmem:s23+$0x18C90];
	v5 =	vadd.f32 v44, v5;
	v0 =	vadd.f32 v8, v0  }
0x3cb: {  	v46 =	vld [tilespmem:s23+$0xED50];
	v3 =	vadd.f32 v15, v3;
	v1 =	vadd.f32 v7, v1  }
0x3cc: {  	v50 =	vld [tilespmem:s23+$0x18CD0];
	v4 =	vadd.f32 v45, v5;
	v0 =	vadd.f32 v9, v0  }
0x3cd: {  	v56 =	vld [tilespmem:s23+$0x18D10];
	v3 =	vadd.f32 v17, v3;
	v1 =	vadd.f32 v63, v1  }
0x3ce: {  	v2 =	vadd.f32 v51, v4;
	v0 =	vadd.f32 v6, v0;
	v6 =	vld [tilespmem:$0x1F940]  }
0x3cf: {  	v23 =	vld [tilespmem:s23+$0xEDD0];
	v3 =	vadd.f32 v19, v3;
	v1 =	vadd.f32 v36, v1  }
0x3d0: {  	v57 =	vld [tilespmem:s23+$0x18D50];
	v2 =	vadd.f32 v46, v2  }
0x3d1: {  	v24 =	vld [tilespmem:s23+$0xEE10];
	v3 =	vadd.f32 v50, v3;
	v1 =	vadd.f32 v32, v1  }
0x3d2: {  	v20 =	vld [tilespmem:s23+$0x18D90];
	v2 =	vadd.f32 v21, v2  }
0x3d3: {  	v3 =	vadd.f32 v56, v3;
	v1 =	vadd.f32 v6, v1;
	v6 =	vld [tilespmem:$0x1F950]  }
0x3d4: {  	v22 =	vld [tilespmem:s23+$0x18DD0];
	v2 =	vadd.f32 v23, v2  }
0x3d5: {  	v4 =	vadd.f32 v57, v3  }
0x3d6: {  	v25 =	vld [tilespmem:s23+$0x18E10];
	v2 =	vadd.f32 v24, v2  }
0x3d7: {  	v8 =	vld [tilespmem:s23+$0x18D30];
	v5 =	vadd.f32 v20, v4  }
0x3d8: {  	v2 =	vadd.f32 v6, v2;
	v6 =	vld [tilespmem:$0x1F960]  }
0x3d9: {  	v5 =	vadd.f32 v22, v5  }
0x3da: {  	v47 =	vld [tilespmem:s23+$0x18D70]  }
0x3db: {  	v5 =	vadd.f32 v25, v5  }
0x3dc: {  	v62 =	vld [tilespmem:s23+$0x18DB0]  }
0x3dd: {  	v0 =	vadd.f32 v8, v0;
	v5 =	vadd.f32 v6, v5;
	v6 =	vld [tilespmem:$0x1F970]  }
0x3de: {  	v33 =	vld [tilespmem:s23+$0x18DF0]  }
0x3df: {  	v7 =	vld [tilespmem:$0x1F9B0];
	v0 =	vadd.f32 v47, v0  }
0x3e0: {  	v30 =	vld [tilespmem:s23+$0x18E30]  }
0x3e1: {  	v0 =	vadd.f32 v62, v0  }
0x3e2: {  	v1 =	vadd.f32 v6, v1;
	v6 =	vld [tilespmem:$0x1F980]  }
0x3e3: {  	v0 =	vadd.f32 v33, v0  }
0x3e4: {  	v1 =	vadd.f32 v7, v1;
	v7 =	vld [tilespmem:$0x1F9C0]  }
0x3e5: {  	v0 =	vadd.f32 v30, v0;
	_ =	sdelay $0x1  }
0x3e6: {  	v0 =	vadd.f32 v6, v0;
	v6 =	vld [tilespmem:$0x1F990];
	_ =	sdelay $0x1  }
0x3e7: {  	v0 =	vadd.f32 v7, v0;
	v7 =	vld [tilespmem:$0x1F9D0];
	_ =	sdelay $0x1  }
0x3e8: {  	v59 =	vld [tilespmem:s23+$0xEFD0]  }
0x3e9: {  	v2 =	vadd.f32 v6, v2;
	v6 =	vld [tilespmem:$0x1F9A0]  }
0x3ea: {  	v61 =	vld [tilespmem:s23+$0x18FD0]  }
0x3eb: {  	v2 =	vadd.f32 v7, v2;
	v7 =	vld [tilespmem:$0x1F9E0]  }
0x3ec: {  	v58 =	vld [tilespmem:s23+$0xEFF0]  }
0x3ed: {  	v60 =	vld [tilespmem:s23+$0x18FF0]  }
0x3ee: {  	v26 =	vld [tilespmem:s23+$0xEFE0];
	v5 =	vadd.f32 v6, v5  }
0x3ef: {  	v27 =	vld [tilespmem:s23+$0x18FE0]  }
0x3f0: {  	v5 =	vadd.f32 v7, v5;
	v7 =	vld [tilespmem:$0x1F9F0]  }
0x3f1: {  	v39 =	vld [tilespmem:s23+$0xEF90]  }
0x3f2: {  	v41 =	vld [tilespmem:s23+$0x18F90]  }
0x3f3: {  	v38 =	vld [tilespmem:s23+$0xEFB0]  }
0x3f4: {  	v40 =	vld [tilespmem:s23+$0x18FB0]  }
0x3f5: {  	v1 =	vadd.f32 v7, v1;
	v7 =	vld [tilespmem:$0x1FA00]  }
0x3f6: {  	v28 =	vld [tilespmem:s23+$0xEFA0]  }
0x3f7: {  	v29 =	vld [tilespmem:s23+$0x18FA0]  }
0x3f8: {  	v31 =	vld [tilespmem:s23+$0xEF60]  }
0x3f9: {  	v34 =	vld [tilespmem:s23+$0x18F60]  }
0x3fa: {  	v0 =	vadd.f32 v7, v0;
	v7 =	vld [tilespmem:$0x1FA10]  }
0x3fb: {  	v35 =	vld [tilespmem:s23+$0xEF20]  }
0x3fc: {  	v37 =	vld [tilespmem:s23+$0x18F20]  }
0x3fd: {  	v48 =	vld [tilespmem:s23+$0xEEE0]  }
0x3fe: {  	v49 =	vld [tilespmem:s23+$0x18EE0]  }
0x3ff: {  	v2 =	vadd.f32 v7, v2;
	v7 =	vld [tilespmem:$0x1FA20]  }
0x400: {  	v52 =	vld [tilespmem:s23+$0xEEA0]  }
0x401: {  	v53 =	vld [tilespmem:s23+$0x18EA0]  }
0x402: {  	v42 =	vld [tilespmem:s23+$0xEE60]  }
0x403: {  	v43 =	vld [tilespmem:s23+$0x18E60]  }
0x404: {  	v5 =	vadd.f32 v7, v5;
	v7 =	vld [tilespmem:$0x1FA30]  }
0x405: {  	v54 =	vld [tilespmem:s23+$0xEE20]  }
0x406: {  	v55 =	vld [tilespmem:s23+$0x18E20]  }
0x407: {  	v11 =	vld [tilespmem:s23+$0x18BE0]  }
0x408: {  	v12 =	vld [tilespmem:s23+$0xEBA0]  }
0x409: {  	v1 =	vadd.f32 v7, v1;
	v7 =	vld [tilespmem:$0x1FA40]  }
0x40a: {  	v14 =	vld [tilespmem:s23+$0xEC20]  }
0x40b: {  	v10 =	vld [tilespmem:s23+$0xEBE0]  }
0x40c: {  	v13 =	vld [tilespmem:s23+$0x18B20]  }
0x40d: {  	v15 =	vld [tilespmem:s23+$0x18C20]  }
0x40e: {  	v63 =	vadd.f32 v7, v0;
	v0 =	vld [tilespmem:$0x1FA50]  }
0x40f: {  	v16 =	vld [tilespmem:s23+$0xEB60]  }
0x410: {  	v18 =	vld [tilespmem:s23+$0xEB20]  }
0x411: {  	v17 =	vld [tilespmem:s23+$0x18B60]  }
0x412: {  	v44 =	vld [tilespmem:s23+$0xED60]  }
0x413: {  	v2 =	vadd.f32 v0, v2;
	v0 =	vld [tilespmem:$0x1FA60]  }
0x414: {  	v19 =	vld [tilespmem:s23+$0xEB80]  }
0x415: {  	v50 =	vld [tilespmem:s23+$0xED20]  }
0x416: {  	v56 =	vld [tilespmem:s23+$0xECE0]  }
0x417: {  	v45 =	vld [tilespmem:s23+$0x18D60]  }
0x418: {  	v5 =	vadd.f32 v0, v5;
	v0 =	vld [tilespmem:$0x1FA70]  }
0x419: {  	v9 =	vld [tilespmem:s23+$0x18C60]  }
0x41a: {  	v51 =	vld [tilespmem:s23+$0x18D20]  }
0x41b: {  	v57 =	vld [tilespmem:s23+$0x18CE0]  }
0x41c: {  	v3 =	vld [tilespmem:s23+$0xECA0]  }
0x41d: {  	v0 =	vadd.f32 v0, v1;
	v1 =	vld [tilespmem:$0x1FA80]  }
0x41e: {  	v4 =	vld [tilespmem:s23+$0x18CA0]  }
0x41f: {  	v46 =	vld [tilespmem:s23+$0x18B40]  }
0x420: {  	v8 =	vld [tilespmem:s23+$0xEC60]  }
0x421: {  	v6 =	vld [tilespmem:s23+$0x18BA0]  }
0x422: {  	s24 =	simm.s32 $0x3BC0;
	v7 =	vld [tilespmem:s23+$0xEB40];
	v1 =	vadd.f32 v1, v63  }
.LBB2_5:
0x423: {  	v47 =	vld [tilespmem:s23+$0x18B80]  }
0x424: {  	v23 =	vld [tilespmem:s23+$0xEBC0]  }
0x425: {  	v36 =	vld [tilespmem:s23+$0x18BC0]  }
0x426: {  	v33 =	vld [tilespmem:s23+$0xEC00]  }
0x427: {  	v16 =	vadd.f32 v16, v18;
	v13 =	vadd.f32 v17, v13;
	v17 =	vld [tilespmem:s23+$0x18C00]  }
0x428: {  	v7 =	vadd.f32 v19, v7;
	v18 =	vadd.f32 v47, v46  }
0x429: {  	v12 =	vadd.f32 v12, v16;
	v6 =	vadd.f32 v6, v13;
	v13 =	vld [tilespmem:s23+$0x18C40]  }
0x42a: {  	v19 =	vld [tilespmem:s23+$0xEC40];
	v7 =	vadd.f32 v23, v7;
	v16 =	vadd.f32 v36, v18  }
0x42b: {  	v10 =	vadd.f32 v10, v12;
	v6 =	vadd.f32 v11, v6;
	v11 =	vld [tilespmem:s23+$0x18C80]  }
0x42c: {  	v18 =	vld [tilespmem:s23+$0xEC80];
	v7 =	vadd.f32 v33, v7;
	v12 =	vadd.f32 v17, v16  }
0x42d: {  	v10 =	vadd.f32 v14, v10;
	v6 =	vadd.f32 v15, v6;
	v14 =	vld [tilespmem:s23+$0x18CC0]  }
0x42e: {  	v16 =	vld [tilespmem:s23+$0xECC0];
	v12 =	vadd.f32 v13, v12  }
0x42f: {  	v7 =	vadd.f32 v19, v7;
	v6 =	vadd.f32 v9, v6;
	v9 =	vld [tilespmem:s23+$0x18D00]  }
0x430: {  	v13 =	vld [tilespmem:s23+$0xED00];
	v8 =	vadd.f32 v8, v10;
	v10 =	vadd.f32 v11, v12  }
0x431: {  	v7 =	vadd.f32 v18, v7;
	v4 =	vadd.f32 v4, v6;
	v6 =	vld [tilespmem:s23+$0x18D40]  }
0x432: {  	v3 =	vadd.f32 v3, v8;
	v8 =	vadd.f32 v14, v10  }
0x433: {  	v12 =	vld [tilespmem:s23+$0x18D80];
	v7 =	vadd.f32 v16, v7  }
0x434: {  	v8 =	vadd.f32 v9, v8  }
0x435: {  	v7 =	vadd.f32 v13, v7;
	v13 =	vld [tilespmem:s23+$0x18DC0]  }
0x436: {  	v6 =	vadd.f32 v6, v8  }
0x437: {  	v3 =	vadd.f32 v56, v3  }
0x438: {  	v6 =	vadd.f32 v12, v6;
	v12 =	vld [tilespmem:$0x1F920]  }
0x439: {  	v11 =	vld [tilespmem:s23+$0xED40];
	v3 =	vadd.f32 v50, v3  }
0x43a: {  	v6 =	vadd.f32 v13, v6;
	v13 =	vld [tilespmem:$0x1F900]  }
0x43b: {  	v10 =	vld [tilespmem:s23+$0xED80];
	v3 =	vadd.f32 v44, v3  }
0x43c: {  	v2 =	vadd.f32 v39, v2;
	v4 =	vadd.f32 v57, v4;
	v9 =	vld [tilespmem:s23+$0xEDC0]  }
0x43d: {  	v5 =	vadd.f32 v41, v5;
	v3 =	vadd.f32 v12, v3;
	v12 =	vld [tilespmem:$0x1F930]  }
0x43e: {  	v4 =	vadd.f32 v51, v4;
	v7 =	vadd.f32 v11, v7;
	v8 =	vld [tilespmem:s23+$0xEE00]  }
0x43f: {  	v40 =	vadd.f32 v40, v1;
	v3 =	vadd.f32 v13, v3;
	v13 =	vld [tilespmem:$0x1F910]  }
0x440: {  	v11 =	vld [tilespmem:s23+$0x18E00];
	v4 =	vadd.f32 v45, v4;
	v7 =	vadd.f32 v10, v7  }
0x441: {  	v38 =	vadd.f32 v38, v0;
	v0 =	vadd.f32 v59, v2;
	v10 =	vld [tilespmem:s23+$0xEE40]  }
0x442: {  	v7 =	vadd.f32 v9, v7;
	v4 =	vadd.f32 v12, v4;
	v12 =	vld [tilespmem:s23+$0x18E40]  }
0x443: {  	v1 =	vadd.f32 v61, v5;
	v5 =	vadd.f32 v60, v40;
	v9 =	vld [tilespmem:s23+$0xEE80]  }
0x444: {  	v7 =	vadd.f32 v8, v7;
	v4 =	vadd.f32 v13, v4;
	v13 =	vld [tilespmem:s23+$0x18E80]  }
0x445: {  	v2 =	vadd.f32 v58, v38;
	v8 =	vld [tilespmem:s23+$0xEEC0];
	v6 =	vadd.f32 v11, v6  }
0x446: {  	v11 =	vld [tilespmem:s23+$0x18EC0];
	v7 =	vadd.f32 v10, v7;
	v3 =	vadd.f32 v54, v3  }
0x447: {  	v10 =	vld [tilespmem:s23+$0xEF00];
	v4 =	vadd.f32 v55, v4;
	v6 =	vadd.f32 v12, v6  }
0x448: {  	v7 =	vadd.f32 v9, v7;
	v3 =	vadd.f32 v42, v3;
	v12 =	vld [tilespmem:s23+$0x18F00]  }
0x449: {  	v9 =	vld [tilespmem:s23+$0xEF40];
	v4 =	vadd.f32 v43, v4;
	v6 =	vadd.f32 v13, v6  }
0x44a: {  	v7 =	vadd.f32 v8, v7;
	v3 =	vadd.f32 v52, v3;
	v13 =	vld [tilespmem:s23+$0x18F40]  }
0x44b: {  	v8 =	vld [tilespmem:s23+$0xEF80];
	v4 =	vadd.f32 v53, v4;
	v6 =	vadd.f32 v11, v6  }
0x44c: {  	v7 =	vadd.f32 v10, v7;
	v3 =	vadd.f32 v48, v3;
	v11 =	vld [tilespmem:s23+$0x18F80]  }
0x44d: {  	v10 =	vld [tilespmem:s23+$0xEFC0];
	v4 =	vadd.f32 v49, v4;
	v6 =	vadd.f32 v12, v6  }
0x44e: {  	v7 =	vadd.f32 v9, v7;
	v3 =	vadd.f32 v35, v3;
	v12 =	vld [tilespmem:s23+$0x18FC0]  }
0x44f: {  	v9 =	vld [tilespmem:s23+$0xF000];
	v4 =	vadd.f32 v37, v4;
	v6 =	vadd.f32 v13, v6  }
0x450: {  	v7 =	vadd.f32 v8, v7;
	v3 =	vadd.f32 v31, v3;
	v13 =	vld [tilespmem:s23+$0x19000]  }
0x451: {  	v4 =	vadd.f32 v34, v4;
	v6 =	vadd.f32 v11, v6  }
0x452: {  	v7 =	vadd.f32 v10, v7;
	v3 =	vadd.f32 v28, v3  }
0x453: {  	v4 =	vadd.f32 v29, v4;
	v6 =	vadd.f32 v12, v6  }
0x454: {  	v7 =	vadd.f32 v9, v7;
	v3 =	vadd.f32 v26, v3  }
0x455: {  	v4 =	vadd.f32 v27, v4;
	v6 =	vadd.f32 v13, v6  }
0x456: {  	v0 =	vmul.f32 v1, v0;
	v1 =	vmul.f32 v5, v2  }
0x457: {  	v2 =	vmul.f32 v4, v3;
	v3 =	vmul.f32 v6, v7;
	_ =	sdelay $0x1  }
0x458: {  	v0 =	vadd.f32 v1, v0;
	v1 =	vadd.f32 v3, v2;
	_ =	sdelay $0x1  }
0x459: {  	v0 =	vadd.f32 v1, v0  }
0x45a: {  	s22 =	sadd.s32 $0x10, s22  }
0x45b: {  	s23 =	sshra.s32 s24, $0x2;
	[tilespmem:s22+$0x0] =	vst v0  }
0x45c: {  	v0 =	vld [tilespmem:s23+$0x18FD0];
	_ =	sdelay $0x4  }
0x45d: {  	[tilespmem:$0x1F630] =	vst v0;
	v0 =	vld [tilespmem:s23+$0x18FF0];
	_ =	sdelay $0x4  }
0x45e: {  	[tilespmem:$0x1F650] =	vst v0;
	v0 =	vld [tilespmem:s23+$0xEFE0];
	_ =	sdelay $0x4  }
0x45f: {  	[tilespmem:$0x1F620] =	vst v0;
	v0 =	vld [tilespmem:s23+$0xEFB0];
	_ =	sdelay $0x4  }
0x460: {  	[tilespmem:$0x1F660] =	vst v0;
	v0 =	vld [tilespmem:s23+$0x18FA0];
	_ =	sdelay $0x4  }
0x461: {  	[tilespmem:$0x1F640] =	vst v0;
	v0 =	vld [tilespmem:s23+$0xEF50];
	_ =	sdelay $0x4  }
0x462: {  	[tilespmem:$0x1F730] =	vst v0;
	v0 =	vld [tilespmem:s23+$0x18F50];
	_ =	sdelay $0x4  }
0x463: {  	[tilespmem:$0x1F740] =	vst v0;
	v0 =	vld [tilespmem:s23+$0xEF70];
	_ =	sdelay $0x3  }
0x464: {  	v7 =	vld [tilespmem:s23+$0xEFD0]  }
0x465: {  	[tilespmem:$0x1F750] =	vst v0;
	v0 =	vld [tilespmem:s23+$0x18F70]  }
0x466: {  	v38 =	vld [tilespmem:s23+$0xEFF0]  }
0x467: {  	v60 =	vld [tilespmem:s23+$0x18FE0]  }
0x468: {  	v36 =	vld [tilespmem:s23+$0xEF90]  }
0x469: {  	v6 =	vld [tilespmem:s23+$0x18F90]  }
0x46a: {  	[tilespmem:$0x1F760] =	vst v0;
	v0 =	vld [tilespmem:s23+$0xEF10]  }
0x46b: {  	v5 =	vld [tilespmem:s23+$0x18FB0]  }
0x46c: {  	v61 =	vld [tilespmem:s23+$0xEFA0]  }
0x46d: {  	v58 =	vld [tilespmem:s23+$0xEF60]  }
0x46e: {  	v59 =	vld [tilespmem:s23+$0x18F60]  }
0x46f: {  	[tilespmem:$0x1F6F0] =	vst v0;
	v0 =	vld [tilespmem:s23+$0x18F10]  }
0x470: {  	v35 =	vld [tilespmem:s23+$0xEF20]  }
0x471: {  	v37 =	vld [tilespmem:s23+$0x18F20]  }
0x472: {  	v39 =	vld [tilespmem:s23+$0xEEE0]  }
0x473: {  	v40 =	vld [tilespmem:s23+$0x18EE0]  }
0x474: {  	[tilespmem:$0x1F700] =	vst v0;
	v0 =	vld [tilespmem:s23+$0xEF30]  }
0x475: {  	v41 =	vld [tilespmem:s23+$0xEEA0]  }
0x476: {  	v2 =	vld [tilespmem:s23+$0x18EA0]  }
0x477: {  	v63 =	vld [tilespmem:s23+$0xEE50]  }
0x478: {  	v47 =	vld [tilespmem:s23+$0x18E50]  }
0x479: {  	[tilespmem:$0x1F710] =	vst v0;
	v0 =	vld [tilespmem:s23+$0x18F30]  }
0x47a: {  	v62 =	vld [tilespmem:s23+$0xEE70]  }
0x47b: {  	v46 =	vld [tilespmem:s23+$0x18E70]  }
0x47c: {  	v42 =	vld [tilespmem:s23+$0xEE60]  }
0x47d: {  	v43 =	vld [tilespmem:s23+$0x18E60]  }
0x47e: {  	[tilespmem:$0x1F720] =	vst v0;
	v0 =	vld [tilespmem:s23+$0xEED0]  }
0x47f: {  	v10 =	vld [tilespmem:s23+$0xEE10]  }
0x480: {  	v12 =	vld [tilespmem:s23+$0x18E10]  }
0x481: {  	v11 =	vld [tilespmem:s23+$0xEE30]  }
0x482: {  	v13 =	vld [tilespmem:s23+$0x18E30]  }
0x483: {  	[tilespmem:$0x1F6B0] =	vst v0;
	v0 =	vld [tilespmem:s23+$0x18ED0]  }
0x484: {  	v1 =	vld [tilespmem:s23+$0x18E20]  }
0x485: {  	v14 =	vld [tilespmem:s23+$0xEDD0]  }
0x486: {  	v16 =	vld [tilespmem:s23+$0x18DD0]  }
0x487: {  	v17 =	vld [tilespmem:s23+$0x18DF0]  }
0x488: {  	[tilespmem:$0x1F6C0] =	vst v0;
	v0 =	vld [tilespmem:s23+$0xEEF0]  }
0x489: {  	v3 =	vld [tilespmem:s23+$0xEDE0]  }
0x48a: {  	v8 =	vld [tilespmem:s23+$0xED90]  }
0x48b: {  	v18 =	vld [tilespmem:s23+$0x18D90]  }
0x48c: {  	v19 =	vld [tilespmem:s23+$0x18DB0]  }
0x48d: {  	[tilespmem:$0x1F6D0] =	vst v0;
	v0 =	vld [tilespmem:s23+$0x18EF0]  }
0x48e: {  	v22 =	vld [tilespmem:s23+$0xEC50]  }
0x48f: {  	v24 =	vld [tilespmem:s23+$0xEC10]  }
0x490: {  	v25 =	vld [tilespmem:s23+$0x18C10]  }
0x491: {  	v26 =	vld [tilespmem:s23+$0xEBD0]  }
0x492: {  	[tilespmem:$0x1F6E0] =	vst v0;
	v0 =	vld [tilespmem:s23+$0xEE90]  }
0x493: {  	v27 =	vld [tilespmem:s23+$0x18BD0]  }
0x494: {  	v28 =	vld [tilespmem:s23+$0xEB90]  }
0x495: {  	v48 =	vld [tilespmem:s23+$0x18B90]  }
0x496: {  	v49 =	vld [tilespmem:s23+$0xEB50]  }
0x497: {  	[tilespmem:$0x1F670] =	vst v0;
	v0 =	vld [tilespmem:s23+$0x18E90]  }
0x498: {  	v29 =	vld [tilespmem:s23+$0xEB10]  }
0x499: {  	v30 =	vld [tilespmem:s23+$0x18B10]  }
0x49a: {  	v31 =	vld [tilespmem:s23+$0x18B50]  }
0x49b: {  	v32 =	vld [tilespmem:s23+$0xEB30]  }
0x49c: {  	[tilespmem:$0x1F680] =	vst v0;
	v0 =	vld [tilespmem:s23+$0xEEB0]  }
0x49d: {  	v52 =	vld [tilespmem:s23+$0xEB70]  }
0x49e: {  	v53 =	vld [tilespmem:s23+$0x18B30]  }
0x49f: {  	v54 =	vld [tilespmem:s23+$0x18B70]  }
0x4a0: {  	v55 =	vld [tilespmem:s23+$0xEBB0]  }
0x4a1: {  	[tilespmem:$0x1F690] =	vst v0;
	v0 =	vld [tilespmem:s23+$0x18EB0]  }
0x4a2: {  	v33 =	vld [tilespmem:s23+$0x18BB0]  }
0x4a3: {  	v34 =	vld [tilespmem:s23+$0xEBF0]  }
0x4a4: {  	[tilespmem:$0x1F900] =	vst v3;
	v3 =	vld [tilespmem:s23+$0x18DE0]  }
0x4a5: {  	v29 =	vadd.f32 v49, v29;
	v30 =	vadd.f32 v31, v30;
	v31 =	vld [tilespmem:s23+$0x18BF0]  }
0x4a6: {  	v32 =	vadd.f32 v52, v32;
	[tilespmem:$0x1F6A0] =	vst v0;
	v0 =	vld [tilespmem:s23+$0xEE20]  }
0x4a7: {  	v49 =	vadd.f32 v54, v53;
	v52 =	vld [tilespmem:s23+$0xEC30];
	v28 =	vadd.f32 v28, v29  }
0x4a8: {  	v29 =	vadd.f32 v48, v30;
	v30 =	vld [tilespmem:s23+$0x18C30];
	v32 =	vadd.f32 v55, v32  }
0x4a9: {  	v33 =	vadd.f32 v33, v49;
	v26 =	vadd.f32 v26, v28;
	v28 =	vld [tilespmem:s23+$0x18C70]  }
0x4aa: {  	v27 =	vadd.f32 v27, v29;
	[tilespmem:$0x1F910] =	vst v3;
	v3 =	vld [tilespmem:s23+$0xEDA0]  }
0x4ab: {  	v21 =	vld [tilespmem:s23+$0x18D70];
	v29 =	vadd.f32 v34, v32;
	v54 =	vmov v0;
	v0 =	vadd.f32 v31, v33  }
0x4ac: {  	v24 =	vadd.f32 v24, v26;
	v25 =	vadd.f32 v25, v27;
	v26 =	vld [tilespmem:s23+$0x18CB0]  }
0x4ad: {  	v44 =	vld [tilespmem:s23+$0xEC90];
	v27 =	vadd.f32 v52, v29;
	v29 =	vadd.f32 v30, v0  }
0x4ae: {  	v22 =	vadd.f32 v22, v24;
	v24 =	vld [tilespmem:s23+$0x18CF0]  }
0x4af: {  	[tilespmem:$0x1F920] =	vst v3;
	v3 =	vld [tilespmem:s23+$0x18DA0];
	v0 =	vadd.f32 v28, v29  }
0x4b0: {  	v29 =	vld [tilespmem:s23+$0x18D30]  }
0x4b1: {  	v45 =	vld [tilespmem:s23+$0xECD0];
	v26 =	vadd.f32 v26, v0  }
0x4b2: {  	v23 =	vld [tilespmem:s23+$0x18C50]  }
0x4b3: {  	v51 =	vld [tilespmem:s23+$0xED10];
	v24 =	vadd.f32 v24, v26  }
0x4b4: {  	v57 =	vld [tilespmem:s23+$0x18C90];
	v22 =	vadd.f32 v44, v22  }
0x4b5: {  	[tilespmem:$0x1F930] =	vst v3;
	v3 =	vld [tilespmem:s23+$0xED50];
	v24 =	vadd.f32 v29, v24  }
0x4b6: {  	v50 =	vld [tilespmem:s23+$0x18CD0];
	v22 =	vadd.f32 v45, v22  }
0x4b7: {  	v48 =	vld [tilespmem:s23+$0xEC70];
	v23 =	vadd.f32 v23, v25;
	v21 =	vadd.f32 v21, v24  }
0x4b8: {  	v56 =	vld [tilespmem:s23+$0x18D10];
	v22 =	vadd.f32 v51, v22  }
0x4b9: {  	v32 =	vld [tilespmem:s23+$0xECB0];
	v23 =	vadd.f32 v57, v23;
	v19 =	vadd.f32 v19, v21  }
0x4ba: {  	v4 =	vld [tilespmem:s23+$0x18D50];
	v22 =	vadd.f32 v3, v22  }
0x4bb: {  	v23 =	vadd.f32 v50, v23;
	v30 =	vld [tilespmem:s23+$0xECF0];
	v17 =	vadd.f32 v17, v19  }
0x4bc: {  	v53 =	vmov v2;
	v25 =	vadd.f32 v48, v27;
	v22 =	vadd.f32 v8, v22;
	v2 =	vld [tilespmem:$0x1F6A0]  }
0x4bd: {  	v23 =	vadd.f32 v56, v23;
	v28 =	vld [tilespmem:s23+$0xED30];
	v13 =	vadd.f32 v13, v17  }
0x4be: {  	v20 =	vld [tilespmem:s23+$0xED70];
	v25 =	vadd.f32 v32, v25;
	v31 =	vmovc v58;
	v58 =	vmov v38;
	v38 =	vadd.f32 v14, v22  }
0x4bf: {  	v55 =	vmovc v1;
	v34 =	vmovc v59;
	v59 =	vmov v7;
	v23 =	vadd.f32 v4, v23;
	v1 =	vld [tilespmem:$0x1F670];
	v7 =	vadd.f32 v46, v13  }
0x4c0: {  	v9 =	vld [tilespmem:s23+$0xEDB0];
	v25 =	vadd.f32 v30, v25;
	v19 =	vadd.f32 v10, v38  }
0x4c1: {  	v18 =	vadd.f32 v18, v23;
	v2 =	vadd.f32 v2, v7;
	v7 =	vld [tilespmem:$0x1F6B0]  }
0x4c2: {  	v15 =	vld [tilespmem:s23+$0xEDF0];
	v49 =	vmovc v40;
	v40 =	vmov v5;
	v25 =	vadd.f32 v28, v25;
	v5 =	vadd.f32 v63, v19  }
0x4c3: {  	v52 =	vmov v41;
	v41 =	vmov v6;
	v6 =	vld [tilespmem:s23+$0x18BA0];
	v16 =	vadd.f32 v16, v18  }
0x4c4: {  	v20 =	vadd.f32 v20, v25;
	v5 =	vadd.f32 v1, v5;
	v1 =	vld [tilespmem:$0x1F680]  }
0x4c5: {  	v44 =	vld [tilespmem:s23+$0xED60];
	v12 =	vadd.f32 v12, v16  }
0x4c6: {  	v20 =	vadd.f32 v9, v20;
	v5 =	vadd.f32 v7, v5;
	v7 =	vld [tilespmem:$0x1F6C0]  }
0x4c7: {  	v27 =	vmov v60;
	v60 =	vld [tilespmem:$0x1F650];
	v0 =	vadd.f32 v47, v12  }
0x4c8: {  	v57 =	vld [tilespmem:s23+$0x18CE0];
	v18 =	vadd.f32 v15, v20  }
0x4c9: {  	v0 =	vadd.f32 v1, v0;
	v1 =	vld [tilespmem:$0x1F690]  }
0x4ca: {  	v45 =	vld [tilespmem:s23+$0x18D60];
	v16 =	vadd.f32 v11, v18  }
0x4cb: {  	v0 =	vadd.f32 v7, v0;
	v7 =	vld [tilespmem:$0x1F6D0]  }
0x4cc: {  	v50 =	vld [tilespmem:s23+$0xED20];
	v16 =	vadd.f32 v62, v16  }
0x4cd: {  	v19 =	vld [tilespmem:$0x1F710]  }
0x4ce: {  	v51 =	vld [tilespmem:s23+$0x18D20];
	v1 =	vadd.f32 v1, v16  }
0x4cf: {  	v56 =	vld [tilespmem:s23+$0xECE0]  }
0x4d0: {  	v1 =	vadd.f32 v7, v1;
	v7 =	vld [tilespmem:$0x1F6E0]  }
0x4d1: {  	v4 =	vld [tilespmem:s23+$0x18CA0]  }
0x4d2: {  	v1 =	vadd.f32 v19, v1;
	v19 =	vld [tilespmem:$0x1F720]  }
0x4d3: {  	v3 =	vld [tilespmem:s23+$0xECA0]  }
0x4d4: {  	v8 =	vld [tilespmem:s23+$0xEC60]  }
0x4d5: {  	v2 =	vadd.f32 v7, v2;
	v7 =	vld [tilespmem:$0x1F6F0]  }
0x4d6: {  	v14 =	vld [tilespmem:s23+$0xEC20]  }
0x4d7: {  	v20 =	vadd.f32 v19, v2;
	v2 =	vld [tilespmem:$0x1F730]  }
0x4d8: {  	v12 =	vld [tilespmem:s23+$0xEBA0]  }
0x4d9: {  	v26 =	vld [tilespmem:$0x1F620]  }
0x4da: {  	v5 =	vadd.f32 v7, v5;
	v7 =	vld [tilespmem:$0x1F700]  }
0x4db: {  	v28 =	vmov v61;
	v61 =	vld [tilespmem:$0x1F630]  }
0x4dc: {  	v2 =	vadd.f32 v2, v5;
	v5 =	vld [tilespmem:$0x1F740]  }
0x4dd: {  	v29 =	vld [tilespmem:$0x1F640]  }
0x4de: {  	v9 =	vld [tilespmem:s23+$0x18C60]  }
0x4df: {  	v15 =	vld [tilespmem:s23+$0x18C20];
	v0 =	vadd.f32 v7, v0  }
0x4e0: {  	v10 =	vld [tilespmem:s23+$0xEBE0]  }
0x4e1: {  	v5 =	vadd.f32 v5, v0;
	v0 =	vld [tilespmem:$0x1F750]  }
0x4e2: {  	v38 =	vld [tilespmem:$0x1F660]  }
0x4e3: {  	v11 =	vld [tilespmem:s23+$0x18BE0]  }
0x4e4: {  	v18 =	vld [tilespmem:s23+$0xEB20]  }
0x4e5: {  	v17 =	vld [tilespmem:s23+$0x18B60]  }
0x4e6: {  	p0 =	sne.s32 s24, $0x13FC0;
	v0 =	vadd.f32 v0, v1;
	v1 =	vld [tilespmem:$0x1F760]  }
.Ltmp1:
0x4e7: {  	v13 =	vld [tilespmem:s23+$0x18B20];
	(pc) =	sbr.rel @p0 .LBB2_5-.Ltmp1, $4  }
0x4e8: {  	v46 =	vld [tilespmem:s23+$0x18B40]  }
0x4e9: {  	v16 =	vld [tilespmem:s23+$0xEB60]  }
0x4ea: {  	v19 =	vld [tilespmem:s23+$0xEB80]  }
0x4eb: {  	s24 =	sadd.s32 $0x1400, s24;
	v48 =	vmov v39;
	v39 =	vmov v36;
	v7 =	vld [tilespmem:s23+$0xEB40];
	v1 =	vadd.f32 v1, v20  }
0x4ec: {  	v20 =	vld [tilespmem:s23+$0x18B80]  }
0x4ed: {  	v21 =	vld [tilespmem:s23+$0xEBC0]  }
0x4ee: {  	v22 =	vld [tilespmem:s23+$0x18BC0]  }
0x4ef: {  	v23 =	vld [tilespmem:s23+$0xEC00]  }
0x4f0: {  	v2 =	vadd.f32 v39, v2;
	v5 =	vadd.f32 v41, v5;
	v62 =	vld [tilespmem:s23+$0x18C00]  }
0x4f1: {  	v0 =	vadd.f32 v38, v0;
	v13 =	vadd.f32 v17, v13;
	v24 =	vld [tilespmem:s23+$0xEC40]  }
0x4f2: {  	v25 =	vld [tilespmem:s23+$0x18C40];
	v1 =	vadd.f32 v40, v1;
	v2 =	vadd.f32 v59, v2  }
0x4f3: {  	v32 =	vld [tilespmem:s23+$0xEC80];
	v5 =	vadd.f32 v61, v5;
	v0 =	vadd.f32 v58, v0  }
0x4f4: {  	v33 =	vld [tilespmem:s23+$0x18C80];
	v16 =	vadd.f32 v16, v18;
	v6 =	vadd.f32 v6, v13  }
0x4f5: {  	v38 =	vld [tilespmem:s23+$0xECC0];
	v7 =	vadd.f32 v19, v7;
	v63 =	vadd.f32 v20, v46  }
0x4f6: {  	v39 =	vld [tilespmem:s23+$0x18CC0];
	v1 =	vadd.f32 v60, v1;
	v12 =	vadd.f32 v12, v16  }
0x4f7: {  	v41 =	vld [tilespmem:s23+$0x18D00];
	v7 =	vadd.f32 v21, v7;
	v30 =	vadd.f32 v22, v63  }
0x4f8: {  	v47 =	vld [tilespmem:s23+$0xED40];
	v6 =	vadd.f32 v11, v6;
	v10 =	vadd.f32 v10, v12  }
0x4f9: {  	v17 =	vld [tilespmem:s23+$0x18E00];
	v7 =	vadd.f32 v23, v7;
	v36 =	vadd.f32 v62, v30  }
0x4fa: {  	v40 =	vld [tilespmem:s23+$0xED00];
	v6 =	vadd.f32 v15, v6;
	v10 =	vadd.f32 v14, v10  }
0x4fb: {  	v58 =	vld [tilespmem:s23+$0x18D40];
	v7 =	vadd.f32 v24, v7;
	v12 =	vadd.f32 v25, v36  }
0x4fc: {  	v61 =	vld [tilespmem:s23+$0x18D80];
	v6 =	vadd.f32 v9, v6;
	v8 =	vadd.f32 v8, v10  }
0x4fd: {  	v60 =	vld [tilespmem:s23+$0xED80];
	v7 =	vadd.f32 v32, v7;
	v46 =	vadd.f32 v33, v12  }
0x4fe: {  	v19 =	vld [tilespmem:$0x1F920];
	v4 =	vadd.f32 v4, v6;
	v3 =	vadd.f32 v3, v8  }
0x4ff: {  	v20 =	vld [tilespmem:$0x1F930];
	v7 =	vadd.f32 v38, v7;
	v59 =	vadd.f32 v39, v46  }
0x500: {  	v63 =	vld [tilespmem:s23+$0x18DC0];
	v4 =	vadd.f32 v57, v4;
	v3 =	vadd.f32 v56, v3  }
0x501: {  	v23 =	vld [tilespmem:$0x1F900];
	v7 =	vadd.f32 v40, v7;
	v8 =	vadd.f32 v41, v59  }
0x502: {  	v62 =	vld [tilespmem:s23+$0xEDC0];
	v4 =	vadd.f32 v51, v4;
	v3 =	vadd.f32 v50, v3  }
0x503: {  	v24 =	vld [tilespmem:$0x1F910];
	v7 =	vadd.f32 v47, v7;
	v6 =	vadd.f32 v58, v8  }
0x504: {  	v16 =	vld [tilespmem:s23+$0xEE00];
	v4 =	vadd.f32 v45, v4;
	v3 =	vadd.f32 v44, v3  }
0x505: {  	v18 =	vld [tilespmem:s23+$0xEE40];
	v7 =	vadd.f32 v60, v7;
	v6 =	vadd.f32 v61, v6  }
0x506: {  	v21 =	vld [tilespmem:s23+$0x18E40];
	v4 =	vadd.f32 v20, v4;
	v3 =	vadd.f32 v19, v3  }
0x507: {  	v22 =	vld [tilespmem:s23+$0xEE80];
	v7 =	vadd.f32 v62, v7;
	v6 =	vadd.f32 v63, v6  }
0x508: {  	v25 =	vld [tilespmem:s23+$0x18E80];
	v4 =	vadd.f32 v24, v4;
	v3 =	vadd.f32 v23, v3  }
0x509: {  	v30 =	vld [tilespmem:s23+$0xEEC0];
	v7 =	vadd.f32 v16, v7;
	v6 =	vadd.f32 v17, v6  }
0x50a: {  	v32 =	vld [tilespmem:s23+$0x18EC0];
	v4 =	vadd.f32 v55, v4;
	v3 =	vadd.f32 v54, v3  }
0x50b: {  	v36 =	vld [tilespmem:s23+$0x18F00];
	v7 =	vadd.f32 v18, v7;
	v6 =	vadd.f32 v21, v6  }
0x50c: {  	v33 =	vld [tilespmem:s23+$0xEF00];
	v4 =	vadd.f32 v43, v4;
	v3 =	vadd.f32 v42, v3  }
0x50d: {  	v38 =	vld [tilespmem:s23+$0xEF40];
	v7 =	vadd.f32 v22, v7;
	v6 =	vadd.f32 v25, v6  }
0x50e: {  	v39 =	vld [tilespmem:s23+$0x18F40];
	v4 =	vadd.f32 v53, v4;
	v3 =	vadd.f32 v52, v3  }
0x50f: {  	v40 =	vld [tilespmem:s23+$0xEF80];
	v7 =	vadd.f32 v30, v7;
	v6 =	vadd.f32 v32, v6  }
0x510: {  	v41 =	vld [tilespmem:s23+$0x18F80];
	v4 =	vadd.f32 v49, v4;
	v3 =	vadd.f32 v48, v3  }
0x511: {  	v43 =	vld [tilespmem:s23+$0x18FC0];
	v7 =	vadd.f32 v33, v7;
	v6 =	vadd.f32 v36, v6  }
0x512: {  	v42 =	vld [tilespmem:s23+$0xEFC0];
	v4 =	vadd.f32 v37, v4;
	v3 =	vadd.f32 v35, v3  }
0x513: {  	v45 =	vld [tilespmem:s23+$0x19000];
	v7 =	vadd.f32 v38, v7;
	v6 =	vadd.f32 v39, v6  }
0x514: {  	v44 =	vld [tilespmem:s23+$0xF000];
	v4 =	vadd.f32 v34, v4;
	v3 =	vadd.f32 v31, v3  }
0x515: {  	v7 =	vadd.f32 v40, v7;
	v6 =	vadd.f32 v41, v6  }
0x516: {  	v4 =	vadd.f32 v29, v4;
	v3 =	vadd.f32 v28, v3  }
0x517: {  	v7 =	vadd.f32 v42, v7;
	v6 =	vadd.f32 v43, v6  }
0x518: {  	v4 =	vadd.f32 v27, v4;
	v3 =	vadd.f32 v26, v3  }
0x519: {  	v7 =	vadd.f32 v44, v7;
	v6 =	vadd.f32 v45, v6  }
0x51a: {  	v2 =	vmul.f32 v5, v2;
	v0 =	vmul.f32 v1, v0;
	v48 =	vld [tilespmem:$0x1FFE0]  }
0x51b: {  	v49 =	vld [tilespmem:$0x1FF00];
	v46 =	vmul.f32 v4, v3;
	v47 =	vmul.f32 v6, v7;
	_ =	sdelay $0x1  }
0x51c: {  	v0 =	vadd.f32 v0, v2;
	v50 =	vld [tilespmem:$0x1FF10];
	v1 =	vadd.f32 v47, v46;
	_ =	sdelay $0x1  }
0x51d: {  	v51 =	vld [tilespmem:$0x1FF20];
	v0 =	vadd.f32 v1, v0  }
0x51e: {  	s22 =	sadd.s32 $0x10, s22;
	v53 =	vld [tilespmem:$0x1FF40]  }
0x51f: {  	v52 =	vld [tilespmem:$0x1FF30];
	[tilespmem:s22+$0x0] =	vst v0  }
0x520: {  	v0 =	vld.idx.msk [tilespmem:v48+s16+$0x0], $0xffff  }
0x521: {  	v1 =	vld.idx.msk [tilespmem:v49+s16+$0x0], $0xffff  }
0x522: {  	v54 =	vld [tilespmem:$0x1FF50]  }
0x523: {  	v2 =	vld.idx.msk [tilespmem:v50+s16+$0x0], $0xffff  }
0x524: {  	v55 =	vld [tilespmem:$0x1FF60]  }
0x525: {  	v3 =	vld.idx.msk [tilespmem:v51+s16+$0x0], $0xffff  }
0x526: {  	v56 =	vld [tilespmem:$0x1FF70];
	v0 =	vadd.f32 v1, v0  }
0x527: {  	v1 =	vld.idx.msk [tilespmem:v52+s16+$0x0], $0xffff  }
0x528: {  	v57 =	vld [tilespmem:$0x1FF80];
	v0 =	vadd.f32 v2, v0  }
0x529: {  	v2 =	vld.idx.msk [tilespmem:v53+s16+$0x0], $0xffff  }
0x52a: {  	v58 =	vld [tilespmem:$0x1FF90];
	v0 =	vadd.f32 v3, v0  }
0x52b: {  	v3 =	vld.idx.msk [tilespmem:v54+s16+$0x0], $0xffff  }
0x52c: {  	v59 =	vld [tilespmem:$0x1FFA0];
	v0 =	vadd.f32 v1, v0  }
0x52d: {  	v1 =	vld.idx.msk [tilespmem:v55+s16+$0x0], $0xffff  }
0x52e: {  	v60 =	vld [tilespmem:$0x1FFB0];
	v0 =	vadd.f32 v2, v0  }
0x52f: {  	v2 =	vld.idx.msk [tilespmem:v56+s16+$0x0], $0xffff  }
0x530: {  	v61 =	vld [tilespmem:$0x1FFC0];
	v0 =	vadd.f32 v3, v0  }
0x531: {  	v3 =	vld.idx.msk [tilespmem:v57+s16+$0x0], $0xffff  }
0x532: {  	v62 =	vld [tilespmem:$0x1FFD0];
	v0 =	vadd.f32 v1, v0  }
0x533: {  	v1 =	vld.idx.msk [tilespmem:v58+s16+$0x0], $0xffff  }
0x534: {  	v63 =	vld [tilespmem:$0x1FFF0];
	v0 =	vadd.f32 v2, v0  }
0x535: {  	v2 =	vld.idx.msk [tilespmem:v59+s16+$0x0], $0xffff  }
0x536: {  	v0 =	vadd.f32 v3, v0  }
0x537: {  	v3 =	vld.idx.msk [tilespmem:v60+s16+$0x0], $0xffff  }
0x538: {  	v0 =	vadd.f32 v1, v0  }
0x539: {  	v1 =	vld.idx.msk [tilespmem:v61+s16+$0x0], $0xffff  }
0x53a: {  	v0 =	vadd.f32 v2, v0  }
0x53b: {  	v2 =	vld.idx.msk [tilespmem:v62+s16+$0x0], $0xffff  }
0x53c: {  	v0 =	vadd.f32 v3, v0  }
0x53d: {  	v3 =	vld.idx.msk [tilespmem:v63+s16+$0x0], $0xffff  }
0x53e: {  	v0 =	vadd.f32 v1, v0;
	_ =	sdelay $0x1  }
0x53f: {  	v0 =	vadd.f32 v2, v0;
	_ =	sdelay $0x1  }
0x540: {  	v0 =	vadd.f32 v3, v0;
	_ =	sdelay $0x1  }
0x541: {  	v0 =	vsub.f32 $0.0e+00, v0;
	_ =	sdelay $0x1  }
0x542: {  	v0 =	vmul.f32 $1.442695020e+00, v0;
	_ =	sdelay $0x1  }
0x543: {  	(erf) = vpow2.f32 v0;
	_ =	sdelay $0x8  }
0x544: {  	v0 =	vpop (erf)  }
0x545: {  	v0 =	vadd.f32 $1.000000000e+00, v0;
	_ =	sdelay $0x1  }
0x546: {  	(erf) = vrcp.f32 v0;
	_ =	sdelay $0x3  }
0x547: {  	s20 =	sadd.s32 $0x1, s20  }
0x548: {  	p0 =	sne.s32 s20, $0x10  }
.Ltmp2:
0x549: {  	_ = 	snop;
	(pc) =	sbr.rel @p0 .LBB2_2-.Ltmp2, $4  }
0x54a: {  	_ = 	snop  }
0x54b: {  	s21 =	sshll.u32 s21, $0x4  }
0x54c: {  	s21 =	sand.u32 $0x3FFFFFF0, s21;
	v0 =	vpop (erf)  }
0x54d: {  	[tilespmem:s21+$0x1E100] =	vst v0  }
0x54e: {  	s19 =	sadd.s32 $0x1, s19  }
0x54f: {  	p0 =	sne.s32 s19, s7  }
.Ltmp3:
0x550: {  	_ = 	snop;
	(pc) =	sbr.rel @p0 .LBB2_1-.Ltmp3, $4  }
0x551: {  	[hbm4b:s6+s2] =	stream.linear.scatter [tilespmem:s18], [sflag:$0x3], $0x200, $0x38;
	[tilespmem:$0x1E300] =	vst v63  }
0x552: {  	_ =	swait.ge [sflag:s8], $0x200  }
0x553: {  	[sflag:s8] =	ssyncset.done $0x0  }
0x554: {  	[sflag:s8] =	ssyncadd.s32 $0xFFFFFE00  }
0x555: {  	_ =	sfence.sel $0x180000  }
0x556: {  	[bflag:$0x0] =	sbarrier.arrive $0xFFFF  }
0x557: {  	p0 =	sne.s32 s0, $0x0;
	_ =	strace $0x90000047  }
0x558: {  	s0 =	sadd.s32 @!p0 $0x100000, s1;
	[bflag:$0x2] =	sbarrier.arrive $0xFFFF  }
0x559: {  	[sflag:s0] =	ssyncadd.tile.s32 @!p0 $0x1;
	_ =	shalt  }
.Lfunc_end2:
_tile_overlayer_lowered:
.L_overlay_start_2:
0x55a: {  	(tag) =	ssettag $0x2  }
0x55b: {  	s0 =	rddreg [dreg:$0x0];
	s2 =	stileid.u32  }
0x55c: {  	s1 =	rddreg [dreg:$0x1];
	p0 =	sne.s32 s2, $0x0  }
0x55d: {  	s3 =	rddreg [dreg:$0x2];
	[bflag:$0x3] =	sbarrier.arrive $0xFFFF;
	s2 =	simm.s32 @!p0 $0x1C03  }
0x55e: {  	[timem:s3], [sflag:s2] =	dma.local @!p0 [hbm:s0], s1  }
0x55f: {  	s0 =	simm.s32 @!p0 $0x3  }
0x560: {  	_ =	swait.ge @!p0 [sflag:s0], s1  }
0x561: {  	s1 =	ssub.s32 @!p0 $0x0, s1;
	[sflag:s0] =	ssyncset.done @!p0 $0x0  }
0x562: {  	[sflag:s0] =	ssyncadd.s32 @!p0 s1  }
0x563: {  	[bflag:$0x3] =	sbarrier.arrive $0xFFFF  }
0x564: {  	_ =	shalt  }

</sc_bundles>
